<compile_context>
chip_gen: v7x
topology: tpu7x:2x2x1
jax: 0.10.2.dev20260603
libtpu: 0.0.44.dev20260713+nightly
codegen_flags: <defaults>
</compile_context>

<pallas_src>
import jax
import jax.numpy as jnp
from jax import lax
from jax.experimental import pallas as pl
from jax.experimental.pallas import tpu as pltpu
from jax.experimental.pallas import tpu_sc as plsc

_B = 8
_N = 5000
_LANES = 16
_HALF = 2560
_STRIDE = 2440
_SBUF = 2688
_CHUNKS = 160
_NUM_DET = 3
_UNROLL = 4


def _splat(x):
    return jnp.full((_LANES,), x)


def _nms_body(arr_h, out_h,
              s_v, x1_v, y1_v, x2_v, y2_v, c_v, e_v, p_v, ob_v, o2_v,
              t_v, ti_v, slab, sem_s, sem_bc):
    s = lax.axis_index("s")
    half = jnp.where(s >= _B, 1, 0)
    b = s - _B * half
    start = half * _STRIDE
    partner = jnp.where(s >= _B, s - _B, s + _B)

    cp_s = pltpu.async_copy(arr_h.at[s, 0], s_v.at[pl.ds(0, _HALF)], sem_s)
    rest = [pltpu.async_copy(arr_h.at[s, j], dst.at[pl.ds(0, _HALF)], sem_bc)
            for j, dst in ((1, x1_v), (2, y1_v), (3, x2_v), (4, y2_v),
                           (5, c_v))]

    lanes = lax.iota(jnp.int32, _LANES)
    neg = jnp.float32(-jnp.inf)

    cp_s.wait()

    def select_pass(prev, store):
        def chunk(i, carry):
            bv, bi = carry
            base = i * _LANES
            sl = pl.ds(base, _LANES)
            idx = base + lanes
            sc = s_v[sl]
            if prev is not None:
                wx1, wy1, wx2, wy2, wcls, warea = prev
                bx1 = x1_v[sl]
                by1 = y1_v[sl]
                bx2 = x2_v[sl]
                by2 = y2_v[sl]
                cc = c_v[sl]
                ix1 = jnp.maximum(wx1, bx1)
                iy1 = jnp.maximum(wy1, by1)
                ix2 = jnp.minimum(wx2, bx2)
                iy2 = jnp.minimum(wy2, by2)
                inter = (jnp.maximum(ix2 - ix1, 0.0)
                         * jnp.maximum(iy2 - iy1, 0.0))
                area_b = (bx2 - bx1) * (by2 - by1)
                kill = ((inter > 0.5 * (warea + area_b - inter))
                        & (cc == wcls))
                sc = jnp.where(kill, neg, sc)
                if store:
                    s_v[sl] = sc
            take = sc > bv
            return jnp.where(take, sc, bv), jnp.where(take, idx, bi)

        bv0 = jnp.full((_LANES,), neg, jnp.float32)
        bi0 = jnp.zeros((_LANES,), jnp.int32)
        bv, bi = lax.fori_loop(0, _CHUNKS, chunk, (bv0, bi0),
                               unroll=_UNROLL)
        v, i = bv, bi
        for d in (8, 4, 2, 1):
            t_v[pl.ds(0, _LANES)] = v
            t_v[pl.ds(_LANES, _LANES)] = v
            ti_v[pl.ds(0, _LANES)] = i
            ti_v[pl.ds(_LANES, _LANES)] = i
            v2 = t_v[pl.ds(d, _LANES)]
            i2 = ti_v[pl.ds(d, _LANES)]
            better = (v2 > v) | ((v2 == v) & (i2 < i))
            v = jnp.where(better, v2, v)
            i = jnp.where(better, i2, i)
        return v, i

    def exchange(r, mv, mi):
        gi_v = (mi + start).astype(jnp.float32)
        mi_s = mi[0]
        sl = pl.ds(mi_s, _LANES)
        wx1 = _splat(x1_v[sl][0])
        wy1 = _splat(y1_v[sl][0])
        wx2 = _splat(x2_v[sl][0])
        wy2 = _splat(y2_v[sl][0])
        wcl = _splat(c_v[sl][0])
        wa = (wx2 - wx1) * (wy2 - wy1)
        t = mv
        t = jnp.where(lanes == 1, gi_v, t)
        t = jnp.where(lanes == 2, wx1, t)
        t = jnp.where(lanes == 3, wy1, t)
        t = jnp.where(lanes == 4, wx2, t)
        t = jnp.where(lanes == 5, wy2, t)
        t = jnp.where(lanes == 6, wcl, t)
        t = jnp.where(lanes == 7, wa, t)
        e_v[...] = t
        pltpu.sync_copy(e_v, slab.at[pl.ds((r * 16 + s) * _LANES, _LANES)])
        plsc.subcore_barrier()
        pltpu.sync_copy(slab.at[pl.ds((r * 16 + partner) * _LANES, _LANES)],
                        p_v)
        pv = p_v[...]
        pbetter = (pv[0] > mv[0]) | ((pv[0] == mv[0]) & (pv[1] < gi_v[0]))
        return jnp.where(pbetter, pv, t)

    def winner_splats(wt):
        return (_splat(wt[2]), _splat(wt[3]), _splat(wt[4]), _splat(wt[5]),
                _splat(wt[6]), _splat(wt[7]))

    mv0, mi0 = select_pass(None, False)
    wt0 = exchange(0, mv0, mi0)
    g0 = wt0[1].astype(jnp.int32)

    for cp in rest:
        cp.wait()

    mv1, mi1 = select_pass(winner_splats(wt0), True)
    wt1 = exchange(1, mv1, mi1)
    g1 = wt1[1].astype(jnp.int32)

    mv2, mi2 = select_pass(winner_splats(wt1), False)
    wt2 = exchange(2, mv2, mi2)
    g2 = wt2[1].astype(jnp.int32)

    ov = jnp.where(lanes == 0, g0,
         jnp.where(lanes == 1, g1,
         jnp.where(lanes == 2, g2, 0)))
    e_v[...] = ov.astype(jnp.float32)
    pltpu.sync_copy(e_v, slab.at[pl.ds((3 * 16 + s) * _LANES, _LANES)])
    plsc.subcore_barrier()

    @pl.when(s == 0)
    def _():
        pltpu.sync_copy(slab.at[pl.ds(3 * 16 * _LANES, _B * _LANES)], ob_v)
        r = [ob_v[pl.ds(i * _LANES, _LANES)] for i in range(_B)]
        vals = {}
        for img in range(_B):
            for k in range(_NUM_DET):
                vals[img * _NUM_DET + k] = r[img][k]
        f0 = _splat(vals[0])
        for j in range(1, 16):
            f0 = jnp.where(lanes == j, _splat(vals[j]), f0)
        f1 = _splat(vals[8])
        for j in range(1, 16):
            f1 = jnp.where(lanes == j, _splat(vals[8 + j]), f1)
        o2_v[pl.ds(0, _LANES)] = f0.astype(jnp.int32)
        o2_v[pl.ds(8, _LANES)] = f1.astype(jnp.int32)
        pltpu.sync_copy(o2_v, out_h)


def kernel(scores, boxes, classes):
    planes = jnp.stack(
        [scores,
         boxes[..., 0], boxes[..., 1], boxes[..., 2], boxes[..., 3],
         classes.astype(jnp.float32)],
        axis=1)
    arr = jnp.concatenate(
        [planes[:, :, :_HALF], planes[:, :, _STRIDE:]], axis=0)

    call = pl.kernel(
        _nms_body,
        out_type=jax.ShapeDtypeStruct((_B * _NUM_DET,), jnp.int32),
        mesh=plsc.VectorSubcoreMesh(core_axis_name="c", subcore_axis_name="s",
                                    num_cores=1),
        scratch_types=[
            pltpu.VMEM((_SBUF,), jnp.float32),
            pltpu.VMEM((_SBUF,), jnp.float32),
            pltpu.VMEM((_SBUF,), jnp.float32),
            pltpu.VMEM((_SBUF,), jnp.float32),
            pltpu.VMEM((_SBUF,), jnp.float32),
            pltpu.VMEM((_SBUF,), jnp.float32),
            pltpu.VMEM((_LANES,), jnp.float32),
            pltpu.VMEM((_LANES,), jnp.float32),
            pltpu.VMEM((_B * _LANES,), jnp.float32),
            pltpu.VMEM((_B * _NUM_DET,), jnp.int32),
            pltpu.VMEM((2 * _LANES,), jnp.float32),
            pltpu.VMEM((2 * _LANES,), jnp.int32),
            pltpu.VMEM_SHARED((4 * 16 * _LANES,), jnp.float32),
            pltpu.SemaphoreType.DMA,
            pltpu.SemaphoreType.DMA,
        ],
    )
    out = call(arr)
    return out.reshape(_B, _NUM_DET)

# --- scband reference (transcript-rebuilt; emitter-appended) ---
"""Pipeline reference for scband-nms-37924561224206 (READ-ONLY COPY).

The authoritative reference and input builder live on the scoring server;
editing this copy changes nothing except your own understanding.
"""

import jax, jax.numpy as jnp
import numpy as np

B = 8
N = 5000
NUM_DET = 3
IOU_THRESH = 0.5
NUM_CLASSES = 80


def setup_inputs(seed: int = 0) -> dict:
    key = jax.random.key(seed)
    k1, k2, k3, k4 = jax.random.split(key, 4)
    scores = jax.random.uniform(k1, (B, N), dtype=jnp.float32)
    # build valid boxes (x1,y1,x2,y2) with x2>x1, y2>y1 so IoU math is well-posed
    xy = jax.random.uniform(k2, (B, N, 2), dtype=jnp.float32) * 100.0
    wh = jax.random.uniform(k3, (B, N, 2), dtype=jnp.float32) * 10.0 + 1.0
    boxes = jnp.concatenate([xy, xy + wh], axis=-1)
    classes = jax.random.randint(k4, (B, N), 0, NUM_CLASSES, dtype=jnp.int32)
    return {"scores": scores, "boxes": boxes, "classes": classes}


def _iou_one_vs_all(box, boxes):
    x1 = jnp.maximum(box[0], boxes[:, 0])
    y1 = jnp.maximum(box[1], boxes[:, 1])
    x2 = jnp.minimum(box[2], boxes[:, 2])
    y2 = jnp.minimum(box[3], boxes[:, 3])
    inter = jnp.maximum(x2 - x1, 0.0) * jnp.maximum(y2 - y1, 0.0)
    area_a = jnp.maximum(box[2] - box[0], 0.0) * jnp.maximum(box[3] - box[1], 0.0)
    area_b = jnp.maximum(boxes[:, 2] - boxes[:, 0], 0.0) * jnp.maximum(boxes[:, 3] - boxes[:, 1], 0.0)
    return inter / jnp.maximum(area_a + area_b - inter, 1e-9)


def _nms_single(scores, boxes, classes):
    # greedy class-aware NMS, threshold=0.5, numDetections=3 (matches the
    # ai.graphcore::Nms custom-op attributes in the original module)
    valid = jnp.ones_like(scores, dtype=bool)
    selected = []
    for _ in range(NUM_DET):
        masked = jnp.where(valid, scores, -jnp.inf)
        i = jnp.argmax(masked)
        selected.append(i)
        iou = _iou_one_vs_all(boxes[i], boxes)
        suppress = (iou > IOU_THRESH) & (classes == classes[i])
        valid = valid & (~suppress)
        valid = valid.at[i].set(False)
    return jnp.stack(selected).astype(jnp.int32)


def reference(scores, boxes, classes):
    # returns int32[B, NUM_DET] indices of kept detections per image
    return jax.vmap(_nms_single)(scores, boxes, classes)

if __name__ == "__main__":
    import jax
    _d = setup_inputs()
    print(jax.jit(kernel)(*tuple(_d.values())))

</pallas_src>

<mosaic_0001>
#map = affine_map<(d0, d1) -> (0, 0, 0)>
#map1 = affine_map<(d0, d1) -> (0)>
module attributes {stable_mosaic.version = 14 : i64} {
  func.func @_nms_body(%arg0: i32, %arg1: i32, %arg2: memref<16x6x2560xf32, #tpu.memory_space<hbm>>, %arg3: memref<24xi32, #tpu.memory_space<hbm>>, %arg4: memref<2688xf32, #tpu.memory_space<vmem>>, %arg5: memref<2688xf32, #tpu.memory_space<vmem>>, %arg6: memref<2688xf32, #tpu.memory_space<vmem>>, %arg7: memref<2688xf32, #tpu.memory_space<vmem>>, %arg8: memref<2688xf32, #tpu.memory_space<vmem>>, %arg9: memref<2688xf32, #tpu.memory_space<vmem>>, %arg10: memref<16xf32, #tpu.memory_space<vmem>>, %arg11: memref<16xf32, #tpu.memory_space<vmem>>, %arg12: memref<128xf32, #tpu.memory_space<vmem>>, %arg13: memref<24xi32, #tpu.memory_space<vmem>>, %arg14: memref<32xf32, #tpu.memory_space<vmem>>, %arg15: memref<32xi32, #tpu.memory_space<vmem>>, %arg16: memref<1024xf32, #tpu.memory_space<vmem_shared>>, %arg17: memref<!tpu.dma_semaphore, #tpu.memory_space<semaphore_mem>>, %arg18: memref<!tpu.dma_semaphore, #tpu.memory_space<semaphore_mem>>) attributes {dimension_semantics = [#tpu.dimension_semantics<core_parallel>, #tpu.dimension_semantics<subcore_parallel>], iteration_bounds = array<i64: 1, 16>, scalar_prefetch = 0 : i64, scratch_operands = 15 : i64, tpu.core_type = #tpu.core_type<sc_vector_subcore>, window_params = [{transform_indices = #map}, {transform_indices = #map1}]} {
    %ge3A = arith.constant 8 : i32
    %ge3A_0 = arith.cmpi sge, %arg1, %ge3A : i32
    %jit3A = arith.constant 1 : i32
    %jit3A_1 = arith.constant 0 : i32
    %select_n3A = arith.select %ge3A_0, %jit3A, %jit3A_1 : i32
    %mul3A = arith.constant 8 : i32
    %mul3A_2 = arith.muli %mul3A, %select_n3A : i32
    %sub3A = arith.subi %arg1, %mul3A_2 : i32
    %mul3A_3 = arith.constant 2440 : i32
    %mul3A_4 = arith.muli %select_n3A, %mul3A_3 : i32
    %ge3A_5 = arith.constant 8 : i32
    %ge3A_6 = arith.cmpi sge, %arg1, %ge3A_5 : i32
    %sub3A_7 = arith.constant 8 : i32
    %sub3A_8 = arith.subi %arg1, %sub3A_7 : i32
    %add3A = arith.constant 8 : i32
    %add3A_9 = arith.addi %arg1, %add3A : i32
    %select_n3A_10 = arith.select %ge3A_6, %sub3A_8, %add3A_9 : i32
    %dma_start3A = arith.constant 0 : i32
    %dma_start3A_11 = arith.constant 0 : i32
    %dma_start3A_12 = tpu.memref_slice %arg4[%dma_start3A_11] : memref<2688xf32, #tpu.memory_space<vmem>> -> memref<2560xf32, #tpu.memory_space<vmem>>
    %dma_start3A_13 = arith.constant 0 : i32
    %dma_start3A_14 = tpu.memref_slice %arg2[%arg1, %dma_start3A, %dma_start3A_13] : memref<16x6x2560xf32, #tpu.memory_space<hbm>> -> memref<1x1x2560xf32, #tpu.memory_space<hbm>>
    %dma_start3A_15 = tpu.memref_squeeze %dma_start3A_14 : memref<1x1x2560xf32, #tpu.memory_space<hbm>> -> memref<2560xf32, #tpu.memory_space<hbm>>
    %dma_start3A_16 = arith.constant 0 : i32
    %dma_start3A_17 = tpu.memref_slice %arg4[%dma_start3A_16] : memref<2688xf32, #tpu.memory_space<vmem>> -> memref<2560xf32, #tpu.memory_space<vmem>>
    %dma_start3A_18 = arith.constant 0 : i32
    %dma_start3A_19 = tpu.memref_slice %arg2[%arg1, %dma_start3A, %dma_start3A_18] : memref<16x6x2560xf32, #tpu.memory_space<hbm>> -> memref<1x1x2560xf32, #tpu.memory_space<hbm>>
    %dma_start3A_20 = tpu.memref_squeeze %dma_start3A_19 : memref<1x1x2560xf32, #tpu.memory_space<hbm>> -> memref<2560xf32, #tpu.memory_space<hbm>>
    tpu.enqueue_dma source(%dma_start3A_20 : memref<2560xf32, #tpu.memory_space<hbm>>) target(%dma_start3A_17 : memref<2560xf32, #tpu.memory_space<vmem>>) target_semaphore(%arg17 : memref<!tpu.dma_semaphore, #tpu.memory_space<semaphore_mem>>)
    %dma_start3A_21 = arith.constant 1 : i32
    %dma_start3A_22 = arith.constant 0 : i32
    %dma_start3A_23 = tpu.memref_slice %arg5[%dma_start3A_22] : memref<2688xf32, #tpu.memory_space<vmem>> -> memref<2560xf32, #tpu.memory_space<vmem>>
    %dma_start3A_24 = arith.constant 0 : i32
    %dma_start3A_25 = tpu.memref_slice %arg2[%arg1, %dma_start3A_21, %dma_start3A_24] : memref<16x6x2560xf32, #tpu.memory_space<hbm>> -> memref<1x1x2560xf32, #tpu.memory_space<hbm>>
    %dma_start3A_26 = tpu.memref_squeeze %dma_start3A_25 : memref<1x1x2560xf32, #tpu.memory_space<hbm>> -> memref<2560xf32, #tpu.memory_space<hbm>>
    %dma_start3A_27 = arith.constant 0 : i32
    %dma_start3A_28 = tpu.memref_slice %arg5[%dma_start3A_27] : memref<2688xf32, #tpu.memory_space<vmem>> -> memref<2560xf32, #tpu.memory_space<vmem>>
    %dma_start3A_29 = arith.constant 0 : i32
    %dma_start3A_30 = tpu.memref_slice %arg2[%arg1, %dma_start3A_21, %dma_start3A_29] : memref<16x6x2560xf32, #tpu.memory_space<hbm>> -> memref<1x1x2560xf32, #tpu.memory_space<hbm>>
    %dma_start3A_31 = tpu.memref_squeeze %dma_start3A_30 : memref<1x1x2560xf32, #tpu.memory_space<hbm>> -> memref<2560xf32, #tpu.memory_space<hbm>>
    tpu.enqueue_dma source(%dma_start3A_31 : memref<2560xf32, #tpu.memory_space<hbm>>) target(%dma_start3A_28 : memref<2560xf32, #tpu.memory_space<vmem>>) target_semaphore(%arg18 : memref<!tpu.dma_semaphore, #tpu.memory_space<semaphore_mem>>)
    %dma_start3A_32 = arith.constant 2 : i32
    %dma_start3A_33 = arith.constant 0 : i32
    %dma_start3A_34 = tpu.memref_slice %arg6[%dma_start3A_33] : memref<2688xf32, #tpu.memory_space<vmem>> -> memref<2560xf32, #tpu.memory_space<vmem>>
    %dma_start3A_35 = arith.constant 0 : i32
    %dma_start3A_36 = tpu.memref_slice %arg2[%arg1, %dma_start3A_32, %dma_start3A_35] : memref<16x6x2560xf32, #tpu.memory_space<hbm>> -> memref<1x1x2560xf32, #tpu.memory_space<hbm>>
    %dma_start3A_37 = tpu.memref_squeeze %dma_start3A_36 : memref<1x1x2560xf32, #tpu.memory_space<hbm>> -> memref<2560xf32, #tpu.memory_space<hbm>>
    %dma_start3A_38 = arith.constant 0 : i32
    %dma_start3A_39 = tpu.memref_slice %arg6[%dma_start3A_38] : memref<2688xf32, #tpu.memory_space<vmem>> -> memref<2560xf32, #tpu.memory_space<vmem>>
    %dma_start3A_40 = arith.constant 0 : i32
    %dma_start3A_41 = tpu.memref_slice %arg2[%arg1, %dma_start3A_32, %dma_start3A_40] : memref<16x6x2560xf32, #tpu.memory_space<hbm>> -> memref<1x1x2560xf32, #tpu.memory_space<hbm>>
    %dma_start3A_42 = tpu.memref_squeeze %dma_start3A_41 : memref<1x1x2560xf32, #tpu.memory_space<hbm>> -> memref<2560xf32, #tpu.memory_space<hbm>>
    tpu.enqueue_dma source(%dma_start3A_42 : memref<2560xf32, #tpu.memory_space<hbm>>) target(%dma_start3A_39 : memref<2560xf32, #tpu.memory_space<vmem>>) target_semaphore(%arg18 : memref<!tpu.dma_semaphore, #tpu.memory_space<semaphore_mem>>)
    %dma_start3A_43 = arith.constant 3 : i32
    %dma_start3A_44 = arith.constant 0 : i32
    %dma_start3A_45 = tpu.memref_slice %arg7[%dma_start3A_44] : memref<2688xf32, #tpu.memory_space<vmem>> -> memref<2560xf32, #tpu.memory_space<vmem>>
    %dma_start3A_46 = arith.constant 0 : i32
    %dma_start3A_47 = tpu.memref_slice %arg2[%arg1, %dma_start3A_43, %dma_start3A_46] : memref<16x6x2560xf32, #tpu.memory_space<hbm>> -> memref<1x1x2560xf32, #tpu.memory_space<hbm>>
    %dma_start3A_48 = tpu.memref_squeeze %dma_start3A_47 : memref<1x1x2560xf32, #tpu.memory_space<hbm>> -> memref<2560xf32, #tpu.memory_space<hbm>>
    %dma_start3A_49 = arith.constant 0 : i32
    %dma_start3A_50 = tpu.memref_slice %arg7[%dma_start3A_49] : memref<2688xf32, #tpu.memory_space<vmem>> -> memref<2560xf32, #tpu.memory_space<vmem>>
    %dma_start3A_51 = arith.constant 0 : i32
    %dma_start3A_52 = tpu.memref_slice %arg2[%arg1, %dma_start3A_43, %dma_start3A_51] : memref<16x6x2560xf32, #tpu.memory_space<hbm>> -> memref<1x1x2560xf32, #tpu.memory_space<hbm>>
    %dma_start3A_53 = tpu.memref_squeeze %dma_start3A_52 : memref<1x1x2560xf32, #tpu.memory_space<hbm>> -> memref<2560xf32, #tpu.memory_space<hbm>>
    tpu.enqueue_dma source(%dma_start3A_53 : memref<2560xf32, #tpu.memory_space<hbm>>) target(%dma_start3A_50 : memref<2560xf32, #tpu.memory_space<vmem>>) target_semaphore(%arg18 : memref<!tpu.dma_semaphore, #tpu.memory_space<semaphore_mem>>)
    %dma_start3A_54 = arith.constant 4 : i32
    %dma_start3A_55 = arith.constant 0 : i32
    %dma_start3A_56 = tpu.memref_slice %arg8[%dma_start3A_55] : memref<2688xf32, #tpu.memory_space<vmem>> -> memref<2560xf32, #tpu.memory_space<vmem>>
    %dma_start3A_57 = arith.constant 0 : i32
    %dma_start3A_58 = tpu.memref_slice %arg2[%arg1, %dma_start3A_54, %dma_start3A_57] : memref<16x6x2560xf32, #tpu.memory_space<hbm>> -> memref<1x1x2560xf32, #tpu.memory_space<hbm>>
    %dma_start3A_59 = tpu.memref_squeeze %dma_start3A_58 : memref<1x1x2560xf32, #tpu.memory_space<hbm>> -> memref<2560xf32, #tpu.memory_space<hbm>>
    %dma_start3A_60 = arith.constant 0 : i32
    %dma_start3A_61 = tpu.memref_slice %arg8[%dma_start3A_60] : memref<2688xf32, #tpu.memory_space<vmem>> -> memref<2560xf32, #tpu.memory_space<vmem>>
    %dma_start3A_62 = arith.constant 0 : i32
    %dma_start3A_63 = tpu.memref_slice %arg2[%arg1, %dma_start3A_54, %dma_start3A_62] : memref<16x6x2560xf32, #tpu.memory_space<hbm>> -> memref<1x1x2560xf32, #tpu.memory_space<hbm>>
    %dma_start3A_64 = tpu.memref_squeeze %dma_start3A_63 : memref<1x1x2560xf32, #tpu.memory_space<hbm>> -> memref<2560xf32, #tpu.memory_space<hbm>>
    tpu.enqueue_dma source(%dma_start3A_64 : memref<2560xf32, #tpu.memory_space<hbm>>) target(%dma_start3A_61 : memref<2560xf32, #tpu.memory_space<vmem>>) target_semaphore(%arg18 : memref<!tpu.dma_semaphore, #tpu.memory_space<semaphore_mem>>)
    %dma_start3A_65 = arith.constant 5 : i32
    %dma_start3A_66 = arith.constant 0 : i32
    %dma_start3A_67 = tpu.memref_slice %arg9[%dma_start3A_66] : memref<2688xf32, #tpu.memory_space<vmem>> -> memref<2560xf32, #tpu.memory_space<vmem>>
    %dma_start3A_68 = arith.constant 0 : i32
    %dma_start3A_69 = tpu.memref_slice %arg2[%arg1, %dma_start3A_65, %dma_start3A_68] : memref<16x6x2560xf32, #tpu.memory_space<hbm>> -> memref<1x1x2560xf32, #tpu.memory_space<hbm>>
    %dma_start3A_70 = tpu.memref_squeeze %dma_start3A_69 : memref<1x1x2560xf32, #tpu.memory_space<hbm>> -> memref<2560xf32, #tpu.memory_space<hbm>>
    %dma_start3A_71 = arith.constant 0 : i32
    %dma_start3A_72 = tpu.memref_slice %arg9[%dma_start3A_71] : memref<2688xf32, #tpu.memory_space<vmem>> -> memref<2560xf32, #tpu.memory_space<vmem>>
    %dma_start3A_73 = arith.constant 0 : i32
    %dma_start3A_74 = tpu.memref_slice %arg2[%arg1, %dma_start3A_65, %dma_start3A_73] : memref<16x6x2560xf32, #tpu.memory_space<hbm>> -> memref<1x1x2560xf32, #tpu.memory_space<hbm>>
    %dma_start3A_75 = tpu.memref_squeeze %dma_start3A_74 : memref<1x1x2560xf32, #tpu.memory_space<hbm>> -> memref<2560xf32, #tpu.memory_space<hbm>>
    tpu.enqueue_dma source(%dma_start3A_75 : memref<2560xf32, #tpu.memory_space<hbm>>) target(%dma_start3A_72 : memref<2560xf32, #tpu.memory_space<vmem>>) target_semaphore(%arg18 : memref<!tpu.dma_semaphore, #tpu.memory_space<semaphore_mem>>)
    %iota3A = tpu.iota {dimensions = array<i32: 0>} : vector<16xi32>
    %dma_wait3A = arith.constant 0 : i32
    %dma_wait3A_76 = arith.constant 0 : i32
    %dma_wait3A_77 = tpu.memref_slice %arg4[%dma_wait3A_76] : memref<2688xf32, #tpu.memory_space<vmem>> -> memref<2560xf32, #tpu.memory_space<vmem>>
    %dma_wait3A_78 = arith.constant 0 : i32
    %dma_wait3A_79 = tpu.memref_slice %arg2[%arg1, %dma_wait3A, %dma_wait3A_78] : memref<16x6x2560xf32, #tpu.memory_space<hbm>> -> memref<1x1x2560xf32, #tpu.memory_space<hbm>>
    %dma_wait3A_80 = tpu.memref_squeeze %dma_wait3A_79 : memref<1x1x2560xf32, #tpu.memory_space<hbm>> -> memref<2560xf32, #tpu.memory_space<hbm>>
    %dma_wait3A_81 = arith.constant 0 : i32
    %dma_wait3A_82 = tpu.memref_slice %arg4[%dma_wait3A_81] : memref<2688xf32, #tpu.memory_space<vmem>> -> memref<2560xf32, #tpu.memory_space<vmem>>
    %dma_wait3A_83 = arith.constant 0 : i32
    %dma_wait3A_84 = tpu.memref_slice %arg2[%arg1, %dma_wait3A, %dma_wait3A_83] : memref<16x6x2560xf32, #tpu.memory_space<hbm>> -> memref<1x1x2560xf32, #tpu.memory_space<hbm>>
    %dma_wait3A_85 = tpu.memref_squeeze %dma_wait3A_84 : memref<1x1x2560xf32, #tpu.memory_space<hbm>> -> memref<2560xf32, #tpu.memory_space<hbm>>
    tpu.wait_dma2 semaphore(%arg17 : memref<!tpu.dma_semaphore, #tpu.memory_space<semaphore_mem>>) src(%dma_wait3A_85 : memref<2560xf32, #tpu.memory_space<hbm>>) dst(%dma_wait3A_82 : memref<2560xf32, #tpu.memory_space<vmem>>)
    %broadcast_in_dim3A = arith.constant 0xFF800000 : f32
    %broadcast_in_dim3A_86 = vector.broadcast %broadcast_in_dim3A : f32 to vector<16xf32>
    %broadcast_in_dim3A_87 = arith.constant 0 : i32
    %broadcast_in_dim3A_88 = vector.broadcast %broadcast_in_dim3A_87 : i32 to vector<16xi32>
    %scan3A = arith.constant 0 : i32
    %scan3A_89 = arith.constant 160 : i32
    %scan3A_90 = arith.addi %scan3A, %scan3A_89 : i32
    %scan3A_91 = arith.constant 4 : i32
    %scan3A_92:2 = scf.for %scan3A_884 = %scan3A to %scan3A_90 step %scan3A_91 iter_args(%scan3A_885 = %broadcast_in_dim3A_86, %scan3A_886 = %broadcast_in_dim3A_88) -> (vector<16xf32>, vector<16xi32>)  : i32 {
      %mul3A_887 = arith.constant 16 : i32
      %mul3A_888 = arith.muli %scan3A_884, %mul3A_887 : i32
      %add3A_889 = vector.broadcast %mul3A_888 : i32 to vector<16xi32>
      %add3A_890 = arith.addi %add3A_889, %iota3A : vector<16xi32>
      %get3A_891 = arith.index_cast %mul3A_888 : i32 to index
      %get3A_892 = tpu.vector_load %arg4[%get3A_891] {strides = array<i32>} : memref<2688xf32, #tpu.memory_space<vmem>>, vector<16xf32>,
      %get3A_893 = vector.shape_cast %get3A_892 : vector<16xf32> to vector<16xf32>
      %gt3A_894 = arith.cmpf ogt, %get3A_893, %scan3A_885 : vector<16xf32>
      %select_n3A_895 = arith.select %gt3A_894, %get3A_893, %scan3A_885 : vector<16xi1>, vector<16xf32>
      %select_n3A_896 = arith.select %gt3A_894, %add3A_890, %scan3A_886 : vector<16xi1>, vector<16xi32>
      %scan3A_897 = arith.constant 1 : i32
      %scan3A_898 = arith.addi %scan3A_884, %scan3A_897 : i32
      %mul3A_899 = arith.constant 16 : i32
      %mul3A_900 = arith.muli %scan3A_898, %mul3A_899 : i32
      %add3A_901 = vector.broadcast %mul3A_900 : i32 to vector<16xi32>
      %add3A_902 = arith.addi %add3A_901, %iota3A : vector<16xi32>
      %get3A_903 = arith.index_cast %mul3A_900 : i32 to index
      %get3A_904 = tpu.vector_load %arg4[%get3A_903] {strides = array<i32>} : memref<2688xf32, #tpu.memory_space<vmem>>, vector<16xf32>,
      %get3A_905 = vector.shape_cast %get3A_904 : vector<16xf32> to vector<16xf32>
      %gt3A_906 = arith.cmpf ogt, %get3A_905, %select_n3A_895 : vector<16xf32>
      %select_n3A_907 = arith.select %gt3A_906, %get3A_905, %select_n3A_895 : vector<16xi1>, vector<16xf32>
      %select_n3A_908 = arith.select %gt3A_906, %add3A_902, %select_n3A_896 : vector<16xi1>, vector<16xi32>
      %scan3A_909 = arith.constant 2 : i32
      %scan3A_910 = arith.addi %scan3A_884, %scan3A_909 : i32
      %mul3A_911 = arith.constant 16 : i32
      %mul3A_912 = arith.muli %scan3A_910, %mul3A_911 : i32
      %add3A_913 = vector.broadcast %mul3A_912 : i32 to vector<16xi32>
      %add3A_914 = arith.addi %add3A_913, %iota3A : vector<16xi32>
      %get3A_915 = arith.index_cast %mul3A_912 : i32 to index
      %get3A_916 = tpu.vector_load %arg4[%get3A_915] {strides = array<i32>} : memref<2688xf32, #tpu.memory_space<vmem>>, vector<16xf32>,
      %get3A_917 = vector.shape_cast %get3A_916 : vector<16xf32> to vector<16xf32>
      %gt3A_918 = arith.cmpf ogt, %get3A_917, %select_n3A_907 : vector<16xf32>
      %select_n3A_919 = arith.select %gt3A_918, %get3A_917, %select_n3A_907 : vector<16xi1>, vector<16xf32>
      %select_n3A_920 = arith.select %gt3A_918, %add3A_914, %select_n3A_908 : vector<16xi1>, vector<16xi32>
      %scan3A_921 = arith.constant 3 : i32
      %scan3A_922 = arith.addi %scan3A_884, %scan3A_921 : i32
      %mul3A_923 = arith.constant 16 : i32
      %mul3A_924 = arith.muli %scan3A_922, %mul3A_923 : i32
      %add3A_925 = vector.broadcast %mul3A_924 : i32 to vector<16xi32>
      %add3A_926 = arith.addi %add3A_925, %iota3A : vector<16xi32>
      %get3A_927 = arith.index_cast %mul3A_924 : i32 to index
      %get3A_928 = tpu.vector_load %arg4[%get3A_927] {strides = array<i32>} : memref<2688xf32, #tpu.memory_space<vmem>>, vector<16xf32>,
      %get3A_929 = vector.shape_cast %get3A_928 : vector<16xf32> to vector<16xf32>
      %gt3A_930 = arith.cmpf ogt, %get3A_929, %select_n3A_919 : vector<16xf32>
      %select_n3A_931 = arith.select %gt3A_930, %get3A_929, %select_n3A_919 : vector<16xi1>, vector<16xf32>
      %select_n3A_932 = arith.select %gt3A_930, %add3A_926, %select_n3A_920 : vector<16xi1>, vector<16xi32>
      scf.yield %select_n3A_931, %select_n3A_932 : vector<16xf32>, vector<16xi32>
    }
    %scan3A_93 = arith.constant 160 : i32
    %swap3A = arith.constant 0 : index
    %swap3A_94 = tpu.vector_load %arg14[%swap3A] {strides = array<i32>} : memref<32xf32, #tpu.memory_space<vmem>>, vector<16xf32>,
    %swap3A_95 = vector.shape_cast %swap3A_94 : vector<16xf32> to vector<16xf32>
    %swap3A_96 = vector.shape_cast %scan3A_92#0 : vector<16xf32> to vector<16xf32>
    tpu.vector_store %arg14[%swap3A], %swap3A_96 {strides = array<i32>} : memref<32xf32, #tpu.memory_space<vmem>>, vector<16xf32>,
    %swap3A_97 = arith.constant 16 : index
    %swap3A_98 = tpu.vector_load %arg14[%swap3A_97] {strides = array<i32>} : memref<32xf32, #tpu.memory_space<vmem>>, vector<16xf32>,
    %swap3A_99 = vector.shape_cast %swap3A_98 : vector<16xf32> to vector<16xf32>
    %swap3A_100 = vector.shape_cast %scan3A_92#0 : vector<16xf32> to vector<16xf32>
    tpu.vector_store %arg14[%swap3A_97], %swap3A_100 {strides = array<i32>} : memref<32xf32, #tpu.memory_space<vmem>>, vector<16xf32>,
    %swap3A_101 = arith.constant 0 : index
    %swap3A_102 = tpu.vector_load %arg15[%swap3A_101] {strides = array<i32>} : memref<32xi32, #tpu.memory_space<vmem>>, vector<16xi32>,
    %swap3A_103 = vector.shape_cast %swap3A_102 : vector<16xi32> to vector<16xi32>
    %swap3A_104 = vector.shape_cast %scan3A_92#1 : vector<16xi32> to vector<16xi32>
    tpu.vector_store %arg15[%swap3A_101], %swap3A_104 {strides = array<i32>} : memref<32xi32, #tpu.memory_space<vmem>>, vector<16xi32>,
    %swap3A_105 = arith.constant 16 : index
    %swap3A_106 = tpu.vector_load %arg15[%swap3A_105] {strides = array<i32>} : memref<32xi32, #tpu.memory_space<vmem>>, vector<16xi32>,
    %swap3A_107 = vector.shape_cast %swap3A_106 : vector<16xi32> to vector<16xi32>
    %swap3A_108 = vector.shape_cast %scan3A_92#1 : vector<16xi32> to vector<16xi32>
    tpu.vector_store %arg15[%swap3A_105], %swap3A_108 {strides = array<i32>} : memref<32xi32, #tpu.memory_space<vmem>>, vector<16xi32>,
    %get3A = arith.constant 8 : index
    %get3A_109 = tpu.vector_load %arg14[%get3A] {strides = array<i32>} : memref<32xf32, #tpu.memory_space<vmem>>, vector<16xf32>,
    %get3A_110 = vector.shape_cast %get3A_109 : vector<16xf32> to vector<16xf32>
    %get3A_111 = arith.constant 8 : index
    %get3A_112 = tpu.vector_load %arg15[%get3A_111] {strides = array<i32>} : memref<32xi32, #tpu.memory_space<vmem>>, vector<16xi32>,
    %get3A_113 = vector.shape_cast %get3A_112 : vector<16xi32> to vector<16xi32>
    %gt3A = arith.cmpf ogt, %get3A_110, %scan3A_92#0 : vector<16xf32>
    %eq3A = arith.cmpf oeq, %get3A_110, %scan3A_92#0 : vector<16xf32>
    %lt3A = arith.cmpi slt, %get3A_113, %scan3A_92#1 : vector<16xi32>
    %and3A = arith.andi %eq3A, %lt3A : vector<16xi1>
    %or3A = arith.ori %gt3A, %and3A : vector<16xi1>
    %select_n3A_114 = arith.select %or3A, %get3A_110, %scan3A_92#0 : vector<16xi1>, vector<16xf32>
    %select_n3A_115 = arith.select %or3A, %get3A_113, %scan3A_92#1 : vector<16xi1>, vector<16xi32>
    %swap3A_116 = arith.constant 0 : index
    %swap3A_117 = tpu.vector_load %arg14[%swap3A_116] {strides = array<i32>} : memref<32xf32, #tpu.memory_space<vmem>>, vector<16xf32>,
    %swap3A_118 = vector.shape_cast %swap3A_117 : vector<16xf32> to vector<16xf32>
    %swap3A_119 = vector.shape_cast %select_n3A_114 : vector<16xf32> to vector<16xf32>
    tpu.vector_store %arg14[%swap3A_116], %swap3A_119 {strides = array<i32>} : memref<32xf32, #tpu.memory_space<vmem>>, vector<16xf32>,
    %swap3A_120 = arith.constant 16 : index
    %swap3A_121 = tpu.vector_load %arg14[%swap3A_120] {strides = array<i32>} : memref<32xf32, #tpu.memory_space<vmem>>, vector<16xf32>,
    %swap3A_122 = vector.shape_cast %swap3A_121 : vector<16xf32> to vector<16xf32>
    %swap3A_123 = vector.shape_cast %select_n3A_114 : vector<16xf32> to vector<16xf32>
    tpu.vector_store %arg14[%swap3A_120], %swap3A_123 {strides = array<i32>} : memref<32xf32, #tpu.memory_space<vmem>>, vector<16xf32>,
    %swap3A_124 = arith.constant 0 : index
    %swap3A_125 = tpu.vector_load %arg15[%swap3A_124] {strides = array<i32>} : memref<32xi32, #tpu.memory_space<vmem>>, vector<16xi32>,
    %swap3A_126 = vector.shape_cast %swap3A_125 : vector<16xi32> to vector<16xi32>
    %swap3A_127 = vector.shape_cast %select_n3A_115 : vector<16xi32> to vector<16xi32>
    tpu.vector_store %arg15[%swap3A_124], %swap3A_127 {strides = array<i32>} : memref<32xi32, #tpu.memory_space<vmem>>, vector<16xi32>,
    %swap3A_128 = arith.constant 16 : index
    %swap3A_129 = tpu.vector_load %arg15[%swap3A_128] {strides = array<i32>} : memref<32xi32, #tpu.memory_space<vmem>>, vector<16xi32>,
    %swap3A_130 = vector.shape_cast %swap3A_129 : vector<16xi32> to vector<16xi32>
    %swap3A_131 = vector.shape_cast %select_n3A_115 : vector<16xi32> to vector<16xi32>
    tpu.vector_store %arg15[%swap3A_128], %swap3A_131 {strides = array<i32>} : memref<32xi32, #tpu.memory_space<vmem>>, vector<16xi32>,
    %get3A_132 = arith.constant 4 : index
    %get3A_133 = tpu.vector_load %arg14[%get3A_132] {strides = array<i32>} : memref<32xf32, #tpu.memory_space<vmem>>, vector<16xf32>,
    %get3A_134 = vector.shape_cast %get3A_133 : vector<16xf32> to vector<16xf32>
    %get3A_135 = arith.constant 4 : index
    %get3A_136 = tpu.vector_load %arg15[%get3A_135] {strides = array<i32>} : memref<32xi32, #tpu.memory_space<vmem>>, vector<16xi32>,
    %get3A_137 = vector.shape_cast %get3A_136 : vector<16xi32> to vector<16xi32>
    %gt3A_138 = arith.cmpf ogt, %get3A_134, %select_n3A_114 : vector<16xf32>
    %eq3A_139 = arith.cmpf oeq, %get3A_134, %select_n3A_114 : vector<16xf32>
    %lt3A_140 = arith.cmpi slt, %get3A_137, %select_n3A_115 : vector<16xi32>
    %and3A_141 = arith.andi %eq3A_139, %lt3A_140 : vector<16xi1>
    %or3A_142 = arith.ori %gt3A_138, %and3A_141 : vector<16xi1>
    %select_n3A_143 = arith.select %or3A_142, %get3A_134, %select_n3A_114 : vector<16xi1>, vector<16xf32>
    %select_n3A_144 = arith.select %or3A_142, %get3A_137, %select_n3A_115 : vector<16xi1>, vector<16xi32>
    %swap3A_145 = arith.constant 0 : index
    %swap3A_146 = tpu.vector_load %arg14[%swap3A_145] {strides = array<i32>} : memref<32xf32, #tpu.memory_space<vmem>>, vector<16xf32>,
    %swap3A_147 = vector.shape_cast %swap3A_146 : vector<16xf32> to vector<16xf32>
    %swap3A_148 = vector.shape_cast %select_n3A_143 : vector<16xf32> to vector<16xf32>
    tpu.vector_store %arg14[%swap3A_145], %swap3A_148 {strides = array<i32>} : memref<32xf32, #tpu.memory_space<vmem>>, vector<16xf32>,
    %swap3A_149 = arith.constant 16 : index
    %swap3A_150 = tpu.vector_load %arg14[%swap3A_149] {strides = array<i32>} : memref<32xf32, #tpu.memory_space<vmem>>, vector<16xf32>,
    %swap3A_151 = vector.shape_cast %swap3A_150 : vector<16xf32> to vector<16xf32>
    %swap3A_152 = vector.shape_cast %select_n3A_143 : vector<16xf32> to vector<16xf32>
    tpu.vector_store %arg14[%swap3A_149], %swap3A_152 {strides = array<i32>} : memref<32xf32, #tpu.memory_space<vmem>>, vector<16xf32>,
    %swap3A_153 = arith.constant 0 : index
    %swap3A_154 = tpu.vector_load %arg15[%swap3A_153] {strides = array<i32>} : memref<32xi32, #tpu.memory_space<vmem>>, vector<16xi32>,
    %swap3A_155 = vector.shape_cast %swap3A_154 : vector<16xi32> to vector<16xi32>
    %swap3A_156 = vector.shape_cast %select_n3A_144 : vector<16xi32> to vector<16xi32>
    tpu.vector_store %arg15[%swap3A_153], %swap3A_156 {strides = array<i32>} : memref<32xi32, #tpu.memory_space<vmem>>, vector<16xi32>,
    %swap3A_157 = arith.constant 16 : index
    %swap3A_158 = tpu.vector_load %arg15[%swap3A_157] {strides = array<i32>} : memref<32xi32, #tpu.memory_space<vmem>>, vector<16xi32>,
    %swap3A_159 = vector.shape_cast %swap3A_158 : vector<16xi32> to vector<16xi32>
    %swap3A_160 = vector.shape_cast %select_n3A_144 : vector<16xi32> to vector<16xi32>
    tpu.vector_store %arg15[%swap3A_157], %swap3A_160 {strides = array<i32>} : memref<32xi32, #tpu.memory_space<vmem>>, vector<16xi32>,
    %get3A_161 = arith.constant 2 : index
    %get3A_162 = tpu.vector_load %arg14[%get3A_161] {strides = array<i32>} : memref<32xf32, #tpu.memory_space<vmem>>, vector<16xf32>,
    %get3A_163 = vector.shape_cast %get3A_162 : vector<16xf32> to vector<16xf32>
    %get3A_164 = arith.constant 2 : index
    %get3A_165 = tpu.vector_load %arg15[%get3A_164] {strides = array<i32>} : memref<32xi32, #tpu.memory_space<vmem>>, vector<16xi32>,
    %get3A_166 = vector.shape_cast %get3A_165 : vector<16xi32> to vector<16xi32>
    %gt3A_167 = arith.cmpf ogt, %get3A_163, %select_n3A_143 : vector<16xf32>
    %eq3A_168 = arith.cmpf oeq, %get3A_163, %select_n3A_143 : vector<16xf32>
    %lt3A_169 = arith.cmpi slt, %get3A_166, %select_n3A_144 : vector<16xi32>
    %and3A_170 = arith.andi %eq3A_168, %lt3A_169 : vector<16xi1>
    %or3A_171 = arith.ori %gt3A_167, %and3A_170 : vector<16xi1>
    %select_n3A_172 = arith.select %or3A_171, %get3A_163, %select_n3A_143 : vector<16xi1>, vector<16xf32>
    %select_n3A_173 = arith.select %or3A_171, %get3A_166, %select_n3A_144 : vector<16xi1>, vector<16xi32>
    %swap3A_174 = arith.constant 0 : index
    %swap3A_175 = tpu.vector_load %arg14[%swap3A_174] {strides = array<i32>} : memref<32xf32, #tpu.memory_space<vmem>>, vector<16xf32>,
    %swap3A_176 = vector.shape_cast %swap3A_175 : vector<16xf32> to vector<16xf32>
    %swap3A_177 = vector.shape_cast %select_n3A_172 : vector<16xf32> to vector<16xf32>
    tpu.vector_store %arg14[%swap3A_174], %swap3A_177 {strides = array<i32>} : memref<32xf32, #tpu.memory_space<vmem>>, vector<16xf32>,
    %swap3A_178 = arith.constant 16 : index
    %swap3A_179 = tpu.vector_load %arg14[%swap3A_178] {strides = array<i32>} : memref<32xf32, #tpu.memory_space<vmem>>, vector<16xf32>,
    %swap3A_180 = vector.shape_cast %swap3A_179 : vector<16xf32> to vector<16xf32>
    %swap3A_181 = vector.shape_cast %select_n3A_172 : vector<16xf32> to vector<16xf32>
    tpu.vector_store %arg14[%swap3A_178], %swap3A_181 {strides = array<i32>} : memref<32xf32, #tpu.memory_space<vmem>>, vector<16xf32>,
    %swap3A_182 = arith.constant 0 : index
    %swap3A_183 = tpu.vector_load %arg15[%swap3A_182] {strides = array<i32>} : memref<32xi32, #tpu.memory_space<vmem>>, vector<16xi32>,
    %swap3A_184 = vector.shape_cast %swap3A_183 : vector<16xi32> to vector<16xi32>
    %swap3A_185 = vector.shape_cast %select_n3A_173 : vector<16xi32> to vector<16xi32>
    tpu.vector_store %arg15[%swap3A_182], %swap3A_185 {strides = array<i32>} : memref<32xi32, #tpu.memory_space<vmem>>, vector<16xi32>,
    %swap3A_186 = arith.constant 16 : index
    %swap3A_187 = tpu.vector_load %arg15[%swap3A_186] {strides = array<i32>} : memref<32xi32, #tpu.memory_space<vmem>>, vector<16xi32>,
    %swap3A_188 = vector.shape_cast %swap3A_187 : vector<16xi32> to vector<16xi32>
    %swap3A_189 = vector.shape_cast %select_n3A_173 : vector<16xi32> to vector<16xi32>
    tpu.vector_store %arg15[%swap3A_186], %swap3A_189 {strides = array<i32>} : memref<32xi32, #tpu.memory_space<vmem>>, vector<16xi32>,
    %get3A_190 = arith.constant 1 : index
    %get3A_191 = tpu.vector_load %arg14[%get3A_190] {strides = array<i32>} : memref<32xf32, #tpu.memory_space<vmem>>, vector<16xf32>,
    %get3A_192 = vector.shape_cast %get3A_191 : vector<16xf32> to vector<16xf32>
    %get3A_193 = arith.constant 1 : index
    %get3A_194 = tpu.vector_load %arg15[%get3A_193] {strides = array<i32>} : memref<32xi32, #tpu.memory_space<vmem>>, vector<16xi32>,
    %get3A_195 = vector.shape_cast %get3A_194 : vector<16xi32> to vector<16xi32>
    %gt3A_196 = arith.cmpf ogt, %get3A_192, %select_n3A_172 : vector<16xf32>
    %eq3A_197 = arith.cmpf oeq, %get3A_192, %select_n3A_172 : vector<16xf32>
    %lt3A_198 = arith.cmpi slt, %get3A_195, %select_n3A_173 : vector<16xi32>
    %and3A_199 = arith.andi %eq3A_197, %lt3A_198 : vector<16xi1>
    %or3A_200 = arith.ori %gt3A_196, %and3A_199 : vector<16xi1>
    %select_n3A_201 = arith.select %or3A_200, %get3A_192, %select_n3A_172 : vector<16xi1>, vector<16xf32>
    %select_n3A_202 = arith.select %or3A_200, %get3A_195, %select_n3A_173 : vector<16xi1>, vector<16xi32>
    %add3A_203 = vector.broadcast %mul3A_4 : i32 to vector<16xi32>
    %add3A_204 = arith.addi %select_n3A_202, %add3A_203 : vector<16xi32>
    %convert_element_type3A = arith.sitofp %add3A_204 : vector<16xi32> to vector<16xf32>
    %slice3A = vector.extract_strided_slice %select_n3A_202 {offsets = [0], sizes = [1], strides = [1]} : vector<16xi32> to vector<1xi32>
    %squeeze3A = vector.extract %slice3A[0] : i32 from vector<1xi32>
    %get3A_205 = arith.index_cast %squeeze3A : i32 to index
    %get3A_206 = tpu.vector_load %arg5[%get3A_205] {strides = array<i32>} : memref<2688xf32, #tpu.memory_space<vmem>>, vector<16xf32>,
    %get3A_207 = vector.shape_cast %get3A_206 : vector<16xf32> to vector<16xf32>
    %slice3A_208 = vector.extract_strided_slice %get3A_207 {offsets = [0], sizes = [1], strides = [1]} : vector<16xf32> to vector<1xf32>
    %squeeze3A_209 = vector.extract %slice3A_208[0] : f32 from vector<1xf32>
    %broadcast_in_dim3A_210 = vector.broadcast %squeeze3A_209 : f32 to vector<16xf32>
    %get3A_211 = arith.index_cast %squeeze3A : i32 to index
    %get3A_212 = tpu.vector_load %arg6[%get3A_211] {strides = array<i32>} : memref<2688xf32, #tpu.memory_space<vmem>>, vector<16xf32>,
    %get3A_213 = vector.shape_cast %get3A_212 : vector<16xf32> to vector<16xf32>
    %slice3A_214 = vector.extract_strided_slice %get3A_213 {offsets = [0], sizes = [1], strides = [1]} : vector<16xf32> to vector<1xf32>
    %squeeze3A_215 = vector.extract %slice3A_214[0] : f32 from vector<1xf32>
    %broadcast_in_dim3A_216 = vector.broadcast %squeeze3A_215 : f32 to vector<16xf32>
    %get3A_217 = arith.index_cast %squeeze3A : i32 to index
    %get3A_218 = tpu.vector_load %arg7[%get3A_217] {strides = array<i32>} : memref<2688xf32, #tpu.memory_space<vmem>>, vector<16xf32>,
    %get3A_219 = vector.shape_cast %get3A_218 : vector<16xf32> to vector<16xf32>
    %slice3A_220 = vector.extract_strided_slice %get3A_219 {offsets = [0], sizes = [1], strides = [1]} : vector<16xf32> to vector<1xf32>
    %squeeze3A_221 = vector.extract %slice3A_220[0] : f32 from vector<1xf32>
    %broadcast_in_dim3A_222 = vector.broadcast %squeeze3A_221 : f32 to vector<16xf32>
    %get3A_223 = arith.index_cast %squeeze3A : i32 to index
    %get3A_224 = tpu.vector_load %arg8[%get3A_223] {strides = array<i32>} : memref<2688xf32, #tpu.memory_space<vmem>>, vector<16xf32>,
    %get3A_225 = vector.shape_cast %get3A_224 : vector<16xf32> to vector<16xf32>
    %slice3A_226 = vector.extract_strided_slice %get3A_225 {offsets = [0], sizes = [1], strides = [1]} : vector<16xf32> to vector<1xf32>
    %squeeze3A_227 = vector.extract %slice3A_226[0] : f32 from vector<1xf32>
    %broadcast_in_dim3A_228 = vector.broadcast %squeeze3A_227 : f32 to vector<16xf32>
    %get3A_229 = arith.index_cast %squeeze3A : i32 to index
    %get3A_230 = tpu.vector_load %arg9[%get3A_229] {strides = array<i32>} : memref<2688xf32, #tpu.memory_space<vmem>>, vector<16xf32>,
    %get3A_231 = vector.shape_cast %get3A_230 : vector<16xf32> to vector<16xf32>
    %slice3A_232 = vector.extract_strided_slice %get3A_231 {offsets = [0], sizes = [1], strides = [1]} : vector<16xf32> to vector<1xf32>
    %squeeze3A_233 = vector.extract %slice3A_232[0] : f32 from vector<1xf32>
    %broadcast_in_dim3A_234 = vector.broadcast %squeeze3A_233 : f32 to vector<16xf32>
    %sub3A_235 = arith.subf %broadcast_in_dim3A_222, %broadcast_in_dim3A_210 : vector<16xf32>
    %sub3A_236 = arith.subf %broadcast_in_dim3A_228, %broadcast_in_dim3A_216 : vector<16xf32>
    %mul3A_237 = arith.mulf %sub3A_235, %sub3A_236 : vector<16xf32>
    %eq3A_238 = arith.constant 1 : i32
    %eq3A_239 = vector.broadcast %eq3A_238 : i32 to vector<16xi32>
    %eq3A_240 = arith.cmpi eq, %iota3A, %eq3A_239 : vector<16xi32>
    %select_n3A_241 = arith.select %eq3A_240, %convert_element_type3A, %select_n3A_201 : vector<16xi1>, vector<16xf32>
    %eq3A_242 = arith.constant 2 : i32
    %eq3A_243 = vector.broadcast %eq3A_242 : i32 to vector<16xi32>
    %eq3A_244 = arith.cmpi eq, %iota3A, %eq3A_243 : vector<16xi32>
    %select_n3A_245 = arith.select %eq3A_244, %broadcast_in_dim3A_210, %select_n3A_241 : vector<16xi1>, vector<16xf32>
    %eq3A_246 = arith.constant 3 : i32
    %eq3A_247 = vector.broadcast %eq3A_246 : i32 to vector<16xi32>
    %eq3A_248 = arith.cmpi eq, %iota3A, %eq3A_247 : vector<16xi32>
    %select_n3A_249 = arith.select %eq3A_248, %broadcast_in_dim3A_216, %select_n3A_245 : vector<16xi1>, vector<16xf32>
    %eq3A_250 = arith.constant 4 : i32
    %eq3A_251 = vector.broadcast %eq3A_250 : i32 to vector<16xi32>
    %eq3A_252 = arith.cmpi eq, %iota3A, %eq3A_251 : vector<16xi32>
    %select_n3A_253 = arith.select %eq3A_252, %broadcast_in_dim3A_222, %select_n3A_249 : vector<16xi1>, vector<16xf32>
    %eq3A_254 = arith.constant 5 : i32
    %eq3A_255 = vector.broadcast %eq3A_254 : i32 to vector<16xi32>
    %eq3A_256 = arith.cmpi eq, %iota3A, %eq3A_255 : vector<16xi32>
    %select_n3A_257 = arith.select %eq3A_256, %broadcast_in_dim3A_228, %select_n3A_253 : vector<16xi1>, vector<16xf32>
    %eq3A_258 = arith.constant 6 : i32
    %eq3A_259 = vector.broadcast %eq3A_258 : i32 to vector<16xi32>
    %eq3A_260 = arith.cmpi eq, %iota3A, %eq3A_259 : vector<16xi32>
    %select_n3A_261 = arith.select %eq3A_260, %broadcast_in_dim3A_234, %select_n3A_257 : vector<16xi1>, vector<16xf32>
    %eq3A_262 = arith.constant 7 : i32
    %eq3A_263 = vector.broadcast %eq3A_262 : i32 to vector<16xi32>
    %eq3A_264 = arith.cmpi eq, %iota3A, %eq3A_263 : vector<16xi32>
    %select_n3A_265 = arith.select %eq3A_264, %mul3A_237, %select_n3A_261 : vector<16xi1>, vector<16xf32>
    %swap3A_266 = arith.constant 0 : index
    %swap3A_267 = tpu.vector_load %arg10[%swap3A_266] {strides = array<i32>} : memref<16xf32, #tpu.memory_space<vmem>>, vector<16xf32>,
    %swap3A_268 = vector.shape_cast %swap3A_267 : vector<16xf32> to vector<16xf32>
    %swap3A_269 = vector.shape_cast %select_n3A_265 : vector<16xf32> to vector<16xf32>
    tpu.vector_store %arg10[%swap3A_266], %swap3A_269 {strides = array<i32>} : memref<16xf32, #tpu.memory_space<vmem>>, vector<16xf32>,
    %add3A_270 = arith.constant 0 : i32
    %add3A_271 = arith.addi %add3A_270, %arg1 : i32
    %mul3A_272 = arith.constant 16 : i32
    %mul3A_273 = arith.muli %add3A_271, %mul3A_272 : i32
    "tpu.region"() ({
      %run_scoped3A = tpu.sem_alloc : memref<!tpu.dma_semaphore, #tpu.memory_space<semaphore_mem>>
      %dma_start3A_884 = tpu.memref_slice %arg16[%mul3A_273] : memref<1024xf32, #tpu.memory_space<vmem_shared>> -> memref<16xf32, #tpu.memory_space<vmem_shared>>
      %dma_start3A_885 = tpu.memref_slice %arg16[%mul3A_273] : memref<1024xf32, #tpu.memory_space<vmem_shared>> -> memref<16xf32, #tpu.memory_space<vmem_shared>>
      tpu.enqueue_dma source(%arg10 : memref<16xf32, #tpu.memory_space<vmem>>) target(%dma_start3A_885 : memref<16xf32, #tpu.memory_space<vmem_shared>>) target_semaphore(%run_scoped3A : memref<!tpu.dma_semaphore, #tpu.memory_space<semaphore_mem>>)
      %dma_wait3A_886 = tpu.memref_slice %arg16[%mul3A_273] : memref<1024xf32, #tpu.memory_space<vmem_shared>> -> memref<16xf32, #tpu.memory_space<vmem_shared>>
      %dma_wait3A_887 = tpu.memref_slice %arg16[%mul3A_273] : memref<1024xf32, #tpu.memory_space<vmem_shared>> -> memref<16xf32, #tpu.memory_space<vmem_shared>>
      tpu.wait_dma2 semaphore(%run_scoped3A : memref<!tpu.dma_semaphore, #tpu.memory_space<semaphore_mem>>) src(%arg10 : memref<16xf32, #tpu.memory_space<vmem>>) dst(%dma_wait3A_887 : memref<16xf32, #tpu.memory_space<vmem_shared>>)
      tpu.yield
    }) : () -> ()
    %barrier3A = arith.constant 0 : index
    tpu.barrier barrier_id(%barrier3A)
    %add3A_274 = arith.constant 0 : i32
    %add3A_275 = arith.addi %add3A_274, %select_n3A_10 : i32
    %mul3A_276 = arith.constant 16 : i32
    %mul3A_277 = arith.muli %add3A_275, %mul3A_276 : i32
    "tpu.region"() ({
      %run_scoped3A = tpu.sem_alloc : memref<!tpu.dma_semaphore, #tpu.memory_space<semaphore_mem>>
      %dma_start3A_884 = tpu.memref_slice %arg16[%mul3A_277] : memref<1024xf32, #tpu.memory_space<vmem_shared>> -> memref<16xf32, #tpu.memory_space<vmem_shared>>
      %dma_start3A_885 = tpu.memref_slice %arg16[%mul3A_277] : memref<1024xf32, #tpu.memory_space<vmem_shared>> -> memref<16xf32, #tpu.memory_space<vmem_shared>>
      tpu.enqueue_dma source(%dma_start3A_885 : memref<16xf32, #tpu.memory_space<vmem_shared>>) target(%arg11 : memref<16xf32, #tpu.memory_space<vmem>>) target_semaphore(%run_scoped3A : memref<!tpu.dma_semaphore, #tpu.memory_space<semaphore_mem>>)
      %dma_wait3A_886 = tpu.memref_slice %arg16[%mul3A_277] : memref<1024xf32, #tpu.memory_space<vmem_shared>> -> memref<16xf32, #tpu.memory_space<vmem_shared>>
      %dma_wait3A_887 = tpu.memref_slice %arg16[%mul3A_277] : memref<1024xf32, #tpu.memory_space<vmem_shared>> -> memref<16xf32, #tpu.memory_space<vmem_shared>>
      tpu.wait_dma2 semaphore(%run_scoped3A : memref<!tpu.dma_semaphore, #tpu.memory_space<semaphore_mem>>) src(%dma_wait3A_887 : memref<16xf32, #tpu.memory_space<vmem_shared>>) dst(%arg11 : memref<16xf32, #tpu.memory_space<vmem>>)
      tpu.yield
    }) : () -> ()
    %get3A_278 = arith.constant 0 : index
    %get3A_279 = tpu.vector_load %arg11[%get3A_278] {strides = array<i32>} : memref<16xf32, #tpu.memory_space<vmem>>, vector<16xf32>,
    %get3A_280 = vector.shape_cast %get3A_279 : vector<16xf32> to vector<16xf32>
    %slice3A_281 = vector.extract_strided_slice %get3A_280 {offsets = [0], sizes = [1], strides = [1]} : vector<16xf32> to vector<1xf32>
    %squeeze3A_282 = vector.extract %slice3A_281[0] : f32 from vector<1xf32>
    %slice3A_283 = vector.extract_strided_slice %select_n3A_201 {offsets = [0], sizes = [1], strides = [1]} : vector<16xf32> to vector<1xf32>
    %squeeze3A_284 = vector.extract %slice3A_283[0] : f32 from vector<1xf32>
    %gt3A_285 = arith.cmpf ogt, %squeeze3A_282, %squeeze3A_284 : f32
    %slice3A_286 = vector.extract_strided_slice %get3A_280 {offsets = [0], sizes = [1], strides = [1]} : vector<16xf32> to vector<1xf32>
    %squeeze3A_287 = vector.extract %slice3A_286[0] : f32 from vector<1xf32>
    %slice3A_288 = vector.extract_strided_slice %select_n3A_201 {offsets = [0], sizes = [1], strides = [1]} : vector<16xf32> to vector<1xf32>
    %squeeze3A_289 = vector.extract %slice3A_288[0] : f32 from vector<1xf32>
    %eq3A_290 = arith.cmpf oeq, %squeeze3A_287, %squeeze3A_289 : f32
    %slice3A_291 = vector.extract_strided_slice %get3A_280 {offsets = [1], sizes = [1], strides = [1]} : vector<16xf32> to vector<1xf32>
    %squeeze3A_292 = vector.extract %slice3A_291[0] : f32 from vector<1xf32>
    %slice3A_293 = vector.extract_strided_slice %convert_element_type3A {offsets = [0], sizes = [1], strides = [1]} : vector<16xf32> to vector<1xf32>
    %squeeze3A_294 = vector.extract %slice3A_293[0] : f32 from vector<1xf32>
    %lt3A_295 = arith.cmpf olt, %squeeze3A_292, %squeeze3A_294 : f32
    %and3A_296 = arith.andi %eq3A_290, %lt3A_295 : i1
    %or3A_297 = arith.ori %gt3A_285, %and3A_296 : i1
    %select_n3A_298 = arith.select %or3A_297, %get3A_280, %select_n3A_265 : vector<16xf32>
    %slice3A_299 = vector.extract_strided_slice %select_n3A_298 {offsets = [1], sizes = [1], strides = [1]} : vector<16xf32> to vector<1xf32>
    %squeeze3A_300 = vector.extract %slice3A_299[0] : f32 from vector<1xf32>
    %convert_element_type3A_301 = arith.fptosi %squeeze3A_300 : f32 to i32
    %dma_wait3A_302 = arith.constant 1 : i32
    %dma_wait3A_303 = arith.constant 0 : i32
    %dma_wait3A_304 = tpu.memref_slice %arg5[%dma_wait3A_303] : memref<2688xf32, #tpu.memory_space<vmem>> -> memref<2560xf32, #tpu.memory_space<vmem>>
    %dma_wait3A_305 = arith.constant 0 : i32
    %dma_wait3A_306 = tpu.memref_slice %arg2[%arg1, %dma_wait3A_302, %dma_wait3A_305] : memref<16x6x2560xf32, #tpu.memory_space<hbm>> -> memref<1x1x2560xf32, #tpu.memory_space<hbm>>
    %dma_wait3A_307 = tpu.memref_squeeze %dma_wait3A_306 : memref<1x1x2560xf32, #tpu.memory_space<hbm>> -> memref<2560xf32, #tpu.memory_space<hbm>>
    %dma_wait3A_308 = arith.constant 0 : i32
    %dma_wait3A_309 = tpu.memref_slice %arg5[%dma_wait3A_308] : memref<2688xf32, #tpu.memory_space<vmem>> -> memref<2560xf32, #tpu.memory_space<vmem>>
    %dma_wait3A_310 = arith.constant 0 : i32
    %dma_wait3A_311 = tpu.memref_slice %arg2[%arg1, %dma_wait3A_302, %dma_wait3A_310] : memref<16x6x2560xf32, #tpu.memory_space<hbm>> -> memref<1x1x2560xf32, #tpu.memory_space<hbm>>
    %dma_wait3A_312 = tpu.memref_squeeze %dma_wait3A_311 : memref<1x1x2560xf32, #tpu.memory_space<hbm>> -> memref<2560xf32, #tpu.memory_space<hbm>>
    tpu.wait_dma2 semaphore(%arg18 : memref<!tpu.dma_semaphore, #tpu.memory_space<semaphore_mem>>) src(%dma_wait3A_312 : memref<2560xf32, #tpu.memory_space<hbm>>) dst(%dma_wait3A_309 : memref<2560xf32, #tpu.memory_space<vmem>>)
    %dma_wait3A_313 = arith.constant 2 : i32
    %dma_wait3A_314 = arith.constant 0 : i32
    %dma_wait3A_315 = tpu.memref_slice %arg6[%dma_wait3A_314] : memref<2688xf32, #tpu.memory_space<vmem>> -> memref<2560xf32, #tpu.memory_space<vmem>>
    %dma_wait3A_316 = arith.constant 0 : i32
    %dma_wait3A_317 = tpu.memref_slice %arg2[%arg1, %dma_wait3A_313, %dma_wait3A_316] : memref<16x6x2560xf32, #tpu.memory_space<hbm>> -> memref<1x1x2560xf32, #tpu.memory_space<hbm>>
    %dma_wait3A_318 = tpu.memref_squeeze %dma_wait3A_317 : memref<1x1x2560xf32, #tpu.memory_space<hbm>> -> memref<2560xf32, #tpu.memory_space<hbm>>
    %dma_wait3A_319 = arith.constant 0 : i32
    %dma_wait3A_320 = tpu.memref_slice %arg6[%dma_wait3A_319] : memref<2688xf32, #tpu.memory_space<vmem>> -> memref<2560xf32, #tpu.memory_space<vmem>>
    %dma_wait3A_321 = arith.constant 0 : i32
    %dma_wait3A_322 = tpu.memref_slice %arg2[%arg1, %dma_wait3A_313, %dma_wait3A_321] : memref<16x6x2560xf32, #tpu.memory_space<hbm>> -> memref<1x1x2560xf32, #tpu.memory_space<hbm>>
    %dma_wait3A_323 = tpu.memref_squeeze %dma_wait3A_322 : memref<1x1x2560xf32, #tpu.memory_space<hbm>> -> memref<2560xf32, #tpu.memory_space<hbm>>
    tpu.wait_dma2 semaphore(%arg18 : memref<!tpu.dma_semaphore, #tpu.memory_space<semaphore_mem>>) src(%dma_wait3A_323 : memref<2560xf32, #tpu.memory_space<hbm>>) dst(%dma_wait3A_320 : memref<2560xf32, #tpu.memory_space<vmem>>)
    %dma_wait3A_324 = arith.constant 3 : i32
    %dma_wait3A_325 = arith.constant 0 : i32
    %dma_wait3A_326 = tpu.memref_slice %arg7[%dma_wait3A_325] : memref<2688xf32, #tpu.memory_space<vmem>> -> memref<2560xf32, #tpu.memory_space<vmem>>
    %dma_wait3A_327 = arith.constant 0 : i32
    %dma_wait3A_328 = tpu.memref_slice %arg2[%arg1, %dma_wait3A_324, %dma_wait3A_327] : memref<16x6x2560xf32, #tpu.memory_space<hbm>> -> memref<1x1x2560xf32, #tpu.memory_space<hbm>>
    %dma_wait3A_329 = tpu.memref_squeeze %dma_wait3A_328 : memref<1x1x2560xf32, #tpu.memory_space<hbm>> -> memref<2560xf32, #tpu.memory_space<hbm>>
    %dma_wait3A_330 = arith.constant 0 : i32
    %dma_wait3A_331 = tpu.memref_slice %arg7[%dma_wait3A_330] : memref<2688xf32, #tpu.memory_space<vmem>> -> memref<2560xf32, #tpu.memory_space<vmem>>
    %dma_wait3A_332 = arith.constant 0 : i32
    %dma_wait3A_333 = tpu.memref_slice %arg2[%arg1, %dma_wait3A_324, %dma_wait3A_332] : memref<16x6x2560xf32, #tpu.memory_space<hbm>> -> memref<1x1x2560xf32, #tpu.memory_space<hbm>>
    %dma_wait3A_334 = tpu.memref_squeeze %dma_wait3A_333 : memref<1x1x2560xf32, #tpu.memory_space<hbm>> -> memref<2560xf32, #tpu.memory_space<hbm>>
    tpu.wait_dma2 semaphore(%arg18 : memref<!tpu.dma_semaphore, #tpu.memory_space<semaphore_mem>>) src(%dma_wait3A_334 : memref<2560xf32, #tpu.memory_space<hbm>>) dst(%dma_wait3A_331 : memref<2560xf32, #tpu.memory_space<vmem>>)
    %dma_wait3A_335 = arith.constant 4 : i32
    %dma_wait3A_336 = arith.constant 0 : i32
    %dma_wait3A_337 = tpu.memref_slice %arg8[%dma_wait3A_336] : memref<2688xf32, #tpu.memory_space<vmem>> -> memref<2560xf32, #tpu.memory_space<vmem>>
    %dma_wait3A_338 = arith.constant 0 : i32
    %dma_wait3A_339 = tpu.memref_slice %arg2[%arg1, %dma_wait3A_335, %dma_wait3A_338] : memref<16x6x2560xf32, #tpu.memory_space<hbm>> -> memref<1x1x2560xf32, #tpu.memory_space<hbm>>
    %dma_wait3A_340 = tpu.memref_squeeze %dma_wait3A_339 : memref<1x1x2560xf32, #tpu.memory_space<hbm>> -> memref<2560xf32, #tpu.memory_space<hbm>>
    %dma_wait3A_341 = arith.constant 0 : i32
    %dma_wait3A_342 = tpu.memref_slice %arg8[%dma_wait3A_341] : memref<2688xf32, #tpu.memory_space<vmem>> -> memref<2560xf32, #tpu.memory_space<vmem>>
    %dma_wait3A_343 = arith.constant 0 : i32
    %dma_wait3A_344 = tpu.memref_slice %arg2[%arg1, %dma_wait3A_335, %dma_wait3A_343] : memref<16x6x2560xf32, #tpu.memory_space<hbm>> -> memref<1x1x2560xf32, #tpu.memory_space<hbm>>
    %dma_wait3A_345 = tpu.memref_squeeze %dma_wait3A_344 : memref<1x1x2560xf32, #tpu.memory_space<hbm>> -> memref<2560xf32, #tpu.memory_space<hbm>>
    tpu.wait_dma2 semaphore(%arg18 : memref<!tpu.dma_semaphore, #tpu.memory_space<semaphore_mem>>) src(%dma_wait3A_345 : memref<2560xf32, #tpu.memory_space<hbm>>) dst(%dma_wait3A_342 : memref<2560xf32, #tpu.memory_space<vmem>>)
    %dma_wait3A_346 = arith.constant 5 : i32
    %dma_wait3A_347 = arith.constant 0 : i32
    %dma_wait3A_348 = tpu.memref_slice %arg9[%dma_wait3A_347] : memref<2688xf32, #tpu.memory_space<vmem>> -> memref<2560xf32, #tpu.memory_space<vmem>>
    %dma_wait3A_349 = arith.constant 0 : i32
    %dma_wait3A_350 = tpu.memref_slice %arg2[%arg1, %dma_wait3A_346, %dma_wait3A_349] : memref<16x6x2560xf32, #tpu.memory_space<hbm>> -> memref<1x1x2560xf32, #tpu.memory_space<hbm>>
    %dma_wait3A_351 = tpu.memref_squeeze %dma_wait3A_350 : memref<1x1x2560xf32, #tpu.memory_space<hbm>> -> memref<2560xf32, #tpu.memory_space<hbm>>
    %dma_wait3A_352 = arith.constant 0 : i32
    %dma_wait3A_353 = tpu.memref_slice %arg9[%dma_wait3A_352] : memref<2688xf32, #tpu.memory_space<vmem>> -> memref<2560xf32, #tpu.memory_space<vmem>>
    %dma_wait3A_354 = arith.constant 0 : i32
    %dma_wait3A_355 = tpu.memref_slice %arg2[%arg1, %dma_wait3A_346, %dma_wait3A_354] : memref<16x6x2560xf32, #tpu.memory_space<hbm>> -> memref<1x1x2560xf32, #tpu.memory_space<hbm>>
    %dma_wait3A_356 = tpu.memref_squeeze %dma_wait3A_355 : memref<1x1x2560xf32, #tpu.memory_space<hbm>> -> memref<2560xf32, #tpu.memory_space<hbm>>
    tpu.wait_dma2 semaphore(%arg18 : memref<!tpu.dma_semaphore, #tpu.memory_space<semaphore_mem>>) src(%dma_wait3A_356 : memref<2560xf32, #tpu.memory_space<hbm>>) dst(%dma_wait3A_353 : memref<2560xf32, #tpu.memory_space<vmem>>)
    %slice3A_357 = vector.extract_strided_slice %select_n3A_298 {offsets = [2], sizes = [1], strides = [1]} : vector<16xf32> to vector<1xf32>
    %squeeze3A_358 = vector.extract %slice3A_357[0] : f32 from vector<1xf32>
    %broadcast_in_dim3A_359 = vector.broadcast %squeeze3A_358 : f32 to vector<16xf32>
    %slice3A_360 = vector.extract_strided_slice %select_n3A_298 {offsets = [3], sizes = [1], strides = [1]} : vector<16xf32> to vector<1xf32>
    %squeeze3A_361 = vector.extract %slice3A_360[0] : f32 from vector<1xf32>
    %broadcast_in_dim3A_362 = vector.broadcast %squeeze3A_361 : f32 to vector<16xf32>
    %slice3A_363 = vector.extract_strided_slice %select_n3A_298 {offsets = [4], sizes = [1], strides = [1]} : vector<16xf32> to vector<1xf32>
    %squeeze3A_364 = vector.extract %slice3A_363[0] : f32 from vector<1xf32>
    %broadcast_in_dim3A_365 = vector.broadcast %squeeze3A_364 : f32 to vector<16xf32>
    %slice3A_366 = vector.extract_strided_slice %select_n3A_298 {offsets = [5], sizes = [1], strides = [1]} : vector<16xf32> to vector<1xf32>
    %squeeze3A_367 = vector.extract %slice3A_366[0] : f32 from vector<1xf32>
    %broadcast_in_dim3A_368 = vector.broadcast %squeeze3A_367 : f32 to vector<16xf32>
    %slice3A_369 = vector.extract_strided_slice %select_n3A_298 {offsets = [6], sizes = [1], strides = [1]} : vector<16xf32> to vector<1xf32>
    %squeeze3A_370 = vector.extract %slice3A_369[0] : f32 from vector<1xf32>
    %broadcast_in_dim3A_371 = vector.broadcast %squeeze3A_370 : f32 to vector<16xf32>
    %slice3A_372 = vector.extract_strided_slice %select_n3A_298 {offsets = [7], sizes = [1], strides = [1]} : vector<16xf32> to vector<1xf32>
    %squeeze3A_373 = vector.extract %slice3A_372[0] : f32 from vector<1xf32>
    %broadcast_in_dim3A_374 = vector.broadcast %squeeze3A_373 : f32 to vector<16xf32>
    %broadcast_in_dim3A_375 = arith.constant 0xFF800000 : f32
    %broadcast_in_dim3A_376 = vector.broadcast %broadcast_in_dim3A_375 : f32 to vector<16xf32>
    %broadcast_in_dim3A_377 = arith.constant 0 : i32
    %broadcast_in_dim3A_378 = vector.broadcast %broadcast_in_dim3A_377 : i32 to vector<16xi32>
    %scan3A_379 = arith.constant 0xFF800000 : f32
    %scan3A_380 = arith.constant 0 : i32
    %scan3A_381 = arith.constant 160 : i32
    %scan3A_382 = arith.addi %scan3A_380, %scan3A_381 : i32
    %scan3A_383 = arith.constant 4 : i32
    %scan3A_384:2 = scf.for %scan3A_884 = %scan3A_380 to %scan3A_382 step %scan3A_383 iter_args(%scan3A_885 = %broadcast_in_dim3A_376, %scan3A_886 = %broadcast_in_dim3A_378) -> (vector<16xf32>, vector<16xi32>)  : i32 {
      %mul3A_887 = arith.constant 16 : i32
      %mul3A_888 = arith.muli %scan3A_884, %mul3A_887 : i32
      %add3A_889 = vector.broadcast %mul3A_888 : i32 to vector<16xi32>
      %add3A_890 = arith.addi %add3A_889, %iota3A : vector<16xi32>
      %get3A_891 = arith.index_cast %mul3A_888 : i32 to index
      %get3A_892 = tpu.vector_load %arg4[%get3A_891] {strides = array<i32>} : memref<2688xf32, #tpu.memory_space<vmem>>, vector<16xf32>,
      %get3A_893 = vector.shape_cast %get3A_892 : vector<16xf32> to vector<16xf32>
      %get3A_894 = arith.index_cast %mul3A_888 : i32 to index
      %get3A_895 = tpu.vector_load %arg5[%get3A_894] {strides = array<i32>} : memref<2688xf32, #tpu.memory_space<vmem>>, vector<16xf32>,
      %get3A_896 = vector.shape_cast %get3A_895 : vector<16xf32> to vector<16xf32>
      %get3A_897 = arith.index_cast %mul3A_888 : i32 to index
      %get3A_898 = tpu.vector_load %arg6[%get3A_897] {strides = array<i32>} : memref<2688xf32, #tpu.memory_space<vmem>>, vector<16xf32>,
      %get3A_899 = vector.shape_cast %get3A_898 : vector<16xf32> to vector<16xf32>
      %get3A_900 = arith.index_cast %mul3A_888 : i32 to index
      %get3A_901 = tpu.vector_load %arg7[%get3A_900] {strides = array<i32>} : memref<2688xf32, #tpu.memory_space<vmem>>, vector<16xf32>,
      %get3A_902 = vector.shape_cast %get3A_901 : vector<16xf32> to vector<16xf32>
      %get3A_903 = arith.index_cast %mul3A_888 : i32 to index
      %get3A_904 = tpu.vector_load %arg8[%get3A_903] {strides = array<i32>} : memref<2688xf32, #tpu.memory_space<vmem>>, vector<16xf32>,
      %get3A_905 = vector.shape_cast %get3A_904 : vector<16xf32> to vector<16xf32>
      %get3A_906 = arith.index_cast %mul3A_888 : i32 to index
      %get3A_907 = tpu.vector_load %arg9[%get3A_906] {strides = array<i32>} : memref<2688xf32, #tpu.memory_space<vmem>>, vector<16xf32>,
      %get3A_908 = vector.shape_cast %get3A_907 : vector<16xf32> to vector<16xf32>
      %max3A = arith.maximumf %broadcast_in_dim3A_359, %get3A_896 : vector<16xf32>
      %max3A_909 = arith.maximumf %broadcast_in_dim3A_362, %get3A_899 : vector<16xf32>
      %min3A = arith.minimumf %broadcast_in_dim3A_365, %get3A_902 : vector<16xf32>
      %min3A_910 = arith.minimumf %broadcast_in_dim3A_368, %get3A_905 : vector<16xf32>
      %sub3A_911 = arith.subf %min3A, %max3A : vector<16xf32>
      %max3A_912 = arith.constant 0.000000e+00 : f32
      %max3A_913 = vector.broadcast %max3A_912 : f32 to vector<16xf32>
      %max3A_914 = arith.maximumf %sub3A_911, %max3A_913 : vector<16xf32>
      %sub3A_915 = arith.subf %min3A_910, %max3A_909 : vector<16xf32>
      %max3A_916 = arith.constant 0.000000e+00 : f32
      %max3A_917 = vector.broadcast %max3A_916 : f32 to vector<16xf32>
      %max3A_918 = arith.maximumf %sub3A_915, %max3A_917 : vector<16xf32>
      %mul3A_919 = arith.mulf %max3A_914, %max3A_918 : vector<16xf32>
      %sub3A_920 = arith.subf %get3A_902, %get3A_896 : vector<16xf32>
      %sub3A_921 = arith.subf %get3A_905, %get3A_899 : vector<16xf32>
      %mul3A_922 = arith.mulf %sub3A_920, %sub3A_921 : vector<16xf32>
      %add3A_923 = arith.addf %broadcast_in_dim3A_374, %mul3A_922 : vector<16xf32>
      %sub3A_924 = arith.subf %add3A_923, %mul3A_919 : vector<16xf32>
      %mul3A_925 = arith.constant 5.000000e-01 : f32
      %mul3A_926 = vector.broadcast %mul3A_925 : f32 to vector<16xf32>
      %mul3A_927 = arith.mulf %mul3A_926, %sub3A_924 : vector<16xf32>
      %gt3A_928 = arith.cmpf ogt, %mul3A_919, %mul3A_927 : vector<16xf32>
      %eq3A_929 = arith.cmpf oeq, %get3A_908, %broadcast_in_dim3A_371 : vector<16xf32>
      %and3A_930 = arith.andi %gt3A_928, %eq3A_929 : vector<16xi1>
      %broadcast_in_dim3A_931 = vector.broadcast %scan3A_379 : f32 to vector<16xf32>
      %select_n3A_932 = arith.select %and3A_930, %broadcast_in_dim3A_931, %get3A_893 : vector<16xi1>, vector<16xf32>
      %swap3A_933 = arith.index_cast %mul3A_888 : i32 to index
      %swap3A_934 = tpu.vector_load %arg4[%swap3A_933] {strides = array<i32>} : memref<2688xf32, #tpu.memory_space<vmem>>, vector<16xf32>,
      %swap3A_935 = vector.shape_cast %swap3A_934 : vector<16xf32> to vector<16xf32>
      %swap3A_936 = vector.shape_cast %select_n3A_932 : vector<16xf32> to vector<16xf32>
      tpu.vector_store %arg4[%swap3A_933], %swap3A_936 {strides = array<i32>} : memref<2688xf32, #tpu.memory_space<vmem>>, vector<16xf32>,
      %gt3A_937 = arith.cmpf ogt, %select_n3A_932, %scan3A_885 : vector<16xf32>
      %select_n3A_938 = arith.select %gt3A_937, %select_n3A_932, %scan3A_885 : vector<16xi1>, vector<16xf32>
      %select_n3A_939 = arith.select %gt3A_937, %add3A_890, %scan3A_886 : vector<16xi1>, vector<16xi32>
      %scan3A_940 = arith.constant 1 : i32
      %scan3A_941 = arith.addi %scan3A_884, %scan3A_940 : i32
      %mul3A_942 = arith.constant 16 : i32
      %mul3A_943 = arith.muli %scan3A_941, %mul3A_942 : i32
      %add3A_944 = vector.broadcast %mul3A_943 : i32 to vector<16xi32>
      %add3A_945 = arith.addi %add3A_944, %iota3A : vector<16xi32>
      %get3A_946 = arith.index_cast %mul3A_943 : i32 to index
      %get3A_947 = tpu.vector_load %arg4[%get3A_946] {strides = array<i32>} : memref<2688xf32, #tpu.memory_space<vmem>>, vector<16xf32>,
      %get3A_948 = vector.shape_cast %get3A_947 : vector<16xf32> to vector<16xf32>
      %get3A_949 = arith.index_cast %mul3A_943 : i32 to index
      %get3A_950 = tpu.vector_load %arg5[%get3A_949] {strides = array<i32>} : memref<2688xf32, #tpu.memory_space<vmem>>, vector<16xf32>,
      %get3A_951 = vector.shape_cast %get3A_950 : vector<16xf32> to vector<16xf32>
      %get3A_952 = arith.index_cast %mul3A_943 : i32 to index
      %get3A_953 = tpu.vector_load %arg6[%get3A_952] {strides = array<i32>} : memref<2688xf32, #tpu.memory_space<vmem>>, vector<16xf32>,
      %get3A_954 = vector.shape_cast %get3A_953 : vector<16xf32> to vector<16xf32>
      %get3A_955 = arith.index_cast %mul3A_943 : i32 to index
      %get3A_956 = tpu.vector_load %arg7[%get3A_955] {strides = array<i32>} : memref<2688xf32, #tpu.memory_space<vmem>>, vector<16xf32>,
      %get3A_957 = vector.shape_cast %get3A_956 : vector<16xf32> to vector<16xf32>
      %get3A_958 = arith.index_cast %mul3A_943 : i32 to index
      %get3A_959 = tpu.vector_load %arg8[%get3A_958] {strides = array<i32>} : memref<2688xf32, #tpu.memory_space<vmem>>, vector<16xf32>,
      %get3A_960 = vector.shape_cast %get3A_959 : vector<16xf32> to vector<16xf32>
      %get3A_961 = arith.index_cast %mul3A_943 : i32 to index
      %get3A_962 = tpu.vector_load %arg9[%get3A_961] {strides = array<i32>} : memref<2688xf32, #tpu.memory_space<vmem>>, vector<16xf32>,
      %get3A_963 = vector.shape_cast %get3A_962 : vector<16xf32> to vector<16xf32>
      %max3A_964 = arith.maximumf %broadcast_in_dim3A_359, %get3A_951 : vector<16xf32>
      %max3A_965 = arith.maximumf %broadcast_in_dim3A_362, %get3A_954 : vector<16xf32>
      %min3A_966 = arith.minimumf %broadcast_in_dim3A_365, %get3A_957 : vector<16xf32>
      %min3A_967 = arith.minimumf %broadcast_in_dim3A_368, %get3A_960 : vector<16xf32>
      %sub3A_968 = arith.subf %min3A_966, %max3A_964 : vector<16xf32>
      %max3A_969 = arith.constant 0.000000e+00 : f32
      %max3A_970 = vector.broadcast %max3A_969 : f32 to vector<16xf32>
      %max3A_971 = arith.maximumf %sub3A_968, %max3A_970 : vector<16xf32>
      %sub3A_972 = arith.subf %min3A_967, %max3A_965 : vector<16xf32>
      %max3A_973 = arith.constant 0.000000e+00 : f32
      %max3A_974 = vector.broadcast %max3A_973 : f32 to vector<16xf32>
      %max3A_975 = arith.maximumf %sub3A_972, %max3A_974 : vector<16xf32>
      %mul3A_976 = arith.mulf %max3A_971, %max3A_975 : vector<16xf32>
      %sub3A_977 = arith.subf %get3A_957, %get3A_951 : vector<16xf32>
      %sub3A_978 = arith.subf %get3A_960, %get3A_954 : vector<16xf32>
      %mul3A_979 = arith.mulf %sub3A_977, %sub3A_978 : vector<16xf32>
      %add3A_980 = arith.addf %broadcast_in_dim3A_374, %mul3A_979 : vector<16xf32>
      %sub3A_981 = arith.subf %add3A_980, %mul3A_976 : vector<16xf32>
      %mul3A_982 = arith.constant 5.000000e-01 : f32
      %mul3A_983 = vector.broadcast %mul3A_982 : f32 to vector<16xf32>
      %mul3A_984 = arith.mulf %mul3A_983, %sub3A_981 : vector<16xf32>
      %gt3A_985 = arith.cmpf ogt, %mul3A_976, %mul3A_984 : vector<16xf32>
      %eq3A_986 = arith.cmpf oeq, %get3A_963, %broadcast_in_dim3A_371 : vector<16xf32>
      %and3A_987 = arith.andi %gt3A_985, %eq3A_986 : vector<16xi1>
      %broadcast_in_dim3A_988 = vector.broadcast %scan3A_379 : f32 to vector<16xf32>
      %select_n3A_989 = arith.select %and3A_987, %broadcast_in_dim3A_988, %get3A_948 : vector<16xi1>, vector<16xf32>
      %swap3A_990 = arith.index_cast %mul3A_943 : i32 to index
      %swap3A_991 = tpu.vector_load %arg4[%swap3A_990] {strides = array<i32>} : memref<2688xf32, #tpu.memory_space<vmem>>, vector<16xf32>,
      %swap3A_992 = vector.shape_cast %swap3A_991 : vector<16xf32> to vector<16xf32>
      %swap3A_993 = vector.shape_cast %select_n3A_989 : vector<16xf32> to vector<16xf32>
      tpu.vector_store %arg4[%swap3A_990], %swap3A_993 {strides = array<i32>} : memref<2688xf32, #tpu.memory_space<vmem>>, vector<16xf32>,
      %gt3A_994 = arith.cmpf ogt, %select_n3A_989, %select_n3A_938 : vector<16xf32>
      %select_n3A_995 = arith.select %gt3A_994, %select_n3A_989, %select_n3A_938 : vector<16xi1>, vector<16xf32>
      %select_n3A_996 = arith.select %gt3A_994, %add3A_945, %select_n3A_939 : vector<16xi1>, vector<16xi32>
      %scan3A_997 = arith.constant 2 : i32
      %scan3A_998 = arith.addi %scan3A_884, %scan3A_997 : i32
      %mul3A_999 = arith.constant 16 : i32
      %mul3A_1000 = arith.muli %scan3A_998, %mul3A_999 : i32
      %add3A_1001 = vector.broadcast %mul3A_1000 : i32 to vector<16xi32>
      %add3A_1002 = arith.addi %add3A_1001, %iota3A : vector<16xi32>
      %get3A_1003 = arith.index_cast %mul3A_1000 : i32 to index
      %get3A_1004 = tpu.vector_load %arg4[%get3A_1003] {strides = array<i32>} : memref<2688xf32, #tpu.memory_space<vmem>>, vector<16xf32>,
      %get3A_1005 = vector.shape_cast %get3A_1004 : vector<16xf32> to vector<16xf32>
      %get3A_1006 = arith.index_cast %mul3A_1000 : i32 to index
      %get3A_1007 = tpu.vector_load %arg5[%get3A_1006] {strides = array<i32>} : memref<2688xf32, #tpu.memory_space<vmem>>, vector<16xf32>,
      %get3A_1008 = vector.shape_cast %get3A_1007 : vector<16xf32> to vector<16xf32>
      %get3A_1009 = arith.index_cast %mul3A_1000 : i32 to index
      %get3A_1010 = tpu.vector_load %arg6[%get3A_1009] {strides = array<i32>} : memref<2688xf32, #tpu.memory_space<vmem>>, vector<16xf32>,
      %get3A_1011 = vector.shape_cast %get3A_1010 : vector<16xf32> to vector<16xf32>
      %get3A_1012 = arith.index_cast %mul3A_1000 : i32 to index
      %get3A_1013 = tpu.vector_load %arg7[%get3A_1012] {strides = array<i32>} : memref<2688xf32, #tpu.memory_space<vmem>>, vector<16xf32>,
      %get3A_1014 = vector.shape_cast %get3A_1013 : vector<16xf32> to vector<16xf32>
      %get3A_1015 = arith.index_cast %mul3A_1000 : i32 to index
      %get3A_1016 = tpu.vector_load %arg8[%get3A_1015] {strides = array<i32>} : memref<2688xf32, #tpu.memory_space<vmem>>, vector<16xf32>,
      %get3A_1017 = vector.shape_cast %get3A_1016 : vector<16xf32> to vector<16xf32>
      %get3A_1018 = arith.index_cast %mul3A_1000 : i32 to index
      %get3A_1019 = tpu.vector_load %arg9[%get3A_1018] {strides = array<i32>} : memref<2688xf32, #tpu.memory_space<vmem>>, vector<16xf32>,
      %get3A_1020 = vector.shape_cast %get3A_1019 : vector<16xf32> to vector<16xf32>
      %max3A_1021 = arith.maximumf %broadcast_in_dim3A_359, %get3A_1008 : vector<16xf32>
      %max3A_1022 = arith.maximumf %broadcast_in_dim3A_362, %get3A_1011 : vector<16xf32>
      %min3A_1023 = arith.minimumf %broadcast_in_dim3A_365, %get3A_1014 : vector<16xf32>
      %min3A_1024 = arith.minimumf %broadcast_in_dim3A_368, %get3A_1017 : vector<16xf32>
      %sub3A_1025 = arith.subf %min3A_1023, %max3A_1021 : vector<16xf32>
      %max3A_1026 = arith.constant 0.000000e+00 : f32
      %max3A_1027 = vector.broadcast %max3A_1026 : f32 to vector<16xf32>
      %max3A_1028 = arith.maximumf %sub3A_1025, %max3A_1027 : vector<16xf32>
      %sub3A_1029 = arith.subf %min3A_1024, %max3A_1022 : vector<16xf32>
      %max3A_1030 = arith.constant 0.000000e+00 : f32
      %max3A_1031 = vector.broadcast %max3A_1030 : f32 to vector<16xf32>
      %max3A_1032 = arith.maximumf %sub3A_1029, %max3A_1031 : vector<16xf32>
      %mul3A_1033 = arith.mulf %max3A_1028, %max3A_1032 : vector<16xf32>
      %sub3A_1034 = arith.subf %get3A_1014, %get3A_1008 : vector<16xf32>
      %sub3A_1035 = arith.subf %get3A_1017, %get3A_1011 : vector<16xf32>
      %mul3A_1036 = arith.mulf %sub3A_1034, %sub3A_1035 : vector<16xf32>
      %add3A_1037 = arith.addf %broadcast_in_dim3A_374, %mul3A_1036 : vector<16xf32>
      %sub3A_1038 = arith.subf %add3A_1037, %mul3A_1033 : vector<16xf32>
      %mul3A_1039 = arith.constant 5.000000e-01 : f32
      %mul3A_1040 = vector.broadcast %mul3A_1039 : f32 to vector<16xf32>
      %mul3A_1041 = arith.mulf %mul3A_1040, %sub3A_1038 : vector<16xf32>
      %gt3A_1042 = arith.cmpf ogt, %mul3A_1033, %mul3A_1041 : vector<16xf32>
      %eq3A_1043 = arith.cmpf oeq, %get3A_1020, %broadcast_in_dim3A_371 : vector<16xf32>
      %and3A_1044 = arith.andi %gt3A_1042, %eq3A_1043 : vector<16xi1>
      %broadcast_in_dim3A_1045 = vector.broadcast %scan3A_379 : f32 to vector<16xf32>
      %select_n3A_1046 = arith.select %and3A_1044, %broadcast_in_dim3A_1045, %get3A_1005 : vector<16xi1>, vector<16xf32>
      %swap3A_1047 = arith.index_cast %mul3A_1000 : i32 to index
      %swap3A_1048 = tpu.vector_load %arg4[%swap3A_1047] {strides = array<i32>} : memref<2688xf32, #tpu.memory_space<vmem>>, vector<16xf32>,
      %swap3A_1049 = vector.shape_cast %swap3A_1048 : vector<16xf32> to vector<16xf32>
      %swap3A_1050 = vector.shape_cast %select_n3A_1046 : vector<16xf32> to vector<16xf32>
      tpu.vector_store %arg4[%swap3A_1047], %swap3A_1050 {strides = array<i32>} : memref<2688xf32, #tpu.memory_space<vmem>>, vector<16xf32>,
      %gt3A_1051 = arith.cmpf ogt, %select_n3A_1046, %select_n3A_995 : vector<16xf32>
      %select_n3A_1052 = arith.select %gt3A_1051, %select_n3A_1046, %select_n3A_995 : vector<16xi1>, vector<16xf32>
      %select_n3A_1053 = arith.select %gt3A_1051, %add3A_1002, %select_n3A_996 : vector<16xi1>, vector<16xi32>
      %scan3A_1054 = arith.constant 3 : i32
      %scan3A_1055 = arith.addi %scan3A_884, %scan3A_1054 : i32
      %mul3A_1056 = arith.constant 16 : i32
      %mul3A_1057 = arith.muli %scan3A_1055, %mul3A_1056 : i32
      %add3A_1058 = vector.broadcast %mul3A_1057 : i32 to vector<16xi32>
      %add3A_1059 = arith.addi %add3A_1058, %iota3A : vector<16xi32>
      %get3A_1060 = arith.index_cast %mul3A_1057 : i32 to index
      %get3A_1061 = tpu.vector_load %arg4[%get3A_1060] {strides = array<i32>} : memref<2688xf32, #tpu.memory_space<vmem>>, vector<16xf32>,
      %get3A_1062 = vector.shape_cast %get3A_1061 : vector<16xf32> to vector<16xf32>
      %get3A_1063 = arith.index_cast %mul3A_1057 : i32 to index
      %get3A_1064 = tpu.vector_load %arg5[%get3A_1063] {strides = array<i32>} : memref<2688xf32, #tpu.memory_space<vmem>>, vector<16xf32>,
      %get3A_1065 = vector.shape_cast %get3A_1064 : vector<16xf32> to vector<16xf32>
      %get3A_1066 = arith.index_cast %mul3A_1057 : i32 to index
      %get3A_1067 = tpu.vector_load %arg6[%get3A_1066] {strides = array<i32>} : memref<2688xf32, #tpu.memory_space<vmem>>, vector<16xf32>,
      %get3A_1068 = vector.shape_cast %get3A_1067 : vector<16xf32> to vector<16xf32>
      %get3A_1069 = arith.index_cast %mul3A_1057 : i32 to index
      %get3A_1070 = tpu.vector_load %arg7[%get3A_1069] {strides = array<i32>} : memref<2688xf32, #tpu.memory_space<vmem>>, vector<16xf32>,
      %get3A_1071 = vector.shape_cast %get3A_1070 : vector<16xf32> to vector<16xf32>
      %get3A_1072 = arith.index_cast %mul3A_1057 : i32 to index
      %get3A_1073 = tpu.vector_load %arg8[%get3A_1072] {strides = array<i32>} : memref<2688xf32, #tpu.memory_space<vmem>>, vector<16xf32>,
      %get3A_1074 = vector.shape_cast %get3A_1073 : vector<16xf32> to vector<16xf32>
      %get3A_1075 = arith.index_cast %mul3A_1057 : i32 to index
      %get3A_1076 = tpu.vector_load %arg9[%get3A_1075] {strides = array<i32>} : memref<2688xf32, #tpu.memory_space<vmem>>, vector<16xf32>,
      %get3A_1077 = vector.shape_cast %get3A_1076 : vector<16xf32> to vector<16xf32>
      %max3A_1078 = arith.maximumf %broadcast_in_dim3A_359, %get3A_1065 : vector<16xf32>
      %max3A_1079 = arith.maximumf %broadcast_in_dim3A_362, %get3A_1068 : vector<16xf32>
      %min3A_1080 = arith.minimumf %broadcast_in_dim3A_365, %get3A_1071 : vector<16xf32>
      %min3A_1081 = arith.minimumf %broadcast_in_dim3A_368, %get3A_1074 : vector<16xf32>
      %sub3A_1082 = arith.subf %min3A_1080, %max3A_1078 : vector<16xf32>
      %max3A_1083 = arith.constant 0.000000e+00 : f32
      %max3A_1084 = vector.broadcast %max3A_1083 : f32 to vector<16xf32>
      %max3A_1085 = arith.maximumf %sub3A_1082, %max3A_1084 : vector<16xf32>
      %sub3A_1086 = arith.subf %min3A_1081, %max3A_1079 : vector<16xf32>
      %max3A_1087 = arith.constant 0.000000e+00 : f32
      %max3A_1088 = vector.broadcast %max3A_1087 : f32 to vector<16xf32>
      %max3A_1089 = arith.maximumf %sub3A_1086, %max3A_1088 : vector<16xf32>
      %mul3A_1090 = arith.mulf %max3A_1085, %max3A_1089 : vector<16xf32>
      %sub3A_1091 = arith.subf %get3A_1071, %get3A_1065 : vector<16xf32>
      %sub3A_1092 = arith.subf %get3A_1074, %get3A_1068 : vector<16xf32>
      %mul3A_1093 = arith.mulf %sub3A_1091, %sub3A_1092 : vector<16xf32>
      %add3A_1094 = arith.addf %broadcast_in_dim3A_374, %mul3A_1093 : vector<16xf32>
      %sub3A_1095 = arith.subf %add3A_1094, %mul3A_1090 : vector<16xf32>
      %mul3A_1096 = arith.constant 5.000000e-01 : f32
      %mul3A_1097 = vector.broadcast %mul3A_1096 : f32 to vector<16xf32>
      %mul3A_1098 = arith.mulf %mul3A_1097, %sub3A_1095 : vector<16xf32>
      %gt3A_1099 = arith.cmpf ogt, %mul3A_1090, %mul3A_1098 : vector<16xf32>
      %eq3A_1100 = arith.cmpf oeq, %get3A_1077, %broadcast_in_dim3A_371 : vector<16xf32>
      %and3A_1101 = arith.andi %gt3A_1099, %eq3A_1100 : vector<16xi1>
      %broadcast_in_dim3A_1102 = vector.broadcast %scan3A_379 : f32 to vector<16xf32>
      %select_n3A_1103 = arith.select %and3A_1101, %broadcast_in_dim3A_1102, %get3A_1062 : vector<16xi1>, vector<16xf32>
      %swap3A_1104 = arith.index_cast %mul3A_1057 : i32 to index
      %swap3A_1105 = tpu.vector_load %arg4[%swap3A_1104] {strides = array<i32>} : memref<2688xf32, #tpu.memory_space<vmem>>, vector<16xf32>,
      %swap3A_1106 = vector.shape_cast %swap3A_1105 : vector<16xf32> to vector<16xf32>
      %swap3A_1107 = vector.shape_cast %select_n3A_1103 : vector<16xf32> to vector<16xf32>
      tpu.vector_store %arg4[%swap3A_1104], %swap3A_1107 {strides = array<i32>} : memref<2688xf32, #tpu.memory_space<vmem>>, vector<16xf32>,
      %gt3A_1108 = arith.cmpf ogt, %select_n3A_1103, %select_n3A_1052 : vector<16xf32>
      %select_n3A_1109 = arith.select %gt3A_1108, %select_n3A_1103, %select_n3A_1052 : vector<16xi1>, vector<16xf32>
      %select_n3A_1110 = arith.select %gt3A_1108, %add3A_1059, %select_n3A_1053 : vector<16xi1>, vector<16xi32>
      scf.yield %select_n3A_1109, %select_n3A_1110 : vector<16xf32>, vector<16xi32>
    }
    %scan3A_385 = arith.constant 160 : i32
    %swap3A_386 = arith.constant 0 : index
    %swap3A_387 = tpu.vector_load %arg14[%swap3A_386] {strides = array<i32>} : memref<32xf32, #tpu.memory_space<vmem>>, vector<16xf32>,
    %swap3A_388 = vector.shape_cast %swap3A_387 : vector<16xf32> to vector<16xf32>
    %swap3A_389 = vector.shape_cast %scan3A_384#0 : vector<16xf32> to vector<16xf32>
    tpu.vector_store %arg14[%swap3A_386], %swap3A_389 {strides = array<i32>} : memref<32xf32, #tpu.memory_space<vmem>>, vector<16xf32>,
    %swap3A_390 = arith.constant 16 : index
    %swap3A_391 = tpu.vector_load %arg14[%swap3A_390] {strides = array<i32>} : memref<32xf32, #tpu.memory_space<vmem>>, vector<16xf32>,
    %swap3A_392 = vector.shape_cast %swap3A_391 : vector<16xf32> to vector<16xf32>
    %swap3A_393 = vector.shape_cast %scan3A_384#0 : vector<16xf32> to vector<16xf32>
    tpu.vector_store %arg14[%swap3A_390], %swap3A_393 {strides = array<i32>} : memref<32xf32, #tpu.memory_space<vmem>>, vector<16xf32>,
    %swap3A_394 = arith.constant 0 : index
    %swap3A_395 = tpu.vector_load %arg15[%swap3A_394] {strides = array<i32>} : memref<32xi32, #tpu.memory_space<vmem>>, vector<16xi32>,
    %swap3A_396 = vector.shape_cast %swap3A_395 : vector<16xi32> to vector<16xi32>
    %swap3A_397 = vector.shape_cast %scan3A_384#1 : vector<16xi32> to vector<16xi32>
    tpu.vector_store %arg15[%swap3A_394], %swap3A_397 {strides = array<i32>} : memref<32xi32, #tpu.memory_space<vmem>>, vector<16xi32>,
    %swap3A_398 = arith.constant 16 : index
    %swap3A_399 = tpu.vector_load %arg15[%swap3A_398] {strides = array<i32>} : memref<32xi32, #tpu.memory_space<vmem>>, vector<16xi32>,
    %swap3A_400 = vector.shape_cast %swap3A_399 : vector<16xi32> to vector<16xi32>
    %swap3A_401 = vector.shape_cast %scan3A_384#1 : vector<16xi32> to vector<16xi32>
    tpu.vector_store %arg15[%swap3A_398], %swap3A_401 {strides = array<i32>} : memref<32xi32, #tpu.memory_space<vmem>>, vector<16xi32>,
    %get3A_402 = arith.constant 8 : index
    %get3A_403 = tpu.vector_load %arg14[%get3A_402] {strides = array<i32>} : memref<32xf32, #tpu.memory_space<vmem>>, vector<16xf32>,
    %get3A_404 = vector.shape_cast %get3A_403 : vector<16xf32> to vector<16xf32>
    %get3A_405 = arith.constant 8 : index
    %get3A_406 = tpu.vector_load %arg15[%get3A_405] {strides = array<i32>} : memref<32xi32, #tpu.memory_space<vmem>>, vector<16xi32>,
    %get3A_407 = vector.shape_cast %get3A_406 : vector<16xi32> to vector<16xi32>
    %gt3A_408 = arith.cmpf ogt, %get3A_404, %scan3A_384#0 : vector<16xf32>
    %eq3A_409 = arith.cmpf oeq, %get3A_404, %scan3A_384#0 : vector<16xf32>
    %lt3A_410 = arith.cmpi slt, %get3A_407, %scan3A_384#1 : vector<16xi32>
    %and3A_411 = arith.andi %eq3A_409, %lt3A_410 : vector<16xi1>
    %or3A_412 = arith.ori %gt3A_408, %and3A_411 : vector<16xi1>
    %select_n3A_413 = arith.select %or3A_412, %get3A_404, %scan3A_384#0 : vector<16xi1>, vector<16xf32>
    %select_n3A_414 = arith.select %or3A_412, %get3A_407, %scan3A_384#1 : vector<16xi1>, vector<16xi32>
    %swap3A_415 = arith.constant 0 : index
    %swap3A_416 = tpu.vector_load %arg14[%swap3A_415] {strides = array<i32>} : memref<32xf32, #tpu.memory_space<vmem>>, vector<16xf32>,
    %swap3A_417 = vector.shape_cast %swap3A_416 : vector<16xf32> to vector<16xf32>
    %swap3A_418 = vector.shape_cast %select_n3A_413 : vector<16xf32> to vector<16xf32>
    tpu.vector_store %arg14[%swap3A_415], %swap3A_418 {strides = array<i32>} : memref<32xf32, #tpu.memory_space<vmem>>, vector<16xf32>,
    %swap3A_419 = arith.constant 16 : index
    %swap3A_420 = tpu.vector_load %arg14[%swap3A_419] {strides = array<i32>} : memref<32xf32, #tpu.memory_space<vmem>>, vector<16xf32>,
    %swap3A_421 = vector.shape_cast %swap3A_420 : vector<16xf32> to vector<16xf32>
    %swap3A_422 = vector.shape_cast %select_n3A_413 : vector<16xf32> to vector<16xf32>
    tpu.vector_store %arg14[%swap3A_419], %swap3A_422 {strides = array<i32>} : memref<32xf32, #tpu.memory_space<vmem>>, vector<16xf32>,
    %swap3A_423 = arith.constant 0 : index
    %swap3A_424 = tpu.vector_load %arg15[%swap3A_423] {strides = array<i32>} : memref<32xi32, #tpu.memory_space<vmem>>, vector<16xi32>,
    %swap3A_425 = vector.shape_cast %swap3A_424 : vector<16xi32> to vector<16xi32>
    %swap3A_426 = vector.shape_cast %select_n3A_414 : vector<16xi32> to vector<16xi32>
    tpu.vector_store %arg15[%swap3A_423], %swap3A_426 {strides = array<i32>} : memref<32xi32, #tpu.memory_space<vmem>>, vector<16xi32>,
    %swap3A_427 = arith.constant 16 : index
    %swap3A_428 = tpu.vector_load %arg15[%swap3A_427] {strides = array<i32>} : memref<32xi32, #tpu.memory_space<vmem>>, vector<16xi32>,
    %swap3A_429 = vector.shape_cast %swap3A_428 : vector<16xi32> to vector<16xi32>
    %swap3A_430 = vector.shape_cast %select_n3A_414 : vector<16xi32> to vector<16xi32>
    tpu.vector_store %arg15[%swap3A_427], %swap3A_430 {strides = array<i32>} : memref<32xi32, #tpu.memory_space<vmem>>, vector<16xi32>,
    %get3A_431 = arith.constant 4 : index
    %get3A_432 = tpu.vector_load %arg14[%get3A_431] {strides = array<i32>} : memref<32xf32, #tpu.memory_space<vmem>>, vector<16xf32>,
    %get3A_433 = vector.shape_cast %get3A_432 : vector<16xf32> to vector<16xf32>
    %get3A_434 = arith.constant 4 : index
    %get3A_435 = tpu.vector_load %arg15[%get3A_434] {strides = array<i32>} : memref<32xi32, #tpu.memory_space<vmem>>, vector<16xi32>,
    %get3A_436 = vector.shape_cast %get3A_435 : vector<16xi32> to vector<16xi32>
    %gt3A_437 = arith.cmpf ogt, %get3A_433, %select_n3A_413 : vector<16xf32>
    %eq3A_438 = arith.cmpf oeq, %get3A_433, %select_n3A_413 : vector<16xf32>
    %lt3A_439 = arith.cmpi slt, %get3A_436, %select_n3A_414 : vector<16xi32>
    %and3A_440 = arith.andi %eq3A_438, %lt3A_439 : vector<16xi1>
    %or3A_441 = arith.ori %gt3A_437, %and3A_440 : vector<16xi1>
    %select_n3A_442 = arith.select %or3A_441, %get3A_433, %select_n3A_413 : vector<16xi1>, vector<16xf32>
    %select_n3A_443 = arith.select %or3A_441, %get3A_436, %select_n3A_414 : vector<16xi1>, vector<16xi32>
    %swap3A_444 = arith.constant 0 : index
    %swap3A_445 = tpu.vector_load %arg14[%swap3A_444] {strides = array<i32>} : memref<32xf32, #tpu.memory_space<vmem>>, vector<16xf32>,
    %swap3A_446 = vector.shape_cast %swap3A_445 : vector<16xf32> to vector<16xf32>
    %swap3A_447 = vector.shape_cast %select_n3A_442 : vector<16xf32> to vector<16xf32>
    tpu.vector_store %arg14[%swap3A_444], %swap3A_447 {strides = array<i32>} : memref<32xf32, #tpu.memory_space<vmem>>, vector<16xf32>,
    %swap3A_448 = arith.constant 16 : index
    %swap3A_449 = tpu.vector_load %arg14[%swap3A_448] {strides = array<i32>} : memref<32xf32, #tpu.memory_space<vmem>>, vector<16xf32>,
    %swap3A_450 = vector.shape_cast %swap3A_449 : vector<16xf32> to vector<16xf32>
    %swap3A_451 = vector.shape_cast %select_n3A_442 : vector<16xf32> to vector<16xf32>
    tpu.vector_store %arg14[%swap3A_448], %swap3A_451 {strides = array<i32>} : memref<32xf32, #tpu.memory_space<vmem>>, vector<16xf32>,
    %swap3A_452 = arith.constant 0 : index
    %swap3A_453 = tpu.vector_load %arg15[%swap3A_452] {strides = array<i32>} : memref<32xi32, #tpu.memory_space<vmem>>, vector<16xi32>,
    %swap3A_454 = vector.shape_cast %swap3A_453 : vector<16xi32> to vector<16xi32>
    %swap3A_455 = vector.shape_cast %select_n3A_443 : vector<16xi32> to vector<16xi32>
    tpu.vector_store %arg15[%swap3A_452], %swap3A_455 {strides = array<i32>} : memref<32xi32, #tpu.memory_space<vmem>>, vector<16xi32>,
    %swap3A_456 = arith.constant 16 : index
    %swap3A_457 = tpu.vector_load %arg15[%swap3A_456] {strides = array<i32>} : memref<32xi32, #tpu.memory_space<vmem>>, vector<16xi32>,
    %swap3A_458 = vector.shape_cast %swap3A_457 : vector<16xi32> to vector<16xi32>
    %swap3A_459 = vector.shape_cast %select_n3A_443 : vector<16xi32> to vector<16xi32>
    tpu.vector_store %arg15[%swap3A_456], %swap3A_459 {strides = array<i32>} : memref<32xi32, #tpu.memory_space<vmem>>, vector<16xi32>,
    %get3A_460 = arith.constant 2 : index
    %get3A_461 = tpu.vector_load %arg14[%get3A_460] {strides = array<i32>} : memref<32xf32, #tpu.memory_space<vmem>>, vector<16xf32>,
    %get3A_462 = vector.shape_cast %get3A_461 : vector<16xf32> to vector<16xf32>
    %get3A_463 = arith.constant 2 : index
    %get3A_464 = tpu.vector_load %arg15[%get3A_463] {strides = array<i32>} : memref<32xi32, #tpu.memory_space<vmem>>, vector<16xi32>,
    %get3A_465 = vector.shape_cast %get3A_464 : vector<16xi32> to vector<16xi32>
    %gt3A_466 = arith.cmpf ogt, %get3A_462, %select_n3A_442 : vector<16xf32>
    %eq3A_467 = arith.cmpf oeq, %get3A_462, %select_n3A_442 : vector<16xf32>
    %lt3A_468 = arith.cmpi slt, %get3A_465, %select_n3A_443 : vector<16xi32>
    %and3A_469 = arith.andi %eq3A_467, %lt3A_468 : vector<16xi1>
    %or3A_470 = arith.ori %gt3A_466, %and3A_469 : vector<16xi1>
    %select_n3A_471 = arith.select %or3A_470, %get3A_462, %select_n3A_442 : vector<16xi1>, vector<16xf32>
    %select_n3A_472 = arith.select %or3A_470, %get3A_465, %select_n3A_443 : vector<16xi1>, vector<16xi32>
    %swap3A_473 = arith.constant 0 : index
    %swap3A_474 = tpu.vector_load %arg14[%swap3A_473] {strides = array<i32>} : memref<32xf32, #tpu.memory_space<vmem>>, vector<16xf32>,
    %swap3A_475 = vector.shape_cast %swap3A_474 : vector<16xf32> to vector<16xf32>
    %swap3A_476 = vector.shape_cast %select_n3A_471 : vector<16xf32> to vector<16xf32>
    tpu.vector_store %arg14[%swap3A_473], %swap3A_476 {strides = array<i32>} : memref<32xf32, #tpu.memory_space<vmem>>, vector<16xf32>,
    %swap3A_477 = arith.constant 16 : index
    %swap3A_478 = tpu.vector_load %arg14[%swap3A_477] {strides = array<i32>} : memref<32xf32, #tpu.memory_space<vmem>>, vector<16xf32>,
    %swap3A_479 = vector.shape_cast %swap3A_478 : vector<16xf32> to vector<16xf32>
    %swap3A_480 = vector.shape_cast %select_n3A_471 : vector<16xf32> to vector<16xf32>
    tpu.vector_store %arg14[%swap3A_477], %swap3A_480 {strides = array<i32>} : memref<32xf32, #tpu.memory_space<vmem>>, vector<16xf32>,
    %swap3A_481 = arith.constant 0 : index
    %swap3A_482 = tpu.vector_load %arg15[%swap3A_481] {strides = array<i32>} : memref<32xi32, #tpu.memory_space<vmem>>, vector<16xi32>,
    %swap3A_483 = vector.shape_cast %swap3A_482 : vector<16xi32> to vector<16xi32>
    %swap3A_484 = vector.shape_cast %select_n3A_472 : vector<16xi32> to vector<16xi32>
    tpu.vector_store %arg15[%swap3A_481], %swap3A_484 {strides = array<i32>} : memref<32xi32, #tpu.memory_space<vmem>>, vector<16xi32>,
    %swap3A_485 = arith.constant 16 : index
    %swap3A_486 = tpu.vector_load %arg15[%swap3A_485] {strides = array<i32>} : memref<32xi32, #tpu.memory_space<vmem>>, vector<16xi32>,
    %swap3A_487 = vector.shape_cast %swap3A_486 : vector<16xi32> to vector<16xi32>
    %swap3A_488 = vector.shape_cast %select_n3A_472 : vector<16xi32> to vector<16xi32>
    tpu.vector_store %arg15[%swap3A_485], %swap3A_488 {strides = array<i32>} : memref<32xi32, #tpu.memory_space<vmem>>, vector<16xi32>,
    %get3A_489 = arith.constant 1 : index
    %get3A_490 = tpu.vector_load %arg14[%get3A_489] {strides = array<i32>} : memref<32xf32, #tpu.memory_space<vmem>>, vector<16xf32>,
    %get3A_491 = vector.shape_cast %get3A_490 : vector<16xf32> to vector<16xf32>
    %get3A_492 = arith.constant 1 : index
    %get3A_493 = tpu.vector_load %arg15[%get3A_492] {strides = array<i32>} : memref<32xi32, #tpu.memory_space<vmem>>, vector<16xi32>,
    %get3A_494 = vector.shape_cast %get3A_493 : vector<16xi32> to vector<16xi32>
    %gt3A_495 = arith.cmpf ogt, %get3A_491, %select_n3A_471 : vector<16xf32>
    %eq3A_496 = arith.cmpf oeq, %get3A_491, %select_n3A_471 : vector<16xf32>
    %lt3A_497 = arith.cmpi slt, %get3A_494, %select_n3A_472 : vector<16xi32>
    %and3A_498 = arith.andi %eq3A_496, %lt3A_497 : vector<16xi1>
    %or3A_499 = arith.ori %gt3A_495, %and3A_498 : vector<16xi1>
    %select_n3A_500 = arith.select %or3A_499, %get3A_491, %select_n3A_471 : vector<16xi1>, vector<16xf32>
    %select_n3A_501 = arith.select %or3A_499, %get3A_494, %select_n3A_472 : vector<16xi1>, vector<16xi32>
    %add3A_502 = vector.broadcast %mul3A_4 : i32 to vector<16xi32>
    %add3A_503 = arith.addi %select_n3A_501, %add3A_502 : vector<16xi32>
    %convert_element_type3A_504 = arith.sitofp %add3A_503 : vector<16xi32> to vector<16xf32>
    %slice3A_505 = vector.extract_strided_slice %select_n3A_501 {offsets = [0], sizes = [1], strides = [1]} : vector<16xi32> to vector<1xi32>
    %squeeze3A_506 = vector.extract %slice3A_505[0] : i32 from vector<1xi32>
    %get3A_507 = arith.index_cast %squeeze3A_506 : i32 to index
    %get3A_508 = tpu.vector_load %arg5[%get3A_507] {strides = array<i32>} : memref<2688xf32, #tpu.memory_space<vmem>>, vector<16xf32>,
    %get3A_509 = vector.shape_cast %get3A_508 : vector<16xf32> to vector<16xf32>
    %slice3A_510 = vector.extract_strided_slice %get3A_509 {offsets = [0], sizes = [1], strides = [1]} : vector<16xf32> to vector<1xf32>
    %squeeze3A_511 = vector.extract %slice3A_510[0] : f32 from vector<1xf32>
    %broadcast_in_dim3A_512 = vector.broadcast %squeeze3A_511 : f32 to vector<16xf32>
    %get3A_513 = arith.index_cast %squeeze3A_506 : i32 to index
    %get3A_514 = tpu.vector_load %arg6[%get3A_513] {strides = array<i32>} : memref<2688xf32, #tpu.memory_space<vmem>>, vector<16xf32>,
    %get3A_515 = vector.shape_cast %get3A_514 : vector<16xf32> to vector<16xf32>
    %slice3A_516 = vector.extract_strided_slice %get3A_515 {offsets = [0], sizes = [1], strides = [1]} : vector<16xf32> to vector<1xf32>
    %squeeze3A_517 = vector.extract %slice3A_516[0] : f32 from vector<1xf32>
    %broadcast_in_dim3A_518 = vector.broadcast %squeeze3A_517 : f32 to vector<16xf32>
    %get3A_519 = arith.index_cast %squeeze3A_506 : i32 to index
    %get3A_520 = tpu.vector_load %arg7[%get3A_519] {strides = array<i32>} : memref<2688xf32, #tpu.memory_space<vmem>>, vector<16xf32>,
    %get3A_521 = vector.shape_cast %get3A_520 : vector<16xf32> to vector<16xf32>
    %slice3A_522 = vector.extract_strided_slice %get3A_521 {offsets = [0], sizes = [1], strides = [1]} : vector<16xf32> to vector<1xf32>
    %squeeze3A_523 = vector.extract %slice3A_522[0] : f32 from vector<1xf32>
    %broadcast_in_dim3A_524 = vector.broadcast %squeeze3A_523 : f32 to vector<16xf32>
    %get3A_525 = arith.index_cast %squeeze3A_506 : i32 to index
    %get3A_526 = tpu.vector_load %arg8[%get3A_525] {strides = array<i32>} : memref<2688xf32, #tpu.memory_space<vmem>>, vector<16xf32>,
    %get3A_527 = vector.shape_cast %get3A_526 : vector<16xf32> to vector<16xf32>
    %slice3A_528 = vector.extract_strided_slice %get3A_527 {offsets = [0], sizes = [1], strides = [1]} : vector<16xf32> to vector<1xf32>
    %squeeze3A_529 = vector.extract %slice3A_528[0] : f32 from vector<1xf32>
    %broadcast_in_dim3A_530 = vector.broadcast %squeeze3A_529 : f32 to vector<16xf32>
    %get3A_531 = arith.index_cast %squeeze3A_506 : i32 to index
    %get3A_532 = tpu.vector_load %arg9[%get3A_531] {strides = array<i32>} : memref<2688xf32, #tpu.memory_space<vmem>>, vector<16xf32>,
    %get3A_533 = vector.shape_cast %get3A_532 : vector<16xf32> to vector<16xf32>
    %slice3A_534 = vector.extract_strided_slice %get3A_533 {offsets = [0], sizes = [1], strides = [1]} : vector<16xf32> to vector<1xf32>
    %squeeze3A_535 = vector.extract %slice3A_534[0] : f32 from vector<1xf32>
    %broadcast_in_dim3A_536 = vector.broadcast %squeeze3A_535 : f32 to vector<16xf32>
    %sub3A_537 = arith.subf %broadcast_in_dim3A_524, %broadcast_in_dim3A_512 : vector<16xf32>
    %sub3A_538 = arith.subf %broadcast_in_dim3A_530, %broadcast_in_dim3A_518 : vector<16xf32>
    %mul3A_539 = arith.mulf %sub3A_537, %sub3A_538 : vector<16xf32>
    %eq3A_540 = arith.constant 1 : i32
    %eq3A_541 = vector.broadcast %eq3A_540 : i32 to vector<16xi32>
    %eq3A_542 = arith.cmpi eq, %iota3A, %eq3A_541 : vector<16xi32>
    %select_n3A_543 = arith.select %eq3A_542, %convert_element_type3A_504, %select_n3A_500 : vector<16xi1>, vector<16xf32>
    %eq3A_544 = arith.constant 2 : i32
    %eq3A_545 = vector.broadcast %eq3A_544 : i32 to vector<16xi32>
    %eq3A_546 = arith.cmpi eq, %iota3A, %eq3A_545 : vector<16xi32>
    %select_n3A_547 = arith.select %eq3A_546, %broadcast_in_dim3A_512, %select_n3A_543 : vector<16xi1>, vector<16xf32>
    %eq3A_548 = arith.constant 3 : i32
    %eq3A_549 = vector.broadcast %eq3A_548 : i32 to vector<16xi32>
    %eq3A_550 = arith.cmpi eq, %iota3A, %eq3A_549 : vector<16xi32>
    %select_n3A_551 = arith.select %eq3A_550, %broadcast_in_dim3A_518, %select_n3A_547 : vector<16xi1>, vector<16xf32>
    %eq3A_552 = arith.constant 4 : i32
    %eq3A_553 = vector.broadcast %eq3A_552 : i32 to vector<16xi32>
    %eq3A_554 = arith.cmpi eq, %iota3A, %eq3A_553 : vector<16xi32>
    %select_n3A_555 = arith.select %eq3A_554, %broadcast_in_dim3A_524, %select_n3A_551 : vector<16xi1>, vector<16xf32>
    %eq3A_556 = arith.constant 5 : i32
    %eq3A_557 = vector.broadcast %eq3A_556 : i32 to vector<16xi32>
    %eq3A_558 = arith.cmpi eq, %iota3A, %eq3A_557 : vector<16xi32>
    %select_n3A_559 = arith.select %eq3A_558, %broadcast_in_dim3A_530, %select_n3A_555 : vector<16xi1>, vector<16xf32>
    %eq3A_560 = arith.constant 6 : i32
    %eq3A_561 = vector.broadcast %eq3A_560 : i32 to vector<16xi32>
    %eq3A_562 = arith.cmpi eq, %iota3A, %eq3A_561 : vector<16xi32>
    %select_n3A_563 = arith.select %eq3A_562, %broadcast_in_dim3A_536, %select_n3A_559 : vector<16xi1>, vector<16xf32>
    %eq3A_564 = arith.constant 7 : i32
    %eq3A_565 = vector.broadcast %eq3A_564 : i32 to vector<16xi32>
    %eq3A_566 = arith.cmpi eq, %iota3A, %eq3A_565 : vector<16xi32>
    %select_n3A_567 = arith.select %eq3A_566, %mul3A_539, %select_n3A_563 : vector<16xi1>, vector<16xf32>
    %swap3A_568 = arith.constant 0 : index
    %swap3A_569 = tpu.vector_load %arg10[%swap3A_568] {strides = array<i32>} : memref<16xf32, #tpu.memory_space<vmem>>, vector<16xf32>,
    %swap3A_570 = vector.shape_cast %swap3A_569 : vector<16xf32> to vector<16xf32>
    %swap3A_571 = vector.shape_cast %select_n3A_567 : vector<16xf32> to vector<16xf32>
    tpu.vector_store %arg10[%swap3A_568], %swap3A_571 {strides = array<i32>} : memref<16xf32, #tpu.memory_space<vmem>>, vector<16xf32>,
    %add3A_572 = arith.constant 16 : i32
    %add3A_573 = arith.addi %add3A_572, %arg1 : i32
    %mul3A_574 = arith.constant 16 : i32
    %mul3A_575 = arith.muli %add3A_573, %mul3A_574 : i32
    "tpu.region"() ({
      %run_scoped3A = tpu.sem_alloc : memref<!tpu.dma_semaphore, #tpu.memory_space<semaphore_mem>>
      %dma_start3A_884 = tpu.memref_slice %arg16[%mul3A_575] : memref<1024xf32, #tpu.memory_space<vmem_shared>> -> memref<16xf32, #tpu.memory_space<vmem_shared>>
      %dma_start3A_885 = tpu.memref_slice %arg16[%mul3A_575] : memref<1024xf32, #tpu.memory_space<vmem_shared>> -> memref<16xf32, #tpu.memory_space<vmem_shared>>
      tpu.enqueue_dma source(%arg10 : memref<16xf32, #tpu.memory_space<vmem>>) target(%dma_start3A_885 : memref<16xf32, #tpu.memory_space<vmem_shared>>) target_semaphore(%run_scoped3A : memref<!tpu.dma_semaphore, #tpu.memory_space<semaphore_mem>>)
      %dma_wait3A_886 = tpu.memref_slice %arg16[%mul3A_575] : memref<1024xf32, #tpu.memory_space<vmem_shared>> -> memref<16xf32, #tpu.memory_space<vmem_shared>>
      %dma_wait3A_887 = tpu.memref_slice %arg16[%mul3A_575] : memref<1024xf32, #tpu.memory_space<vmem_shared>> -> memref<16xf32, #tpu.memory_space<vmem_shared>>
      tpu.wait_dma2 semaphore(%run_scoped3A : memref<!tpu.dma_semaphore, #tpu.memory_space<semaphore_mem>>) src(%arg10 : memref<16xf32, #tpu.memory_space<vmem>>) dst(%dma_wait3A_887 : memref<16xf32, #tpu.memory_space<vmem_shared>>)
      tpu.yield
    }) : () -> ()
    %barrier3A_576 = arith.constant 0 : index
    tpu.barrier barrier_id(%barrier3A_576)
    %add3A_577 = arith.constant 16 : i32
    %add3A_578 = arith.addi %add3A_577, %select_n3A_10 : i32
    %mul3A_579 = arith.constant 16 : i32
    %mul3A_580 = arith.muli %add3A_578, %mul3A_579 : i32
    "tpu.region"() ({
      %run_scoped3A = tpu.sem_alloc : memref<!tpu.dma_semaphore, #tpu.memory_space<semaphore_mem>>
      %dma_start3A_884 = tpu.memref_slice %arg16[%mul3A_580] : memref<1024xf32, #tpu.memory_space<vmem_shared>> -> memref<16xf32, #tpu.memory_space<vmem_shared>>
      %dma_start3A_885 = tpu.memref_slice %arg16[%mul3A_580] : memref<1024xf32, #tpu.memory_space<vmem_shared>> -> memref<16xf32, #tpu.memory_space<vmem_shared>>
      tpu.enqueue_dma source(%dma_start3A_885 : memref<16xf32, #tpu.memory_space<vmem_shared>>) target(%arg11 : memref<16xf32, #tpu.memory_space<vmem>>) target_semaphore(%run_scoped3A : memref<!tpu.dma_semaphore, #tpu.memory_space<semaphore_mem>>)
      %dma_wait3A_886 = tpu.memref_slice %arg16[%mul3A_580] : memref<1024xf32, #tpu.memory_space<vmem_shared>> -> memref<16xf32, #tpu.memory_space<vmem_shared>>
      %dma_wait3A_887 = tpu.memref_slice %arg16[%mul3A_580] : memref<1024xf32, #tpu.memory_space<vmem_shared>> -> memref<16xf32, #tpu.memory_space<vmem_shared>>
      tpu.wait_dma2 semaphore(%run_scoped3A : memref<!tpu.dma_semaphore, #tpu.memory_space<semaphore_mem>>) src(%dma_wait3A_887 : memref<16xf32, #tpu.memory_space<vmem_shared>>) dst(%arg11 : memref<16xf32, #tpu.memory_space<vmem>>)
      tpu.yield
    }) : () -> ()
    %get3A_581 = arith.constant 0 : index
    %get3A_582 = tpu.vector_load %arg11[%get3A_581] {strides = array<i32>} : memref<16xf32, #tpu.memory_space<vmem>>, vector<16xf32>,
    %get3A_583 = vector.shape_cast %get3A_582 : vector<16xf32> to vector<16xf32>
    %slice3A_584 = vector.extract_strided_slice %get3A_583 {offsets = [0], sizes = [1], strides = [1]} : vector<16xf32> to vector<1xf32>
    %squeeze3A_585 = vector.extract %slice3A_584[0] : f32 from vector<1xf32>
    %slice3A_586 = vector.extract_strided_slice %select_n3A_500 {offsets = [0], sizes = [1], strides = [1]} : vector<16xf32> to vector<1xf32>
    %squeeze3A_587 = vector.extract %slice3A_586[0] : f32 from vector<1xf32>
    %gt3A_588 = arith.cmpf ogt, %squeeze3A_585, %squeeze3A_587 : f32
    %slice3A_589 = vector.extract_strided_slice %get3A_583 {offsets = [0], sizes = [1], strides = [1]} : vector<16xf32> to vector<1xf32>
    %squeeze3A_590 = vector.extract %slice3A_589[0] : f32 from vector<1xf32>
    %slice3A_591 = vector.extract_strided_slice %select_n3A_500 {offsets = [0], sizes = [1], strides = [1]} : vector<16xf32> to vector<1xf32>
    %squeeze3A_592 = vector.extract %slice3A_591[0] : f32 from vector<1xf32>
    %eq3A_593 = arith.cmpf oeq, %squeeze3A_590, %squeeze3A_592 : f32
    %slice3A_594 = vector.extract_strided_slice %get3A_583 {offsets = [1], sizes = [1], strides = [1]} : vector<16xf32> to vector<1xf32>
    %squeeze3A_595 = vector.extract %slice3A_594[0] : f32 from vector<1xf32>
    %slice3A_596 = vector.extract_strided_slice %convert_element_type3A_504 {offsets = [0], sizes = [1], strides = [1]} : vector<16xf32> to vector<1xf32>
    %squeeze3A_597 = vector.extract %slice3A_596[0] : f32 from vector<1xf32>
    %lt3A_598 = arith.cmpf olt, %squeeze3A_595, %squeeze3A_597 : f32
    %and3A_599 = arith.andi %eq3A_593, %lt3A_598 : i1
    %or3A_600 = arith.ori %gt3A_588, %and3A_599 : i1
    %select_n3A_601 = arith.select %or3A_600, %get3A_583, %select_n3A_567 : vector<16xf32>
    %slice3A_602 = vector.extract_strided_slice %select_n3A_601 {offsets = [1], sizes = [1], strides = [1]} : vector<16xf32> to vector<1xf32>
    %squeeze3A_603 = vector.extract %slice3A_602[0] : f32 from vector<1xf32>
    %convert_element_type3A_604 = arith.fptosi %squeeze3A_603 : f32 to i32
    %slice3A_605 = vector.extract_strided_slice %select_n3A_601 {offsets = [2], sizes = [1], strides = [1]} : vector<16xf32> to vector<1xf32>
    %squeeze3A_606 = vector.extract %slice3A_605[0] : f32 from vector<1xf32>
    %broadcast_in_dim3A_607 = vector.broadcast %squeeze3A_606 : f32 to vector<16xf32>
    %slice3A_608 = vector.extract_strided_slice %select_n3A_601 {offsets = [3], sizes = [1], strides = [1]} : vector<16xf32> to vector<1xf32>
    %squeeze3A_609 = vector.extract %slice3A_608[0] : f32 from vector<1xf32>
    %broadcast_in_dim3A_610 = vector.broadcast %squeeze3A_609 : f32 to vector<16xf32>
    %slice3A_611 = vector.extract_strided_slice %select_n3A_601 {offsets = [4], sizes = [1], strides = [1]} : vector<16xf32> to vector<1xf32>
    %squeeze3A_612 = vector.extract %slice3A_611[0] : f32 from vector<1xf32>
    %broadcast_in_dim3A_613 = vector.broadcast %squeeze3A_612 : f32 to vector<16xf32>
    %slice3A_614 = vector.extract_strided_slice %select_n3A_601 {offsets = [5], sizes = [1], strides = [1]} : vector<16xf32> to vector<1xf32>
    %squeeze3A_615 = vector.extract %slice3A_614[0] : f32 from vector<1xf32>
    %broadcast_in_dim3A_616 = vector.broadcast %squeeze3A_615 : f32 to vector<16xf32>
    %slice3A_617 = vector.extract_strided_slice %select_n3A_601 {offsets = [6], sizes = [1], strides = [1]} : vector<16xf32> to vector<1xf32>
    %squeeze3A_618 = vector.extract %slice3A_617[0] : f32 from vector<1xf32>
    %broadcast_in_dim3A_619 = vector.broadcast %squeeze3A_618 : f32 to vector<16xf32>
    %slice3A_620 = vector.extract_strided_slice %select_n3A_601 {offsets = [7], sizes = [1], strides = [1]} : vector<16xf32> to vector<1xf32>
    %squeeze3A_621 = vector.extract %slice3A_620[0] : f32 from vector<1xf32>
    %broadcast_in_dim3A_622 = vector.broadcast %squeeze3A_621 : f32 to vector<16xf32>
    %broadcast_in_dim3A_623 = arith.constant 0xFF800000 : f32
    %broadcast_in_dim3A_624 = vector.broadcast %broadcast_in_dim3A_623 : f32 to vector<16xf32>
    %broadcast_in_dim3A_625 = arith.constant 0 : i32
    %broadcast_in_dim3A_626 = vector.broadcast %broadcast_in_dim3A_625 : i32 to vector<16xi32>
    %scan3A_627 = arith.constant 0xFF800000 : f32
    %scan3A_628 = arith.constant 0 : i32
    %scan3A_629 = arith.constant 160 : i32
    %scan3A_630 = arith.addi %scan3A_628, %scan3A_629 : i32
    %scan3A_631 = arith.constant 4 : i32
    %scan3A_632:2 = scf.for %scan3A_884 = %scan3A_628 to %scan3A_630 step %scan3A_631 iter_args(%scan3A_885 = %broadcast_in_dim3A_624, %scan3A_886 = %broadcast_in_dim3A_626) -> (vector<16xf32>, vector<16xi32>)  : i32 {
      %mul3A_887 = arith.constant 16 : i32
      %mul3A_888 = arith.muli %scan3A_884, %mul3A_887 : i32
      %add3A_889 = vector.broadcast %mul3A_888 : i32 to vector<16xi32>
      %add3A_890 = arith.addi %add3A_889, %iota3A : vector<16xi32>
      %get3A_891 = arith.index_cast %mul3A_888 : i32 to index
      %get3A_892 = tpu.vector_load %arg4[%get3A_891] {strides = array<i32>} : memref<2688xf32, #tpu.memory_space<vmem>>, vector<16xf32>,
      %get3A_893 = vector.shape_cast %get3A_892 : vector<16xf32> to vector<16xf32>
      %get3A_894 = arith.index_cast %mul3A_888 : i32 to index
      %get3A_895 = tpu.vector_load %arg5[%get3A_894] {strides = array<i32>} : memref<2688xf32, #tpu.memory_space<vmem>>, vector<16xf32>,
      %get3A_896 = vector.shape_cast %get3A_895 : vector<16xf32> to vector<16xf32>
      %get3A_897 = arith.index_cast %mul3A_888 : i32 to index
      %get3A_898 = tpu.vector_load %arg6[%get3A_897] {strides = array<i32>} : memref<2688xf32, #tpu.memory_space<vmem>>, vector<16xf32>,
      %get3A_899 = vector.shape_cast %get3A_898 : vector<16xf32> to vector<16xf32>
      %get3A_900 = arith.index_cast %mul3A_888 : i32 to index
      %get3A_901 = tpu.vector_load %arg7[%get3A_900] {strides = array<i32>} : memref<2688xf32, #tpu.memory_space<vmem>>, vector<16xf32>,
      %get3A_902 = vector.shape_cast %get3A_901 : vector<16xf32> to vector<16xf32>
      %get3A_903 = arith.index_cast %mul3A_888 : i32 to index
      %get3A_904 = tpu.vector_load %arg8[%get3A_903] {strides = array<i32>} : memref<2688xf32, #tpu.memory_space<vmem>>, vector<16xf32>,
      %get3A_905 = vector.shape_cast %get3A_904 : vector<16xf32> to vector<16xf32>
      %get3A_906 = arith.index_cast %mul3A_888 : i32 to index
      %get3A_907 = tpu.vector_load %arg9[%get3A_906] {strides = array<i32>} : memref<2688xf32, #tpu.memory_space<vmem>>, vector<16xf32>,
      %get3A_908 = vector.shape_cast %get3A_907 : vector<16xf32> to vector<16xf32>
      %max3A = arith.maximumf %broadcast_in_dim3A_607, %get3A_896 : vector<16xf32>
      %max3A_909 = arith.maximumf %broadcast_in_dim3A_610, %get3A_899 : vector<16xf32>
      %min3A = arith.minimumf %broadcast_in_dim3A_613, %get3A_902 : vector<16xf32>
      %min3A_910 = arith.minimumf %broadcast_in_dim3A_616, %get3A_905 : vector<16xf32>
      %sub3A_911 = arith.subf %min3A, %max3A : vector<16xf32>
      %max3A_912 = arith.constant 0.000000e+00 : f32
      %max3A_913 = vector.broadcast %max3A_912 : f32 to vector<16xf32>
      %max3A_914 = arith.maximumf %sub3A_911, %max3A_913 : vector<16xf32>
      %sub3A_915 = arith.subf %min3A_910, %max3A_909 : vector<16xf32>
      %max3A_916 = arith.constant 0.000000e+00 : f32
      %max3A_917 = vector.broadcast %max3A_916 : f32 to vector<16xf32>
      %max3A_918 = arith.maximumf %sub3A_915, %max3A_917 : vector<16xf32>
      %mul3A_919 = arith.mulf %max3A_914, %max3A_918 : vector<16xf32>
      %sub3A_920 = arith.subf %get3A_902, %get3A_896 : vector<16xf32>
      %sub3A_921 = arith.subf %get3A_905, %get3A_899 : vector<16xf32>
      %mul3A_922 = arith.mulf %sub3A_920, %sub3A_921 : vector<16xf32>
      %add3A_923 = arith.addf %broadcast_in_dim3A_622, %mul3A_922 : vector<16xf32>
      %sub3A_924 = arith.subf %add3A_923, %mul3A_919 : vector<16xf32>
      %mul3A_925 = arith.constant 5.000000e-01 : f32
      %mul3A_926 = vector.broadcast %mul3A_925 : f32 to vector<16xf32>
      %mul3A_927 = arith.mulf %mul3A_926, %sub3A_924 : vector<16xf32>
      %gt3A_928 = arith.cmpf ogt, %mul3A_919, %mul3A_927 : vector<16xf32>
      %eq3A_929 = arith.cmpf oeq, %get3A_908, %broadcast_in_dim3A_619 : vector<16xf32>
      %and3A_930 = arith.andi %gt3A_928, %eq3A_929 : vector<16xi1>
      %broadcast_in_dim3A_931 = vector.broadcast %scan3A_627 : f32 to vector<16xf32>
      %select_n3A_932 = arith.select %and3A_930, %broadcast_in_dim3A_931, %get3A_893 : vector<16xi1>, vector<16xf32>
      %gt3A_933 = arith.cmpf ogt, %select_n3A_932, %scan3A_885 : vector<16xf32>
      %select_n3A_934 = arith.select %gt3A_933, %select_n3A_932, %scan3A_885 : vector<16xi1>, vector<16xf32>
      %select_n3A_935 = arith.select %gt3A_933, %add3A_890, %scan3A_886 : vector<16xi1>, vector<16xi32>
      %scan3A_936 = arith.constant 1 : i32
      %scan3A_937 = arith.addi %scan3A_884, %scan3A_936 : i32
      %mul3A_938 = arith.constant 16 : i32
      %mul3A_939 = arith.muli %scan3A_937, %mul3A_938 : i32
      %add3A_940 = vector.broadcast %mul3A_939 : i32 to vector<16xi32>
      %add3A_941 = arith.addi %add3A_940, %iota3A : vector<16xi32>
      %get3A_942 = arith.index_cast %mul3A_939 : i32 to index
      %get3A_943 = tpu.vector_load %arg4[%get3A_942] {strides = array<i32>} : memref<2688xf32, #tpu.memory_space<vmem>>, vector<16xf32>,
      %get3A_944 = vector.shape_cast %get3A_943 : vector<16xf32> to vector<16xf32>
      %get3A_945 = arith.index_cast %mul3A_939 : i32 to index
      %get3A_946 = tpu.vector_load %arg5[%get3A_945] {strides = array<i32>} : memref<2688xf32, #tpu.memory_space<vmem>>, vector<16xf32>,
      %get3A_947 = vector.shape_cast %get3A_946 : vector<16xf32> to vector<16xf32>
      %get3A_948 = arith.index_cast %mul3A_939 : i32 to index
      %get3A_949 = tpu.vector_load %arg6[%get3A_948] {strides = array<i32>} : memref<2688xf32, #tpu.memory_space<vmem>>, vector<16xf32>,
      %get3A_950 = vector.shape_cast %get3A_949 : vector<16xf32> to vector<16xf32>
      %get3A_951 = arith.index_cast %mul3A_939 : i32 to index
      %get3A_952 = tpu.vector_load %arg7[%get3A_951] {strides = array<i32>} : memref<2688xf32, #tpu.memory_space<vmem>>, vector<16xf32>,
      %get3A_953 = vector.shape_cast %get3A_952 : vector<16xf32> to vector<16xf32>
      %get3A_954 = arith.index_cast %mul3A_939 : i32 to index
      %get3A_955 = tpu.vector_load %arg8[%get3A_954] {strides = array<i32>} : memref<2688xf32, #tpu.memory_space<vmem>>, vector<16xf32>,
      %get3A_956 = vector.shape_cast %get3A_955 : vector<16xf32> to vector<16xf32>
      %get3A_957 = arith.index_cast %mul3A_939 : i32 to index
      %get3A_958 = tpu.vector_load %arg9[%get3A_957] {strides = array<i32>} : memref<2688xf32, #tpu.memory_space<vmem>>, vector<16xf32>,
      %get3A_959 = vector.shape_cast %get3A_958 : vector<16xf32> to vector<16xf32>
      %max3A_960 = arith.maximumf %broadcast_in_dim3A_607, %get3A_947 : vector<16xf32>
      %max3A_961 = arith.maximumf %broadcast_in_dim3A_610, %get3A_950 : vector<16xf32>
      %min3A_962 = arith.minimumf %broadcast_in_dim3A_613, %get3A_953 : vector<16xf32>
      %min3A_963 = arith.minimumf %broadcast_in_dim3A_616, %get3A_956 : vector<16xf32>
      %sub3A_964 = arith.subf %min3A_962, %max3A_960 : vector<16xf32>
      %max3A_965 = arith.constant 0.000000e+00 : f32
      %max3A_966 = vector.broadcast %max3A_965 : f32 to vector<16xf32>
      %max3A_967 = arith.maximumf %sub3A_964, %max3A_966 : vector<16xf32>
      %sub3A_968 = arith.subf %min3A_963, %max3A_961 : vector<16xf32>
      %max3A_969 = arith.constant 0.000000e+00 : f32
      %max3A_970 = vector.broadcast %max3A_969 : f32 to vector<16xf32>
      %max3A_971 = arith.maximumf %sub3A_968, %max3A_970 : vector<16xf32>
      %mul3A_972 = arith.mulf %max3A_967, %max3A_971 : vector<16xf32>
      %sub3A_973 = arith.subf %get3A_953, %get3A_947 : vector<16xf32>
      %sub3A_974 = arith.subf %get3A_956, %get3A_950 : vector<16xf32>
      %mul3A_975 = arith.mulf %sub3A_973, %sub3A_974 : vector<16xf32>
      %add3A_976 = arith.addf %broadcast_in_dim3A_622, %mul3A_975 : vector<16xf32>
      %sub3A_977 = arith.subf %add3A_976, %mul3A_972 : vector<16xf32>
      %mul3A_978 = arith.constant 5.000000e-01 : f32
      %mul3A_979 = vector.broadcast %mul3A_978 : f32 to vector<16xf32>
      %mul3A_980 = arith.mulf %mul3A_979, %sub3A_977 : vector<16xf32>
      %gt3A_981 = arith.cmpf ogt, %mul3A_972, %mul3A_980 : vector<16xf32>
      %eq3A_982 = arith.cmpf oeq, %get3A_959, %broadcast_in_dim3A_619 : vector<16xf32>
      %and3A_983 = arith.andi %gt3A_981, %eq3A_982 : vector<16xi1>
      %broadcast_in_dim3A_984 = vector.broadcast %scan3A_627 : f32 to vector<16xf32>
      %select_n3A_985 = arith.select %and3A_983, %broadcast_in_dim3A_984, %get3A_944 : vector<16xi1>, vector<16xf32>
      %gt3A_986 = arith.cmpf ogt, %select_n3A_985, %select_n3A_934 : vector<16xf32>
      %select_n3A_987 = arith.select %gt3A_986, %select_n3A_985, %select_n3A_934 : vector<16xi1>, vector<16xf32>
      %select_n3A_988 = arith.select %gt3A_986, %add3A_941, %select_n3A_935 : vector<16xi1>, vector<16xi32>
      %scan3A_989 = arith.constant 2 : i32
      %scan3A_990 = arith.addi %scan3A_884, %scan3A_989 : i32
      %mul3A_991 = arith.constant 16 : i32
      %mul3A_992 = arith.muli %scan3A_990, %mul3A_991 : i32
      %add3A_993 = vector.broadcast %mul3A_992 : i32 to vector<16xi32>
      %add3A_994 = arith.addi %add3A_993, %iota3A : vector<16xi32>
      %get3A_995 = arith.index_cast %mul3A_992 : i32 to index
      %get3A_996 = tpu.vector_load %arg4[%get3A_995] {strides = array<i32>} : memref<2688xf32, #tpu.memory_space<vmem>>, vector<16xf32>,
      %get3A_997 = vector.shape_cast %get3A_996 : vector<16xf32> to vector<16xf32>
      %get3A_998 = arith.index_cast %mul3A_992 : i32 to index
      %get3A_999 = tpu.vector_load %arg5[%get3A_998] {strides = array<i32>} : memref<2688xf32, #tpu.memory_space<vmem>>, vector<16xf32>,
      %get3A_1000 = vector.shape_cast %get3A_999 : vector<16xf32> to vector<16xf32>
      %get3A_1001 = arith.index_cast %mul3A_992 : i32 to index
      %get3A_1002 = tpu.vector_load %arg6[%get3A_1001] {strides = array<i32>} : memref<2688xf32, #tpu.memory_space<vmem>>, vector<16xf32>,
      %get3A_1003 = vector.shape_cast %get3A_1002 : vector<16xf32> to vector<16xf32>
      %get3A_1004 = arith.index_cast %mul3A_992 : i32 to index
      %get3A_1005 = tpu.vector_load %arg7[%get3A_1004] {strides = array<i32>} : memref<2688xf32, #tpu.memory_space<vmem>>, vector<16xf32>,
      %get3A_1006 = vector.shape_cast %get3A_1005 : vector<16xf32> to vector<16xf32>
      %get3A_1007 = arith.index_cast %mul3A_992 : i32 to index
      %get3A_1008 = tpu.vector_load %arg8[%get3A_1007] {strides = array<i32>} : memref<2688xf32, #tpu.memory_space<vmem>>, vector<16xf32>,
      %get3A_1009 = vector.shape_cast %get3A_1008 : vector<16xf32> to vector<16xf32>
      %get3A_1010 = arith.index_cast %mul3A_992 : i32 to index
      %get3A_1011 = tpu.vector_load %arg9[%get3A_1010] {strides = array<i32>} : memref<2688xf32, #tpu.memory_space<vmem>>, vector<16xf32>,
      %get3A_1012 = vector.shape_cast %get3A_1011 : vector<16xf32> to vector<16xf32>
      %max3A_1013 = arith.maximumf %broadcast_in_dim3A_607, %get3A_1000 : vector<16xf32>
      %max3A_1014 = arith.maximumf %broadcast_in_dim3A_610, %get3A_1003 : vector<16xf32>
      %min3A_1015 = arith.minimumf %broadcast_in_dim3A_613, %get3A_1006 : vector<16xf32>
      %min3A_1016 = arith.minimumf %broadcast_in_dim3A_616, %get3A_1009 : vector<16xf32>
      %sub3A_1017 = arith.subf %min3A_1015, %max3A_1013 : vector<16xf32>
      %max3A_1018 = arith.constant 0.000000e+00 : f32
      %max3A_1019 = vector.broadcast %max3A_1018 : f32 to vector<16xf32>
      %max3A_1020 = arith.maximumf %sub3A_1017, %max3A_1019 : vector<16xf32>
      %sub3A_1021 = arith.subf %min3A_1016, %max3A_1014 : vector<16xf32>
      %max3A_1022 = arith.constant 0.000000e+00 : f32
      %max3A_1023 = vector.broadcast %max3A_1022 : f32 to vector<16xf32>
      %max3A_1024 = arith.maximumf %sub3A_1021, %max3A_1023 : vector<16xf32>
      %mul3A_1025 = arith.mulf %max3A_1020, %max3A_1024 : vector<16xf32>
      %sub3A_1026 = arith.subf %get3A_1006, %get3A_1000 : vector<16xf32>
      %sub3A_1027 = arith.subf %get3A_1009, %get3A_1003 : vector<16xf32>
      %mul3A_1028 = arith.mulf %sub3A_1026, %sub3A_1027 : vector<16xf32>
      %add3A_1029 = arith.addf %broadcast_in_dim3A_622, %mul3A_1028 : vector<16xf32>
      %sub3A_1030 = arith.subf %add3A_1029, %mul3A_1025 : vector<16xf32>
      %mul3A_1031 = arith.constant 5.000000e-01 : f32
      %mul3A_1032 = vector.broadcast %mul3A_1031 : f32 to vector<16xf32>
      %mul3A_1033 = arith.mulf %mul3A_1032, %sub3A_1030 : vector<16xf32>
      %gt3A_1034 = arith.cmpf ogt, %mul3A_1025, %mul3A_1033 : vector<16xf32>
      %eq3A_1035 = arith.cmpf oeq, %get3A_1012, %broadcast_in_dim3A_619 : vector<16xf32>
      %and3A_1036 = arith.andi %gt3A_1034, %eq3A_1035 : vector<16xi1>
      %broadcast_in_dim3A_1037 = vector.broadcast %scan3A_627 : f32 to vector<16xf32>
      %select_n3A_1038 = arith.select %and3A_1036, %broadcast_in_dim3A_1037, %get3A_997 : vector<16xi1>, vector<16xf32>
      %gt3A_1039 = arith.cmpf ogt, %select_n3A_1038, %select_n3A_987 : vector<16xf32>
      %select_n3A_1040 = arith.select %gt3A_1039, %select_n3A_1038, %select_n3A_987 : vector<16xi1>, vector<16xf32>
      %select_n3A_1041 = arith.select %gt3A_1039, %add3A_994, %select_n3A_988 : vector<16xi1>, vector<16xi32>
      %scan3A_1042 = arith.constant 3 : i32
      %scan3A_1043 = arith.addi %scan3A_884, %scan3A_1042 : i32
      %mul3A_1044 = arith.constant 16 : i32
      %mul3A_1045 = arith.muli %scan3A_1043, %mul3A_1044 : i32
      %add3A_1046 = vector.broadcast %mul3A_1045 : i32 to vector<16xi32>
      %add3A_1047 = arith.addi %add3A_1046, %iota3A : vector<16xi32>
      %get3A_1048 = arith.index_cast %mul3A_1045 : i32 to index
      %get3A_1049 = tpu.vector_load %arg4[%get3A_1048] {strides = array<i32>} : memref<2688xf32, #tpu.memory_space<vmem>>, vector<16xf32>,
      %get3A_1050 = vector.shape_cast %get3A_1049 : vector<16xf32> to vector<16xf32>
      %get3A_1051 = arith.index_cast %mul3A_1045 : i32 to index
      %get3A_1052 = tpu.vector_load %arg5[%get3A_1051] {strides = array<i32>} : memref<2688xf32, #tpu.memory_space<vmem>>, vector<16xf32>,
      %get3A_1053 = vector.shape_cast %get3A_1052 : vector<16xf32> to vector<16xf32>
      %get3A_1054 = arith.index_cast %mul3A_1045 : i32 to index
      %get3A_1055 = tpu.vector_load %arg6[%get3A_1054] {strides = array<i32>} : memref<2688xf32, #tpu.memory_space<vmem>>, vector<16xf32>,
      %get3A_1056 = vector.shape_cast %get3A_1055 : vector<16xf32> to vector<16xf32>
      %get3A_1057 = arith.index_cast %mul3A_1045 : i32 to index
      %get3A_1058 = tpu.vector_load %arg7[%get3A_1057] {strides = array<i32>} : memref<2688xf32, #tpu.memory_space<vmem>>, vector<16xf32>,
      %get3A_1059 = vector.shape_cast %get3A_1058 : vector<16xf32> to vector<16xf32>
      %get3A_1060 = arith.index_cast %mul3A_1045 : i32 to index
      %get3A_1061 = tpu.vector_load %arg8[%get3A_1060] {strides = array<i32>} : memref<2688xf32, #tpu.memory_space<vmem>>, vector<16xf32>,
      %get3A_1062 = vector.shape_cast %get3A_1061 : vector<16xf32> to vector<16xf32>
      %get3A_1063 = arith.index_cast %mul3A_1045 : i32 to index
      %get3A_1064 = tpu.vector_load %arg9[%get3A_1063] {strides = array<i32>} : memref<2688xf32, #tpu.memory_space<vmem>>, vector<16xf32>,
      %get3A_1065 = vector.shape_cast %get3A_1064 : vector<16xf32> to vector<16xf32>
      %max3A_1066 = arith.maximumf %broadcast_in_dim3A_607, %get3A_1053 : vector<16xf32>
      %max3A_1067 = arith.maximumf %broadcast_in_dim3A_610, %get3A_1056 : vector<16xf32>
      %min3A_1068 = arith.minimumf %broadcast_in_dim3A_613, %get3A_1059 : vector<16xf32>
      %min3A_1069 = arith.minimumf %broadcast_in_dim3A_616, %get3A_1062 : vector<16xf32>
      %sub3A_1070 = arith.subf %min3A_1068, %max3A_1066 : vector<16xf32>
      %max3A_1071 = arith.constant 0.000000e+00 : f32
      %max3A_1072 = vector.broadcast %max3A_1071 : f32 to vector<16xf32>
      %max3A_1073 = arith.maximumf %sub3A_1070, %max3A_1072 : vector<16xf32>
      %sub3A_1074 = arith.subf %min3A_1069, %max3A_1067 : vector<16xf32>
      %max3A_1075 = arith.constant 0.000000e+00 : f32
      %max3A_1076 = vector.broadcast %max3A_1075 : f32 to vector<16xf32>
      %max3A_1077 = arith.maximumf %sub3A_1074, %max3A_1076 : vector<16xf32>
      %mul3A_1078 = arith.mulf %max3A_1073, %max3A_1077 : vector<16xf32>
      %sub3A_1079 = arith.subf %get3A_1059, %get3A_1053 : vector<16xf32>
      %sub3A_1080 = arith.subf %get3A_1062, %get3A_1056 : vector<16xf32>
      %mul3A_1081 = arith.mulf %sub3A_1079, %sub3A_1080 : vector<16xf32>
      %add3A_1082 = arith.addf %broadcast_in_dim3A_622, %mul3A_1081 : vector<16xf32>
      %sub3A_1083 = arith.subf %add3A_1082, %mul3A_1078 : vector<16xf32>
      %mul3A_1084 = arith.constant 5.000000e-01 : f32
      %mul3A_1085 = vector.broadcast %mul3A_1084 : f32 to vector<16xf32>
      %mul3A_1086 = arith.mulf %mul3A_1085, %sub3A_1083 : vector<16xf32>
      %gt3A_1087 = arith.cmpf ogt, %mul3A_1078, %mul3A_1086 : vector<16xf32>
      %eq3A_1088 = arith.cmpf oeq, %get3A_1065, %broadcast_in_dim3A_619 : vector<16xf32>
      %and3A_1089 = arith.andi %gt3A_1087, %eq3A_1088 : vector<16xi1>
      %broadcast_in_dim3A_1090 = vector.broadcast %scan3A_627 : f32 to vector<16xf32>
      %select_n3A_1091 = arith.select %and3A_1089, %broadcast_in_dim3A_1090, %get3A_1050 : vector<16xi1>, vector<16xf32>
      %gt3A_1092 = arith.cmpf ogt, %select_n3A_1091, %select_n3A_1040 : vector<16xf32>
      %select_n3A_1093 = arith.select %gt3A_1092, %select_n3A_1091, %select_n3A_1040 : vector<16xi1>, vector<16xf32>
      %select_n3A_1094 = arith.select %gt3A_1092, %add3A_1047, %select_n3A_1041 : vector<16xi1>, vector<16xi32>
      scf.yield %select_n3A_1093, %select_n3A_1094 : vector<16xf32>, vector<16xi32>
    }
    %scan3A_633 = arith.constant 160 : i32
    %swap3A_634 = arith.constant 0 : index
    %swap3A_635 = tpu.vector_load %arg14[%swap3A_634] {strides = array<i32>} : memref<32xf32, #tpu.memory_space<vmem>>, vector<16xf32>,
    %swap3A_636 = vector.shape_cast %swap3A_635 : vector<16xf32> to vector<16xf32>
    %swap3A_637 = vector.shape_cast %scan3A_632#0 : vector<16xf32> to vector<16xf32>
    tpu.vector_store %arg14[%swap3A_634], %swap3A_637 {strides = array<i32>} : memref<32xf32, #tpu.memory_space<vmem>>, vector<16xf32>,
    %swap3A_638 = arith.constant 16 : index
    %swap3A_639 = tpu.vector_load %arg14[%swap3A_638] {strides = array<i32>} : memref<32xf32, #tpu.memory_space<vmem>>, vector<16xf32>,
    %swap3A_640 = vector.shape_cast %swap3A_639 : vector<16xf32> to vector<16xf32>
    %swap3A_641 = vector.shape_cast %scan3A_632#0 : vector<16xf32> to vector<16xf32>
    tpu.vector_store %arg14[%swap3A_638], %swap3A_641 {strides = array<i32>} : memref<32xf32, #tpu.memory_space<vmem>>, vector<16xf32>,
    %swap3A_642 = arith.constant 0 : index
    %swap3A_643 = tpu.vector_load %arg15[%swap3A_642] {strides = array<i32>} : memref<32xi32, #tpu.memory_space<vmem>>, vector<16xi32>,
    %swap3A_644 = vector.shape_cast %swap3A_643 : vector<16xi32> to vector<16xi32>
    %swap3A_645 = vector.shape_cast %scan3A_632#1 : vector<16xi32> to vector<16xi32>
    tpu.vector_store %arg15[%swap3A_642], %swap3A_645 {strides = array<i32>} : memref<32xi32, #tpu.memory_space<vmem>>, vector<16xi32>,
    %swap3A_646 = arith.constant 16 : index
    %swap3A_647 = tpu.vector_load %arg15[%swap3A_646] {strides = array<i32>} : memref<32xi32, #tpu.memory_space<vmem>>, vector<16xi32>,
    %swap3A_648 = vector.shape_cast %swap3A_647 : vector<16xi32> to vector<16xi32>
    %swap3A_649 = vector.shape_cast %scan3A_632#1 : vector<16xi32> to vector<16xi32>
    tpu.vector_store %arg15[%swap3A_646], %swap3A_649 {strides = array<i32>} : memref<32xi32, #tpu.memory_space<vmem>>, vector<16xi32>,
    %get3A_650 = arith.constant 8 : index
    %get3A_651 = tpu.vector_load %arg14[%get3A_650] {strides = array<i32>} : memref<32xf32, #tpu.memory_space<vmem>>, vector<16xf32>,
    %get3A_652 = vector.shape_cast %get3A_651 : vector<16xf32> to vector<16xf32>
    %get3A_653 = arith.constant 8 : index
    %get3A_654 = tpu.vector_load %arg15[%get3A_653] {strides = array<i32>} : memref<32xi32, #tpu.memory_space<vmem>>, vector<16xi32>,
    %get3A_655 = vector.shape_cast %get3A_654 : vector<16xi32> to vector<16xi32>
    %gt3A_656 = arith.cmpf ogt, %get3A_652, %scan3A_632#0 : vector<16xf32>
    %eq3A_657 = arith.cmpf oeq, %get3A_652, %scan3A_632#0 : vector<16xf32>
    %lt3A_658 = arith.cmpi slt, %get3A_655, %scan3A_632#1 : vector<16xi32>
    %and3A_659 = arith.andi %eq3A_657, %lt3A_658 : vector<16xi1>
    %or3A_660 = arith.ori %gt3A_656, %and3A_659 : vector<16xi1>
    %select_n3A_661 = arith.select %or3A_660, %get3A_652, %scan3A_632#0 : vector<16xi1>, vector<16xf32>
    %select_n3A_662 = arith.select %or3A_660, %get3A_655, %scan3A_632#1 : vector<16xi1>, vector<16xi32>
    %swap3A_663 = arith.constant 0 : index
    %swap3A_664 = tpu.vector_load %arg14[%swap3A_663] {strides = array<i32>} : memref<32xf32, #tpu.memory_space<vmem>>, vector<16xf32>,
    %swap3A_665 = vector.shape_cast %swap3A_664 : vector<16xf32> to vector<16xf32>
    %swap3A_666 = vector.shape_cast %select_n3A_661 : vector<16xf32> to vector<16xf32>
    tpu.vector_store %arg14[%swap3A_663], %swap3A_666 {strides = array<i32>} : memref<32xf32, #tpu.memory_space<vmem>>, vector<16xf32>,
    %swap3A_667 = arith.constant 16 : index
    %swap3A_668 = tpu.vector_load %arg14[%swap3A_667] {strides = array<i32>} : memref<32xf32, #tpu.memory_space<vmem>>, vector<16xf32>,
    %swap3A_669 = vector.shape_cast %swap3A_668 : vector<16xf32> to vector<16xf32>
    %swap3A_670 = vector.shape_cast %select_n3A_661 : vector<16xf32> to vector<16xf32>
    tpu.vector_store %arg14[%swap3A_667], %swap3A_670 {strides = array<i32>} : memref<32xf32, #tpu.memory_space<vmem>>, vector<16xf32>,
    %swap3A_671 = arith.constant 0 : index
    %swap3A_672 = tpu.vector_load %arg15[%swap3A_671] {strides = array<i32>} : memref<32xi32, #tpu.memory_space<vmem>>, vector<16xi32>,
    %swap3A_673 = vector.shape_cast %swap3A_672 : vector<16xi32> to vector<16xi32>
    %swap3A_674 = vector.shape_cast %select_n3A_662 : vector<16xi32> to vector<16xi32>
    tpu.vector_store %arg15[%swap3A_671], %swap3A_674 {strides = array<i32>} : memref<32xi32, #tpu.memory_space<vmem>>, vector<16xi32>,
    %swap3A_675 = arith.constant 16 : index
    %swap3A_676 = tpu.vector_load %arg15[%swap3A_675] {strides = array<i32>} : memref<32xi32, #tpu.memory_space<vmem>>, vector<16xi32>,
    %swap3A_677 = vector.shape_cast %swap3A_676 : vector<16xi32> to vector<16xi32>
    %swap3A_678 = vector.shape_cast %select_n3A_662 : vector<16xi32> to vector<16xi32>
    tpu.vector_store %arg15[%swap3A_675], %swap3A_678 {strides = array<i32>} : memref<32xi32, #tpu.memory_space<vmem>>, vector<16xi32>,
    %get3A_679 = arith.constant 4 : index
    %get3A_680 = tpu.vector_load %arg14[%get3A_679] {strides = array<i32>} : memref<32xf32, #tpu.memory_space<vmem>>, vector<16xf32>,
    %get3A_681 = vector.shape_cast %get3A_680 : vector<16xf32> to vector<16xf32>
    %get3A_682 = arith.constant 4 : index
    %get3A_683 = tpu.vector_load %arg15[%get3A_682] {strides = array<i32>} : memref<32xi32, #tpu.memory_space<vmem>>, vector<16xi32>,
    %get3A_684 = vector.shape_cast %get3A_683 : vector<16xi32> to vector<16xi32>
    %gt3A_685 = arith.cmpf ogt, %get3A_681, %select_n3A_661 : vector<16xf32>
    %eq3A_686 = arith.cmpf oeq, %get3A_681, %select_n3A_661 : vector<16xf32>
    %lt3A_687 = arith.cmpi slt, %get3A_684, %select_n3A_662 : vector<16xi32>
    %and3A_688 = arith.andi %eq3A_686, %lt3A_687 : vector<16xi1>
    %or3A_689 = arith.ori %gt3A_685, %and3A_688 : vector<16xi1>
    %select_n3A_690 = arith.select %or3A_689, %get3A_681, %select_n3A_661 : vector<16xi1>, vector<16xf32>
    %select_n3A_691 = arith.select %or3A_689, %get3A_684, %select_n3A_662 : vector<16xi1>, vector<16xi32>
    %swap3A_692 = arith.constant 0 : index
    %swap3A_693 = tpu.vector_load %arg14[%swap3A_692] {strides = array<i32>} : memref<32xf32, #tpu.memory_space<vmem>>, vector<16xf32>,
    %swap3A_694 = vector.shape_cast %swap3A_693 : vector<16xf32> to vector<16xf32>
    %swap3A_695 = vector.shape_cast %select_n3A_690 : vector<16xf32> to vector<16xf32>
    tpu.vector_store %arg14[%swap3A_692], %swap3A_695 {strides = array<i32>} : memref<32xf32, #tpu.memory_space<vmem>>, vector<16xf32>,
    %swap3A_696 = arith.constant 16 : index
    %swap3A_697 = tpu.vector_load %arg14[%swap3A_696] {strides = array<i32>} : memref<32xf32, #tpu.memory_space<vmem>>, vector<16xf32>,
    %swap3A_698 = vector.shape_cast %swap3A_697 : vector<16xf32> to vector<16xf32>
    %swap3A_699 = vector.shape_cast %select_n3A_690 : vector<16xf32> to vector<16xf32>
    tpu.vector_store %arg14[%swap3A_696], %swap3A_699 {strides = array<i32>} : memref<32xf32, #tpu.memory_space<vmem>>, vector<16xf32>,
    %swap3A_700 = arith.constant 0 : index
    %swap3A_701 = tpu.vector_load %arg15[%swap3A_700] {strides = array<i32>} : memref<32xi32, #tpu.memory_space<vmem>>, vector<16xi32>,
    %swap3A_702 = vector.shape_cast %swap3A_701 : vector<16xi32> to vector<16xi32>
    %swap3A_703 = vector.shape_cast %select_n3A_691 : vector<16xi32> to vector<16xi32>
    tpu.vector_store %arg15[%swap3A_700], %swap3A_703 {strides = array<i32>} : memref<32xi32, #tpu.memory_space<vmem>>, vector<16xi32>,
    %swap3A_704 = arith.constant 16 : index
    %swap3A_705 = tpu.vector_load %arg15[%swap3A_704] {strides = array<i32>} : memref<32xi32, #tpu.memory_space<vmem>>, vector<16xi32>,
    %swap3A_706 = vector.shape_cast %swap3A_705 : vector<16xi32> to vector<16xi32>
    %swap3A_707 = vector.shape_cast %select_n3A_691 : vector<16xi32> to vector<16xi32>
    tpu.vector_store %arg15[%swap3A_704], %swap3A_707 {strides = array<i32>} : memref<32xi32, #tpu.memory_space<vmem>>, vector<16xi32>,
    %get3A_708 = arith.constant 2 : index
    %get3A_709 = tpu.vector_load %arg14[%get3A_708] {strides = array<i32>} : memref<32xf32, #tpu.memory_space<vmem>>, vector<16xf32>,
    %get3A_710 = vector.shape_cast %get3A_709 : vector<16xf32> to vector<16xf32>
    %get3A_711 = arith.constant 2 : index
    %get3A_712 = tpu.vector_load %arg15[%get3A_711] {strides = array<i32>} : memref<32xi32, #tpu.memory_space<vmem>>, vector<16xi32>,
    %get3A_713 = vector.shape_cast %get3A_712 : vector<16xi32> to vector<16xi32>
    %gt3A_714 = arith.cmpf ogt, %get3A_710, %select_n3A_690 : vector<16xf32>
    %eq3A_715 = arith.cmpf oeq, %get3A_710, %select_n3A_690 : vector<16xf32>
    %lt3A_716 = arith.cmpi slt, %get3A_713, %select_n3A_691 : vector<16xi32>
    %and3A_717 = arith.andi %eq3A_715, %lt3A_716 : vector<16xi1>
    %or3A_718 = arith.ori %gt3A_714, %and3A_717 : vector<16xi1>
    %select_n3A_719 = arith.select %or3A_718, %get3A_710, %select_n3A_690 : vector<16xi1>, vector<16xf32>
    %select_n3A_720 = arith.select %or3A_718, %get3A_713, %select_n3A_691 : vector<16xi1>, vector<16xi32>
    %swap3A_721 = arith.constant 0 : index
    %swap3A_722 = tpu.vector_load %arg14[%swap3A_721] {strides = array<i32>} : memref<32xf32, #tpu.memory_space<vmem>>, vector<16xf32>,
    %swap3A_723 = vector.shape_cast %swap3A_722 : vector<16xf32> to vector<16xf32>
    %swap3A_724 = vector.shape_cast %select_n3A_719 : vector<16xf32> to vector<16xf32>
    tpu.vector_store %arg14[%swap3A_721], %swap3A_724 {strides = array<i32>} : memref<32xf32, #tpu.memory_space<vmem>>, vector<16xf32>,
    %swap3A_725 = arith.constant 16 : index
    %swap3A_726 = tpu.vector_load %arg14[%swap3A_725] {strides = array<i32>} : memref<32xf32, #tpu.memory_space<vmem>>, vector<16xf32>,
    %swap3A_727 = vector.shape_cast %swap3A_726 : vector<16xf32> to vector<16xf32>
    %swap3A_728 = vector.shape_cast %select_n3A_719 : vector<16xf32> to vector<16xf32>
    tpu.vector_store %arg14[%swap3A_725], %swap3A_728 {strides = array<i32>} : memref<32xf32, #tpu.memory_space<vmem>>, vector<16xf32>,
    %swap3A_729 = arith.constant 0 : index
    %swap3A_730 = tpu.vector_load %arg15[%swap3A_729] {strides = array<i32>} : memref<32xi32, #tpu.memory_space<vmem>>, vector<16xi32>,
    %swap3A_731 = vector.shape_cast %swap3A_730 : vector<16xi32> to vector<16xi32>
    %swap3A_732 = vector.shape_cast %select_n3A_720 : vector<16xi32> to vector<16xi32>
    tpu.vector_store %arg15[%swap3A_729], %swap3A_732 {strides = array<i32>} : memref<32xi32, #tpu.memory_space<vmem>>, vector<16xi32>,
    %swap3A_733 = arith.constant 16 : index
    %swap3A_734 = tpu.vector_load %arg15[%swap3A_733] {strides = array<i32>} : memref<32xi32, #tpu.memory_space<vmem>>, vector<16xi32>,
    %swap3A_735 = vector.shape_cast %swap3A_734 : vector<16xi32> to vector<16xi32>
    %swap3A_736 = vector.shape_cast %select_n3A_720 : vector<16xi32> to vector<16xi32>
    tpu.vector_store %arg15[%swap3A_733], %swap3A_736 {strides = array<i32>} : memref<32xi32, #tpu.memory_space<vmem>>, vector<16xi32>,
    %get3A_737 = arith.constant 1 : index
    %get3A_738 = tpu.vector_load %arg14[%get3A_737] {strides = array<i32>} : memref<32xf32, #tpu.memory_space<vmem>>, vector<16xf32>,
    %get3A_739 = vector.shape_cast %get3A_738 : vector<16xf32> to vector<16xf32>
    %get3A_740 = arith.constant 1 : index
    %get3A_741 = tpu.vector_load %arg15[%get3A_740] {strides = array<i32>} : memref<32xi32, #tpu.memory_space<vmem>>, vector<16xi32>,
    %get3A_742 = vector.shape_cast %get3A_741 : vector<16xi32> to vector<16xi32>
    %gt3A_743 = arith.cmpf ogt, %get3A_739, %select_n3A_719 : vector<16xf32>
    %eq3A_744 = arith.cmpf oeq, %get3A_739, %select_n3A_719 : vector<16xf32>
    %lt3A_745 = arith.cmpi slt, %get3A_742, %select_n3A_720 : vector<16xi32>
    %and3A_746 = arith.andi %eq3A_744, %lt3A_745 : vector<16xi1>
    %or3A_747 = arith.ori %gt3A_743, %and3A_746 : vector<16xi1>
    %select_n3A_748 = arith.select %or3A_747, %get3A_739, %select_n3A_719 : vector<16xi1>, vector<16xf32>
    %select_n3A_749 = arith.select %or3A_747, %get3A_742, %select_n3A_720 : vector<16xi1>, vector<16xi32>
    %add3A_750 = vector.broadcast %mul3A_4 : i32 to vector<16xi32>
    %add3A_751 = arith.addi %select_n3A_749, %add3A_750 : vector<16xi32>
    %convert_element_type3A_752 = arith.sitofp %add3A_751 : vector<16xi32> to vector<16xf32>
    %slice3A_753 = vector.extract_strided_slice %select_n3A_749 {offsets = [0], sizes = [1], strides = [1]} : vector<16xi32> to vector<1xi32>
    %squeeze3A_754 = vector.extract %slice3A_753[0] : i32 from vector<1xi32>
    %get3A_755 = arith.index_cast %squeeze3A_754 : i32 to index
    %get3A_756 = tpu.vector_load %arg5[%get3A_755] {strides = array<i32>} : memref<2688xf32, #tpu.memory_space<vmem>>, vector<16xf32>,
    %get3A_757 = vector.shape_cast %get3A_756 : vector<16xf32> to vector<16xf32>
    %slice3A_758 = vector.extract_strided_slice %get3A_757 {offsets = [0], sizes = [1], strides = [1]} : vector<16xf32> to vector<1xf32>
    %squeeze3A_759 = vector.extract %slice3A_758[0] : f32 from vector<1xf32>
    %broadcast_in_dim3A_760 = vector.broadcast %squeeze3A_759 : f32 to vector<16xf32>
    %get3A_761 = arith.index_cast %squeeze3A_754 : i32 to index
    %get3A_762 = tpu.vector_load %arg6[%get3A_761] {strides = array<i32>} : memref<2688xf32, #tpu.memory_space<vmem>>, vector<16xf32>,
    %get3A_763 = vector.shape_cast %get3A_762 : vector<16xf32> to vector<16xf32>
    %slice3A_764 = vector.extract_strided_slice %get3A_763 {offsets = [0], sizes = [1], strides = [1]} : vector<16xf32> to vector<1xf32>
    %squeeze3A_765 = vector.extract %slice3A_764[0] : f32 from vector<1xf32>
    %broadcast_in_dim3A_766 = vector.broadcast %squeeze3A_765 : f32 to vector<16xf32>
    %get3A_767 = arith.index_cast %squeeze3A_754 : i32 to index
    %get3A_768 = tpu.vector_load %arg7[%get3A_767] {strides = array<i32>} : memref<2688xf32, #tpu.memory_space<vmem>>, vector<16xf32>,
    %get3A_769 = vector.shape_cast %get3A_768 : vector<16xf32> to vector<16xf32>
    %slice3A_770 = vector.extract_strided_slice %get3A_769 {offsets = [0], sizes = [1], strides = [1]} : vector<16xf32> to vector<1xf32>
    %squeeze3A_771 = vector.extract %slice3A_770[0] : f32 from vector<1xf32>
    %broadcast_in_dim3A_772 = vector.broadcast %squeeze3A_771 : f32 to vector<16xf32>
    %get3A_773 = arith.index_cast %squeeze3A_754 : i32 to index
    %get3A_774 = tpu.vector_load %arg8[%get3A_773] {strides = array<i32>} : memref<2688xf32, #tpu.memory_space<vmem>>, vector<16xf32>,
    %get3A_775 = vector.shape_cast %get3A_774 : vector<16xf32> to vector<16xf32>
    %slice3A_776 = vector.extract_strided_slice %get3A_775 {offsets = [0], sizes = [1], strides = [1]} : vector<16xf32> to vector<1xf32>
    %squeeze3A_777 = vector.extract %slice3A_776[0] : f32 from vector<1xf32>
    %broadcast_in_dim3A_778 = vector.broadcast %squeeze3A_777 : f32 to vector<16xf32>
    %get3A_779 = arith.index_cast %squeeze3A_754 : i32 to index
    %get3A_780 = tpu.vector_load %arg9[%get3A_779] {strides = array<i32>} : memref<2688xf32, #tpu.memory_space<vmem>>, vector<16xf32>,
    %get3A_781 = vector.shape_cast %get3A_780 : vector<16xf32> to vector<16xf32>
    %slice3A_782 = vector.extract_strided_slice %get3A_781 {offsets = [0], sizes = [1], strides = [1]} : vector<16xf32> to vector<1xf32>
    %squeeze3A_783 = vector.extract %slice3A_782[0] : f32 from vector<1xf32>
    %broadcast_in_dim3A_784 = vector.broadcast %squeeze3A_783 : f32 to vector<16xf32>
    %sub3A_785 = arith.subf %broadcast_in_dim3A_772, %broadcast_in_dim3A_760 : vector<16xf32>
    %sub3A_786 = arith.subf %broadcast_in_dim3A_778, %broadcast_in_dim3A_766 : vector<16xf32>
    %mul3A_787 = arith.mulf %sub3A_785, %sub3A_786 : vector<16xf32>
    %eq3A_788 = arith.constant 1 : i32
    %eq3A_789 = vector.broadcast %eq3A_788 : i32 to vector<16xi32>
    %eq3A_790 = arith.cmpi eq, %iota3A, %eq3A_789 : vector<16xi32>
    %select_n3A_791 = arith.select %eq3A_790, %convert_element_type3A_752, %select_n3A_748 : vector<16xi1>, vector<16xf32>
    %eq3A_792 = arith.constant 2 : i32
    %eq3A_793 = vector.broadcast %eq3A_792 : i32 to vector<16xi32>
    %eq3A_794 = arith.cmpi eq, %iota3A, %eq3A_793 : vector<16xi32>
    %select_n3A_795 = arith.select %eq3A_794, %broadcast_in_dim3A_760, %select_n3A_791 : vector<16xi1>, vector<16xf32>
    %eq3A_796 = arith.constant 3 : i32
    %eq3A_797 = vector.broadcast %eq3A_796 : i32 to vector<16xi32>
    %eq3A_798 = arith.cmpi eq, %iota3A, %eq3A_797 : vector<16xi32>
    %select_n3A_799 = arith.select %eq3A_798, %broadcast_in_dim3A_766, %select_n3A_795 : vector<16xi1>, vector<16xf32>
    %eq3A_800 = arith.constant 4 : i32
    %eq3A_801 = vector.broadcast %eq3A_800 : i32 to vector<16xi32>
    %eq3A_802 = arith.cmpi eq, %iota3A, %eq3A_801 : vector<16xi32>
    %select_n3A_803 = arith.select %eq3A_802, %broadcast_in_dim3A_772, %select_n3A_799 : vector<16xi1>, vector<16xf32>
    %eq3A_804 = arith.constant 5 : i32
    %eq3A_805 = vector.broadcast %eq3A_804 : i32 to vector<16xi32>
    %eq3A_806 = arith.cmpi eq, %iota3A, %eq3A_805 : vector<16xi32>
    %select_n3A_807 = arith.select %eq3A_806, %broadcast_in_dim3A_778, %select_n3A_803 : vector<16xi1>, vector<16xf32>
    %eq3A_808 = arith.constant 6 : i32
    %eq3A_809 = vector.broadcast %eq3A_808 : i32 to vector<16xi32>
    %eq3A_810 = arith.cmpi eq, %iota3A, %eq3A_809 : vector<16xi32>
    %select_n3A_811 = arith.select %eq3A_810, %broadcast_in_dim3A_784, %select_n3A_807 : vector<16xi1>, vector<16xf32>
    %eq3A_812 = arith.constant 7 : i32
    %eq3A_813 = vector.broadcast %eq3A_812 : i32 to vector<16xi32>
    %eq3A_814 = arith.cmpi eq, %iota3A, %eq3A_813 : vector<16xi32>
    %select_n3A_815 = arith.select %eq3A_814, %mul3A_787, %select_n3A_811 : vector<16xi1>, vector<16xf32>
    %swap3A_816 = arith.constant 0 : index
    %swap3A_817 = tpu.vector_load %arg10[%swap3A_816] {strides = array<i32>} : memref<16xf32, #tpu.memory_space<vmem>>, vector<16xf32>,
    %swap3A_818 = vector.shape_cast %swap3A_817 : vector<16xf32> to vector<16xf32>
    %swap3A_819 = vector.shape_cast %select_n3A_815 : vector<16xf32> to vector<16xf32>
    tpu.vector_store %arg10[%swap3A_816], %swap3A_819 {strides = array<i32>} : memref<16xf32, #tpu.memory_space<vmem>>, vector<16xf32>,
    %add3A_820 = arith.constant 32 : i32
    %add3A_821 = arith.addi %add3A_820, %arg1 : i32
    %mul3A_822 = arith.constant 16 : i32
    %mul3A_823 = arith.muli %add3A_821, %mul3A_822 : i32
    "tpu.region"() ({
      %run_scoped3A = tpu.sem_alloc : memref<!tpu.dma_semaphore, #tpu.memory_space<semaphore_mem>>
      %dma_start3A_884 = tpu.memref_slice %arg16[%mul3A_823] : memref<1024xf32, #tpu.memory_space<vmem_shared>> -> memref<16xf32, #tpu.memory_space<vmem_shared>>
      %dma_start3A_885 = tpu.memref_slice %arg16[%mul3A_823] : memref<1024xf32, #tpu.memory_space<vmem_shared>> -> memref<16xf32, #tpu.memory_space<vmem_shared>>
      tpu.enqueue_dma source(%arg10 : memref<16xf32, #tpu.memory_space<vmem>>) target(%dma_start3A_885 : memref<16xf32, #tpu.memory_space<vmem_shared>>) target_semaphore(%run_scoped3A : memref<!tpu.dma_semaphore, #tpu.memory_space<semaphore_mem>>)
      %dma_wait3A_886 = tpu.memref_slice %arg16[%mul3A_823] : memref<1024xf32, #tpu.memory_space<vmem_shared>> -> memref<16xf32, #tpu.memory_space<vmem_shared>>
      %dma_wait3A_887 = tpu.memref_slice %arg16[%mul3A_823] : memref<1024xf32, #tpu.memory_space<vmem_shared>> -> memref<16xf32, #tpu.memory_space<vmem_shared>>
      tpu.wait_dma2 semaphore(%run_scoped3A : memref<!tpu.dma_semaphore, #tpu.memory_space<semaphore_mem>>) src(%arg10 : memref<16xf32, #tpu.memory_space<vmem>>) dst(%dma_wait3A_887 : memref<16xf32, #tpu.memory_space<vmem_shared>>)
      tpu.yield
    }) : () -> ()
    %barrier3A_824 = arith.constant 0 : index
    tpu.barrier barrier_id(%barrier3A_824)
    %add3A_825 = arith.constant 32 : i32
    %add3A_826 = arith.addi %add3A_825, %select_n3A_10 : i32
    %mul3A_827 = arith.constant 16 : i32
    %mul3A_828 = arith.muli %add3A_826, %mul3A_827 : i32
    "tpu.region"() ({
      %run_scoped3A = tpu.sem_alloc : memref<!tpu.dma_semaphore, #tpu.memory_space<semaphore_mem>>
      %dma_start3A_884 = tpu.memref_slice %arg16[%mul3A_828] : memref<1024xf32, #tpu.memory_space<vmem_shared>> -> memref<16xf32, #tpu.memory_space<vmem_shared>>
      %dma_start3A_885 = tpu.memref_slice %arg16[%mul3A_828] : memref<1024xf32, #tpu.memory_space<vmem_shared>> -> memref<16xf32, #tpu.memory_space<vmem_shared>>
      tpu.enqueue_dma source(%dma_start3A_885 : memref<16xf32, #tpu.memory_space<vmem_shared>>) target(%arg11 : memref<16xf32, #tpu.memory_space<vmem>>) target_semaphore(%run_scoped3A : memref<!tpu.dma_semaphore, #tpu.memory_space<semaphore_mem>>)
      %dma_wait3A_886 = tpu.memref_slice %arg16[%mul3A_828] : memref<1024xf32, #tpu.memory_space<vmem_shared>> -> memref<16xf32, #tpu.memory_space<vmem_shared>>
      %dma_wait3A_887 = tpu.memref_slice %arg16[%mul3A_828] : memref<1024xf32, #tpu.memory_space<vmem_shared>> -> memref<16xf32, #tpu.memory_space<vmem_shared>>
      tpu.wait_dma2 semaphore(%run_scoped3A : memref<!tpu.dma_semaphore, #tpu.memory_space<semaphore_mem>>) src(%dma_wait3A_887 : memref<16xf32, #tpu.memory_space<vmem_shared>>) dst(%arg11 : memref<16xf32, #tpu.memory_space<vmem>>)
      tpu.yield
    }) : () -> ()
    %get3A_829 = arith.constant 0 : index
    %get3A_830 = tpu.vector_load %arg11[%get3A_829] {strides = array<i32>} : memref<16xf32, #tpu.memory_space<vmem>>, vector<16xf32>,
    %get3A_831 = vector.shape_cast %get3A_830 : vector<16xf32> to vector<16xf32>
    %slice3A_832 = vector.extract_strided_slice %get3A_831 {offsets = [0], sizes = [1], strides = [1]} : vector<16xf32> to vector<1xf32>
    %squeeze3A_833 = vector.extract %slice3A_832[0] : f32 from vector<1xf32>
    %slice3A_834 = vector.extract_strided_slice %select_n3A_748 {offsets = [0], sizes = [1], strides = [1]} : vector<16xf32> to vector<1xf32>
    %squeeze3A_835 = vector.extract %slice3A_834[0] : f32 from vector<1xf32>
    %gt3A_836 = arith.cmpf ogt, %squeeze3A_833, %squeeze3A_835 : f32
    %slice3A_837 = vector.extract_strided_slice %get3A_831 {offsets = [0], sizes = [1], strides = [1]} : vector<16xf32> to vector<1xf32>
    %squeeze3A_838 = vector.extract %slice3A_837[0] : f32 from vector<1xf32>
    %slice3A_839 = vector.extract_strided_slice %select_n3A_748 {offsets = [0], sizes = [1], strides = [1]} : vector<16xf32> to vector<1xf32>
    %squeeze3A_840 = vector.extract %slice3A_839[0] : f32 from vector<1xf32>
    %eq3A_841 = arith.cmpf oeq, %squeeze3A_838, %squeeze3A_840 : f32
    %slice3A_842 = vector.extract_strided_slice %get3A_831 {offsets = [1], sizes = [1], strides = [1]} : vector<16xf32> to vector<1xf32>
    %squeeze3A_843 = vector.extract %slice3A_842[0] : f32 from vector<1xf32>
    %slice3A_844 = vector.extract_strided_slice %convert_element_type3A_752 {offsets = [0], sizes = [1], strides = [1]} : vector<16xf32> to vector<1xf32>
    %squeeze3A_845 = vector.extract %slice3A_844[0] : f32 from vector<1xf32>
    %lt3A_846 = arith.cmpf olt, %squeeze3A_843, %squeeze3A_845 : f32
    %and3A_847 = arith.andi %eq3A_841, %lt3A_846 : i1
    %or3A_848 = arith.ori %gt3A_836, %and3A_847 : i1
    %select_n3A_849 = arith.select %or3A_848, %get3A_831, %select_n3A_815 : vector<16xf32>
    %slice3A_850 = vector.extract_strided_slice %select_n3A_849 {offsets = [1], sizes = [1], strides = [1]} : vector<16xf32> to vector<1xf32>
    %squeeze3A_851 = vector.extract %slice3A_850[0] : f32 from vector<1xf32>
    %convert_element_type3A_852 = arith.fptosi %squeeze3A_851 : f32 to i32
    %eq3A_853 = arith.constant 0 : i32
    %eq3A_854 = vector.broadcast %eq3A_853 : i32 to vector<16xi32>
    %eq3A_855 = arith.cmpi eq, %iota3A, %eq3A_854 : vector<16xi32>
    %eq3A_856 = arith.constant 1 : i32
    %eq3A_857 = vector.broadcast %eq3A_856 : i32 to vector<16xi32>
    %eq3A_858 = arith.cmpi eq, %iota3A, %eq3A_857 : vector<16xi32>
    %eq3A_859 = arith.constant 2 : i32
    %eq3A_860 = vector.broadcast %eq3A_859 : i32 to vector<16xi32>
    %eq3A_861 = arith.cmpi eq, %iota3A, %eq3A_860 : vector<16xi32>
    %jit3A_862 = arith.constant 0 : i32
    %broadcast_in_dim3A_863 = vector.broadcast %convert_element_type3A_852 : i32 to vector<16xi32>
    %broadcast_in_dim3A_864 = vector.broadcast %jit3A_862 : i32 to vector<16xi32>
    %select_n3A_865 = arith.select %eq3A_861, %broadcast_in_dim3A_863, %broadcast_in_dim3A_864 : vector<16xi1>, vector<16xi32>
    %broadcast_in_dim3A_866 = vector.broadcast %convert_element_type3A_604 : i32 to vector<16xi32>
    %select_n3A_867 = arith.select %eq3A_858, %broadcast_in_dim3A_866, %select_n3A_865 : vector<16xi1>, vector<16xi32>
    %broadcast_in_dim3A_868 = vector.broadcast %convert_element_type3A_301 : i32 to vector<16xi32>
    %select_n3A_869 = arith.select %eq3A_855, %broadcast_in_dim3A_868, %select_n3A_867 : vector<16xi1>, vector<16xi32>
    %convert_element_type3A_870 = arith.sitofp %select_n3A_869 : vector<16xi32> to vector<16xf32>
    %swap3A_871 = arith.constant 0 : index
    %swap3A_872 = tpu.vector_load %arg10[%swap3A_871] {strides = array<i32>} : memref<16xf32, #tpu.memory_space<vmem>>, vector<16xf32>,
    %swap3A_873 = vector.shape_cast %swap3A_872 : vector<16xf32> to vector<16xf32>
    %swap3A_874 = vector.shape_cast %convert_element_type3A_870 : vector<16xf32> to vector<16xf32>
    tpu.vector_store %arg10[%swap3A_871], %swap3A_874 {strides = array<i32>} : memref<16xf32, #tpu.memory_space<vmem>>, vector<16xf32>,
    %add3A_875 = arith.constant 48 : i32
    %add3A_876 = arith.addi %add3A_875, %arg1 : i32
    %mul3A_877 = arith.constant 16 : i32
    %mul3A_878 = arith.muli %add3A_876, %mul3A_877 : i32
    "tpu.region"() ({
      %run_scoped3A = tpu.sem_alloc : memref<!tpu.dma_semaphore, #tpu.memory_space<semaphore_mem>>
      %dma_start3A_884 = tpu.memref_slice %arg16[%mul3A_878] : memref<1024xf32, #tpu.memory_space<vmem_shared>> -> memref<16xf32, #tpu.memory_space<vmem_shared>>
      %dma_start3A_885 = tpu.memref_slice %arg16[%mul3A_878] : memref<1024xf32, #tpu.memory_space<vmem_shared>> -> memref<16xf32, #tpu.memory_space<vmem_shared>>
      tpu.enqueue_dma source(%arg10 : memref<16xf32, #tpu.memory_space<vmem>>) target(%dma_start3A_885 : memref<16xf32, #tpu.memory_space<vmem_shared>>) target_semaphore(%run_scoped3A : memref<!tpu.dma_semaphore, #tpu.memory_space<semaphore_mem>>)
      %dma_wait3A_886 = tpu.memref_slice %arg16[%mul3A_878] : memref<1024xf32, #tpu.memory_space<vmem_shared>> -> memref<16xf32, #tpu.memory_space<vmem_shared>>
      %dma_wait3A_887 = tpu.memref_slice %arg16[%mul3A_878] : memref<1024xf32, #tpu.memory_space<vmem_shared>> -> memref<16xf32, #tpu.memory_space<vmem_shared>>
      tpu.wait_dma2 semaphore(%run_scoped3A : memref<!tpu.dma_semaphore, #tpu.memory_space<semaphore_mem>>) src(%arg10 : memref<16xf32, #tpu.memory_space<vmem>>) dst(%dma_wait3A_887 : memref<16xf32, #tpu.memory_space<vmem_shared>>)
      tpu.yield
    }) : () -> ()
    %barrier3A_879 = arith.constant 0 : index
    tpu.barrier barrier_id(%barrier3A_879)
    %eq3A_880 = arith.constant 0 : i32
    %eq3A_881 = arith.cmpi eq, %arg1, %eq3A_880 : i32
    %convert_element_type3A_882 = arith.extui %eq3A_881 : i1 to i32
    %cond3A = arith.constant 0 : i32
    %cond3A_883 = arith.cmpi ne, %convert_element_type3A_882, %cond3A : i32
    scf.if %cond3A_883 {
      "tpu.region"() ({
        %run_scoped3A = tpu.sem_alloc : memref<!tpu.dma_semaphore, #tpu.memory_space<semaphore_mem>>
        %dma_start3A_1118 = arith.constant 768 : i32
        %dma_start3A_1119 = tpu.memref_slice %arg16[%dma_start3A_1118] : memref<1024xf32, #tpu.memory_space<vmem_shared>> -> memref<128xf32, #tpu.memory_space<vmem_shared>>
        %dma_start3A_1120 = arith.constant 768 : i32
        %dma_start3A_1121 = tpu.memref_slice %arg16[%dma_start3A_1120] : memref<1024xf32, #tpu.memory_space<vmem_shared>> -> memref<128xf32, #tpu.memory_space<vmem_shared>>
        tpu.enqueue_dma source(%dma_start3A_1121 : memref<128xf32, #tpu.memory_space<vmem_shared>>) target(%arg12 : memref<128xf32, #tpu.memory_space<vmem>>) target_semaphore(%run_scoped3A : memref<!tpu.dma_semaphore, #tpu.memory_space<semaphore_mem>>)
        %dma_wait3A_1122 = arith.constant 768 : i32
        %dma_wait3A_1123 = tpu.memref_slice %arg16[%dma_wait3A_1122] : memref<1024xf32, #tpu.memory_space<vmem_shared>> -> memref<128xf32, #tpu.memory_space<vmem_shared>>
        %dma_wait3A_1124 = arith.constant 768 : i32
        %dma_wait3A_1125 = tpu.memref_slice %arg16[%dma_wait3A_1124] : memref<1024xf32, #tpu.memory_space<vmem_shared>> -> memref<128xf32, #tpu.memory_space<vmem_shared>>
        tpu.wait_dma2 semaphore(%run_scoped3A : memref<!tpu.dma_semaphore, #tpu.memory_space<semaphore_mem>>) src(%dma_wait3A_1125 : memref<128xf32, #tpu.memory_space<vmem_shared>>) dst(%arg12 : memref<128xf32, #tpu.memory_space<vmem>>)
        tpu.yield
      }) : () -> ()
      %get3A_884 = arith.constant 0 : index
      %get3A_885 = tpu.vector_load %arg12[%get3A_884] {strides = array<i32>} : memref<128xf32, #tpu.memory_space<vmem>>, vector<16xf32>,
      %get3A_886 = vector.shape_cast %get3A_885 : vector<16xf32> to vector<16xf32>
      %get3A_887 = arith.constant 16 : index
      %get3A_888 = tpu.vector_load %arg12[%get3A_887] {strides = array<i32>} : memref<128xf32, #tpu.memory_space<vmem>>, vector<16xf32>,
      %get3A_889 = vector.shape_cast %get3A_888 : vector<16xf32> to vector<16xf32>
      %get3A_890 = arith.constant 32 : index
      %get3A_891 = tpu.vector_load %arg12[%get3A_890] {strides = array<i32>} : memref<128xf32, #tpu.memory_space<vmem>>, vector<16xf32>,
      %get3A_892 = vector.shape_cast %get3A_891 : vector<16xf32> to vector<16xf32>
      %get3A_893 = arith.constant 48 : index
      %get3A_894 = tpu.vector_load %arg12[%get3A_893] {strides = array<i32>} : memref<128xf32, #tpu.memory_space<vmem>>, vector<16xf32>,
      %get3A_895 = vector.shape_cast %get3A_894 : vector<16xf32> to vector<16xf32>
      %get3A_896 = arith.constant 64 : index
      %get3A_897 = tpu.vector_load %arg12[%get3A_896] {strides = array<i32>} : memref<128xf32, #tpu.memory_space<vmem>>, vector<16xf32>,
      %get3A_898 = vector.shape_cast %get3A_897 : vector<16xf32> to vector<16xf32>
      %get3A_899 = arith.constant 80 : index
      %get3A_900 = tpu.vector_load %arg12[%get3A_899] {strides = array<i32>} : memref<128xf32, #tpu.memory_space<vmem>>, vector<16xf32>,
      %get3A_901 = vector.shape_cast %get3A_900 : vector<16xf32> to vector<16xf32>
      %get3A_902 = arith.constant 96 : index
      %get3A_903 = tpu.vector_load %arg12[%get3A_902] {strides = array<i32>} : memref<128xf32, #tpu.memory_space<vmem>>, vector<16xf32>,
      %get3A_904 = vector.shape_cast %get3A_903 : vector<16xf32> to vector<16xf32>
      %get3A_905 = arith.constant 112 : index
      %get3A_906 = tpu.vector_load %arg12[%get3A_905] {strides = array<i32>} : memref<128xf32, #tpu.memory_space<vmem>>, vector<16xf32>,
      %get3A_907 = vector.shape_cast %get3A_906 : vector<16xf32> to vector<16xf32>
      %slice3A_908 = vector.extract_strided_slice %get3A_886 {offsets = [0], sizes = [1], strides = [1]} : vector<16xf32> to vector<1xf32>
      %squeeze3A_909 = vector.extract %slice3A_908[0] : f32 from vector<1xf32>
      %slice3A_910 = vector.extract_strided_slice %get3A_886 {offsets = [1], sizes = [1], strides = [1]} : vector<16xf32> to vector<1xf32>
      %squeeze3A_911 = vector.extract %slice3A_910[0] : f32 from vector<1xf32>
      %slice3A_912 = vector.extract_strided_slice %get3A_886 {offsets = [2], sizes = [1], strides = [1]} : vector<16xf32> to vector<1xf32>
      %squeeze3A_913 = vector.extract %slice3A_912[0] : f32 from vector<1xf32>
      %slice3A_914 = vector.extract_strided_slice %get3A_889 {offsets = [0], sizes = [1], strides = [1]} : vector<16xf32> to vector<1xf32>
      %squeeze3A_915 = vector.extract %slice3A_914[0] : f32 from vector<1xf32>
      %slice3A_916 = vector.extract_strided_slice %get3A_889 {offsets = [1], sizes = [1], strides = [1]} : vector<16xf32> to vector<1xf32>
      %squeeze3A_917 = vector.extract %slice3A_916[0] : f32 from vector<1xf32>
      %slice3A_918 = vector.extract_strided_slice %get3A_889 {offsets = [2], sizes = [1], strides = [1]} : vector<16xf32> to vector<1xf32>
      %squeeze3A_919 = vector.extract %slice3A_918[0] : f32 from vector<1xf32>
      %slice3A_920 = vector.extract_strided_slice %get3A_892 {offsets = [0], sizes = [1], strides = [1]} : vector<16xf32> to vector<1xf32>
      %squeeze3A_921 = vector.extract %slice3A_920[0] : f32 from vector<1xf32>
      %slice3A_922 = vector.extract_strided_slice %get3A_892 {offsets = [1], sizes = [1], strides = [1]} : vector<16xf32> to vector<1xf32>
      %squeeze3A_923 = vector.extract %slice3A_922[0] : f32 from vector<1xf32>
      %slice3A_924 = vector.extract_strided_slice %get3A_892 {offsets = [2], sizes = [1], strides = [1]} : vector<16xf32> to vector<1xf32>
      %squeeze3A_925 = vector.extract %slice3A_924[0] : f32 from vector<1xf32>
      %slice3A_926 = vector.extract_strided_slice %get3A_895 {offsets = [0], sizes = [1], strides = [1]} : vector<16xf32> to vector<1xf32>
      %squeeze3A_927 = vector.extract %slice3A_926[0] : f32 from vector<1xf32>
      %slice3A_928 = vector.extract_strided_slice %get3A_895 {offsets = [1], sizes = [1], strides = [1]} : vector<16xf32> to vector<1xf32>
      %squeeze3A_929 = vector.extract %slice3A_928[0] : f32 from vector<1xf32>
      %slice3A_930 = vector.extract_strided_slice %get3A_895 {offsets = [2], sizes = [1], strides = [1]} : vector<16xf32> to vector<1xf32>
      %squeeze3A_931 = vector.extract %slice3A_930[0] : f32 from vector<1xf32>
      %slice3A_932 = vector.extract_strided_slice %get3A_898 {offsets = [0], sizes = [1], strides = [1]} : vector<16xf32> to vector<1xf32>
      %squeeze3A_933 = vector.extract %slice3A_932[0] : f32 from vector<1xf32>
      %slice3A_934 = vector.extract_strided_slice %get3A_898 {offsets = [1], sizes = [1], strides = [1]} : vector<16xf32> to vector<1xf32>
      %squeeze3A_935 = vector.extract %slice3A_934[0] : f32 from vector<1xf32>
      %slice3A_936 = vector.extract_strided_slice %get3A_898 {offsets = [2], sizes = [1], strides = [1]} : vector<16xf32> to vector<1xf32>
      %squeeze3A_937 = vector.extract %slice3A_936[0] : f32 from vector<1xf32>
      %slice3A_938 = vector.extract_strided_slice %get3A_901 {offsets = [0], sizes = [1], strides = [1]} : vector<16xf32> to vector<1xf32>
      %squeeze3A_939 = vector.extract %slice3A_938[0] : f32 from vector<1xf32>
      %slice3A_940 = vector.extract_strided_slice %get3A_901 {offsets = [1], sizes = [1], strides = [1]} : vector<16xf32> to vector<1xf32>
      %squeeze3A_941 = vector.extract %slice3A_940[0] : f32 from vector<1xf32>
      %slice3A_942 = vector.extract_strided_slice %get3A_901 {offsets = [2], sizes = [1], strides = [1]} : vector<16xf32> to vector<1xf32>
      %squeeze3A_943 = vector.extract %slice3A_942[0] : f32 from vector<1xf32>
      %slice3A_944 = vector.extract_strided_slice %get3A_904 {offsets = [0], sizes = [1], strides = [1]} : vector<16xf32> to vector<1xf32>
      %squeeze3A_945 = vector.extract %slice3A_944[0] : f32 from vector<1xf32>
      %slice3A_946 = vector.extract_strided_slice %get3A_904 {offsets = [1], sizes = [1], strides = [1]} : vector<16xf32> to vector<1xf32>
      %squeeze3A_947 = vector.extract %slice3A_946[0] : f32 from vector<1xf32>
      %slice3A_948 = vector.extract_strided_slice %get3A_904 {offsets = [2], sizes = [1], strides = [1]} : vector<16xf32> to vector<1xf32>
      %squeeze3A_949 = vector.extract %slice3A_948[0] : f32 from vector<1xf32>
      %slice3A_950 = vector.extract_strided_slice %get3A_907 {offsets = [0], sizes = [1], strides = [1]} : vector<16xf32> to vector<1xf32>
      %squeeze3A_951 = vector.extract %slice3A_950[0] : f32 from vector<1xf32>
      %slice3A_952 = vector.extract_strided_slice %get3A_907 {offsets = [1], sizes = [1], strides = [1]} : vector<16xf32> to vector<1xf32>
      %squeeze3A_953 = vector.extract %slice3A_952[0] : f32 from vector<1xf32>
      %slice3A_954 = vector.extract_strided_slice %get3A_907 {offsets = [2], sizes = [1], strides = [1]} : vector<16xf32> to vector<1xf32>
      %squeeze3A_955 = vector.extract %slice3A_954[0] : f32 from vector<1xf32>
      %broadcast_in_dim3A_956 = vector.broadcast %squeeze3A_909 : f32 to vector<16xf32>
      %eq3A_957 = arith.constant 1 : i32
      %eq3A_958 = vector.broadcast %eq3A_957 : i32 to vector<16xi32>
      %eq3A_959 = arith.cmpi eq, %iota3A, %eq3A_958 : vector<16xi32>
      %broadcast_in_dim3A_960 = vector.broadcast %squeeze3A_911 : f32 to vector<16xf32>
      %select_n3A_961 = arith.select %eq3A_959, %broadcast_in_dim3A_960, %broadcast_in_dim3A_956 : vector<16xi1>, vector<16xf32>
      %eq3A_962 = arith.constant 2 : i32
      %eq3A_963 = vector.broadcast %eq3A_962 : i32 to vector<16xi32>
      %eq3A_964 = arith.cmpi eq, %iota3A, %eq3A_963 : vector<16xi32>
      %broadcast_in_dim3A_965 = vector.broadcast %squeeze3A_913 : f32 to vector<16xf32>
      %select_n3A_966 = arith.select %eq3A_964, %broadcast_in_dim3A_965, %select_n3A_961 : vector<16xi1>, vector<16xf32>
      %eq3A_967 = arith.constant 3 : i32
      %eq3A_968 = vector.broadcast %eq3A_967 : i32 to vector<16xi32>
      %eq3A_969 = arith.cmpi eq, %iota3A, %eq3A_968 : vector<16xi32>
      %broadcast_in_dim3A_970 = vector.broadcast %squeeze3A_915 : f32 to vector<16xf32>
      %select_n3A_971 = arith.select %eq3A_969, %broadcast_in_dim3A_970, %select_n3A_966 : vector<16xi1>, vector<16xf32>
      %eq3A_972 = arith.constant 4 : i32
      %eq3A_973 = vector.broadcast %eq3A_972 : i32 to vector<16xi32>
      %eq3A_974 = arith.cmpi eq, %iota3A, %eq3A_973 : vector<16xi32>
      %broadcast_in_dim3A_975 = vector.broadcast %squeeze3A_917 : f32 to vector<16xf32>
      %select_n3A_976 = arith.select %eq3A_974, %broadcast_in_dim3A_975, %select_n3A_971 : vector<16xi1>, vector<16xf32>
      %eq3A_977 = arith.constant 5 : i32
      %eq3A_978 = vector.broadcast %eq3A_977 : i32 to vector<16xi32>
      %eq3A_979 = arith.cmpi eq, %iota3A, %eq3A_978 : vector<16xi32>
      %broadcast_in_dim3A_980 = vector.broadcast %squeeze3A_919 : f32 to vector<16xf32>
      %select_n3A_981 = arith.select %eq3A_979, %broadcast_in_dim3A_980, %select_n3A_976 : vector<16xi1>, vector<16xf32>
      %eq3A_982 = arith.constant 6 : i32
      %eq3A_983 = vector.broadcast %eq3A_982 : i32 to vector<16xi32>
      %eq3A_984 = arith.cmpi eq, %iota3A, %eq3A_983 : vector<16xi32>
      %broadcast_in_dim3A_985 = vector.broadcast %squeeze3A_921 : f32 to vector<16xf32>
      %select_n3A_986 = arith.select %eq3A_984, %broadcast_in_dim3A_985, %select_n3A_981 : vector<16xi1>, vector<16xf32>
      %eq3A_987 = arith.constant 7 : i32
      %eq3A_988 = vector.broadcast %eq3A_987 : i32 to vector<16xi32>
      %eq3A_989 = arith.cmpi eq, %iota3A, %eq3A_988 : vector<16xi32>
      %broadcast_in_dim3A_990 = vector.broadcast %squeeze3A_923 : f32 to vector<16xf32>
      %select_n3A_991 = arith.select %eq3A_989, %broadcast_in_dim3A_990, %select_n3A_986 : vector<16xi1>, vector<16xf32>
      %eq3A_992 = arith.constant 8 : i32
      %eq3A_993 = vector.broadcast %eq3A_992 : i32 to vector<16xi32>
      %eq3A_994 = arith.cmpi eq, %iota3A, %eq3A_993 : vector<16xi32>
      %broadcast_in_dim3A_995 = vector.broadcast %squeeze3A_925 : f32 to vector<16xf32>
      %select_n3A_996 = arith.select %eq3A_994, %broadcast_in_dim3A_995, %select_n3A_991 : vector<16xi1>, vector<16xf32>
      %eq3A_997 = arith.constant 9 : i32
      %eq3A_998 = vector.broadcast %eq3A_997 : i32 to vector<16xi32>
      %eq3A_999 = arith.cmpi eq, %iota3A, %eq3A_998 : vector<16xi32>
      %broadcast_in_dim3A_1000 = vector.broadcast %squeeze3A_927 : f32 to vector<16xf32>
      %select_n3A_1001 = arith.select %eq3A_999, %broadcast_in_dim3A_1000, %select_n3A_996 : vector<16xi1>, vector<16xf32>
      %eq3A_1002 = arith.constant 10 : i32
      %eq3A_1003 = vector.broadcast %eq3A_1002 : i32 to vector<16xi32>
      %eq3A_1004 = arith.cmpi eq, %iota3A, %eq3A_1003 : vector<16xi32>
      %broadcast_in_dim3A_1005 = vector.broadcast %squeeze3A_929 : f32 to vector<16xf32>
      %select_n3A_1006 = arith.select %eq3A_1004, %broadcast_in_dim3A_1005, %select_n3A_1001 : vector<16xi1>, vector<16xf32>
      %eq3A_1007 = arith.constant 11 : i32
      %eq3A_1008 = vector.broadcast %eq3A_1007 : i32 to vector<16xi32>
      %eq3A_1009 = arith.cmpi eq, %iota3A, %eq3A_1008 : vector<16xi32>
      %broadcast_in_dim3A_1010 = vector.broadcast %squeeze3A_931 : f32 to vector<16xf32>
      %select_n3A_1011 = arith.select %eq3A_1009, %broadcast_in_dim3A_1010, %select_n3A_1006 : vector<16xi1>, vector<16xf32>
      %eq3A_1012 = arith.constant 12 : i32
      %eq3A_1013 = vector.broadcast %eq3A_1012 : i32 to vector<16xi32>
      %eq3A_1014 = arith.cmpi eq, %iota3A, %eq3A_1013 : vector<16xi32>
      %broadcast_in_dim3A_1015 = vector.broadcast %squeeze3A_933 : f32 to vector<16xf32>
      %select_n3A_1016 = arith.select %eq3A_1014, %broadcast_in_dim3A_1015, %select_n3A_1011 : vector<16xi1>, vector<16xf32>
      %eq3A_1017 = arith.constant 13 : i32
      %eq3A_1018 = vector.broadcast %eq3A_1017 : i32 to vector<16xi32>
      %eq3A_1019 = arith.cmpi eq, %iota3A, %eq3A_1018 : vector<16xi32>
      %broadcast_in_dim3A_1020 = vector.broadcast %squeeze3A_935 : f32 to vector<16xf32>
      %select_n3A_1021 = arith.select %eq3A_1019, %broadcast_in_dim3A_1020, %select_n3A_1016 : vector<16xi1>, vector<16xf32>
      %eq3A_1022 = arith.constant 14 : i32
      %eq3A_1023 = vector.broadcast %eq3A_1022 : i32 to vector<16xi32>
      %eq3A_1024 = arith.cmpi eq, %iota3A, %eq3A_1023 : vector<16xi32>
      %broadcast_in_dim3A_1025 = vector.broadcast %squeeze3A_937 : f32 to vector<16xf32>
      %select_n3A_1026 = arith.select %eq3A_1024, %broadcast_in_dim3A_1025, %select_n3A_1021 : vector<16xi1>, vector<16xf32>
      %eq3A_1027 = arith.constant 15 : i32
      %eq3A_1028 = vector.broadcast %eq3A_1027 : i32 to vector<16xi32>
      %eq3A_1029 = arith.cmpi eq, %iota3A, %eq3A_1028 : vector<16xi32>
      %broadcast_in_dim3A_1030 = vector.broadcast %squeeze3A_939 : f32 to vector<16xf32>
      %select_n3A_1031 = arith.select %eq3A_1029, %broadcast_in_dim3A_1030, %select_n3A_1026 : vector<16xi1>, vector<16xf32>
      %broadcast_in_dim3A_1032 = vector.broadcast %squeeze3A_925 : f32 to vector<16xf32>
      %eq3A_1033 = arith.constant 1 : i32
      %eq3A_1034 = vector.broadcast %eq3A_1033 : i32 to vector<16xi32>
      %eq3A_1035 = arith.cmpi eq, %iota3A, %eq3A_1034 : vector<16xi32>
      %broadcast_in_dim3A_1036 = vector.broadcast %squeeze3A_927 : f32 to vector<16xf32>
      %select_n3A_1037 = arith.select %eq3A_1035, %broadcast_in_dim3A_1036, %broadcast_in_dim3A_1032 : vector<16xi1>, vector<16xf32>
      %eq3A_1038 = arith.constant 2 : i32
      %eq3A_1039 = vector.broadcast %eq3A_1038 : i32 to vector<16xi32>
      %eq3A_1040 = arith.cmpi eq, %iota3A, %eq3A_1039 : vector<16xi32>
      %broadcast_in_dim3A_1041 = vector.broadcast %squeeze3A_929 : f32 to vector<16xf32>
      %select_n3A_1042 = arith.select %eq3A_1040, %broadcast_in_dim3A_1041, %select_n3A_1037 : vector<16xi1>, vector<16xf32>
      %eq3A_1043 = arith.constant 3 : i32
      %eq3A_1044 = vector.broadcast %eq3A_1043 : i32 to vector<16xi32>
      %eq3A_1045 = arith.cmpi eq, %iota3A, %eq3A_1044 : vector<16xi32>
      %broadcast_in_dim3A_1046 = vector.broadcast %squeeze3A_931 : f32 to vector<16xf32>
      %select_n3A_1047 = arith.select %eq3A_1045, %broadcast_in_dim3A_1046, %select_n3A_1042 : vector<16xi1>, vector<16xf32>
      %eq3A_1048 = arith.constant 4 : i32
      %eq3A_1049 = vector.broadcast %eq3A_1048 : i32 to vector<16xi32>
      %eq3A_1050 = arith.cmpi eq, %iota3A, %eq3A_1049 : vector<16xi32>
      %broadcast_in_dim3A_1051 = vector.broadcast %squeeze3A_933 : f32 to vector<16xf32>
      %select_n3A_1052 = arith.select %eq3A_1050, %broadcast_in_dim3A_1051, %select_n3A_1047 : vector<16xi1>, vector<16xf32>
      %eq3A_1053 = arith.constant 5 : i32
      %eq3A_1054 = vector.broadcast %eq3A_1053 : i32 to vector<16xi32>
      %eq3A_1055 = arith.cmpi eq, %iota3A, %eq3A_1054 : vector<16xi32>
      %broadcast_in_dim3A_1056 = vector.broadcast %squeeze3A_935 : f32 to vector<16xf32>
      %select_n3A_1057 = arith.select %eq3A_1055, %broadcast_in_dim3A_1056, %select_n3A_1052 : vector<16xi1>, vector<16xf32>
      %eq3A_1058 = arith.constant 6 : i32
      %eq3A_1059 = vector.broadcast %eq3A_1058 : i32 to vector<16xi32>
      %eq3A_1060 = arith.cmpi eq, %iota3A, %eq3A_1059 : vector<16xi32>
      %broadcast_in_dim3A_1061 = vector.broadcast %squeeze3A_937 : f32 to vector<16xf32>
      %select_n3A_1062 = arith.select %eq3A_1060, %broadcast_in_dim3A_1061, %select_n3A_1057 : vector<16xi1>, vector<16xf32>
      %eq3A_1063 = arith.constant 7 : i32
      %eq3A_1064 = vector.broadcast %eq3A_1063 : i32 to vector<16xi32>
      %eq3A_1065 = arith.cmpi eq, %iota3A, %eq3A_1064 : vector<16xi32>
      %broadcast_in_dim3A_1066 = vector.broadcast %squeeze3A_939 : f32 to vector<16xf32>
      %select_n3A_1067 = arith.select %eq3A_1065, %broadcast_in_dim3A_1066, %select_n3A_1062 : vector<16xi1>, vector<16xf32>
      %eq3A_1068 = arith.constant 8 : i32
      %eq3A_1069 = vector.broadcast %eq3A_1068 : i32 to vector<16xi32>
      %eq3A_1070 = arith.cmpi eq, %iota3A, %eq3A_1069 : vector<16xi32>
      %broadcast_in_dim3A_1071 = vector.broadcast %squeeze3A_941 : f32 to vector<16xf32>
      %select_n3A_1072 = arith.select %eq3A_1070, %broadcast_in_dim3A_1071, %select_n3A_1067 : vector<16xi1>, vector<16xf32>
      %eq3A_1073 = arith.constant 9 : i32
      %eq3A_1074 = vector.broadcast %eq3A_1073 : i32 to vector<16xi32>
      %eq3A_1075 = arith.cmpi eq, %iota3A, %eq3A_1074 : vector<16xi32>
      %broadcast_in_dim3A_1076 = vector.broadcast %squeeze3A_943 : f32 to vector<16xf32>
      %select_n3A_1077 = arith.select %eq3A_1075, %broadcast_in_dim3A_1076, %select_n3A_1072 : vector<16xi1>, vector<16xf32>
      %eq3A_1078 = arith.constant 10 : i32
      %eq3A_1079 = vector.broadcast %eq3A_1078 : i32 to vector<16xi32>
      %eq3A_1080 = arith.cmpi eq, %iota3A, %eq3A_1079 : vector<16xi32>
      %broadcast_in_dim3A_1081 = vector.broadcast %squeeze3A_945 : f32 to vector<16xf32>
      %select_n3A_1082 = arith.select %eq3A_1080, %broadcast_in_dim3A_1081, %select_n3A_1077 : vector<16xi1>, vector<16xf32>
      %eq3A_1083 = arith.constant 11 : i32
      %eq3A_1084 = vector.broadcast %eq3A_1083 : i32 to vector<16xi32>
      %eq3A_1085 = arith.cmpi eq, %iota3A, %eq3A_1084 : vector<16xi32>
      %broadcast_in_dim3A_1086 = vector.broadcast %squeeze3A_947 : f32 to vector<16xf32>
      %select_n3A_1087 = arith.select %eq3A_1085, %broadcast_in_dim3A_1086, %select_n3A_1082 : vector<16xi1>, vector<16xf32>
      %eq3A_1088 = arith.constant 12 : i32
      %eq3A_1089 = vector.broadcast %eq3A_1088 : i32 to vector<16xi32>
      %eq3A_1090 = arith.cmpi eq, %iota3A, %eq3A_1089 : vector<16xi32>
      %broadcast_in_dim3A_1091 = vector.broadcast %squeeze3A_949 : f32 to vector<16xf32>
      %select_n3A_1092 = arith.select %eq3A_1090, %broadcast_in_dim3A_1091, %select_n3A_1087 : vector<16xi1>, vector<16xf32>
      %eq3A_1093 = arith.constant 13 : i32
      %eq3A_1094 = vector.broadcast %eq3A_1093 : i32 to vector<16xi32>
      %eq3A_1095 = arith.cmpi eq, %iota3A, %eq3A_1094 : vector<16xi32>
      %broadcast_in_dim3A_1096 = vector.broadcast %squeeze3A_951 : f32 to vector<16xf32>
      %select_n3A_1097 = arith.select %eq3A_1095, %broadcast_in_dim3A_1096, %select_n3A_1092 : vector<16xi1>, vector<16xf32>
      %eq3A_1098 = arith.constant 14 : i32
      %eq3A_1099 = vector.broadcast %eq3A_1098 : i32 to vector<16xi32>
      %eq3A_1100 = arith.cmpi eq, %iota3A, %eq3A_1099 : vector<16xi32>
      %broadcast_in_dim3A_1101 = vector.broadcast %squeeze3A_953 : f32 to vector<16xf32>
      %select_n3A_1102 = arith.select %eq3A_1100, %broadcast_in_dim3A_1101, %select_n3A_1097 : vector<16xi1>, vector<16xf32>
      %eq3A_1103 = arith.constant 15 : i32
      %eq3A_1104 = vector.broadcast %eq3A_1103 : i32 to vector<16xi32>
      %eq3A_1105 = arith.cmpi eq, %iota3A, %eq3A_1104 : vector<16xi32>
      %broadcast_in_dim3A_1106 = vector.broadcast %squeeze3A_955 : f32 to vector<16xf32>
      %select_n3A_1107 = arith.select %eq3A_1105, %broadcast_in_dim3A_1106, %select_n3A_1102 : vector<16xi1>, vector<16xf32>
      %convert_element_type3A_1108 = arith.fptosi %select_n3A_1031 : vector<16xf32> to vector<16xi32>
      %swap3A_1109 = arith.constant 0 : index
      %swap3A_1110 = tpu.vector_load %arg13[%swap3A_1109] {strides = array<i32>} : memref<24xi32, #tpu.memory_space<vmem>>, vector<16xi32>,
      %swap3A_1111 = vector.shape_cast %swap3A_1110 : vector<16xi32> to vector<16xi32>
      %swap3A_1112 = vector.shape_cast %convert_element_type3A_1108 : vector<16xi32> to vector<16xi32>
      tpu.vector_store %arg13[%swap3A_1109], %swap3A_1112 {strides = array<i32>} : memref<24xi32, #tpu.memory_space<vmem>>, vector<16xi32>,
      %convert_element_type3A_1113 = arith.fptosi %select_n3A_1107 : vector<16xf32> to vector<16xi32>
      %swap3A_1114 = arith.constant 8 : index
      %swap3A_1115 = tpu.vector_load %arg13[%swap3A_1114] {strides = array<i32>} : memref<24xi32, #tpu.memory_space<vmem>>, vector<16xi32>,
      %swap3A_1116 = vector.shape_cast %swap3A_1115 : vector<16xi32> to vector<16xi32>
      %swap3A_1117 = vector.shape_cast %convert_element_type3A_1113 : vector<16xi32> to vector<16xi32>
      tpu.vector_store %arg13[%swap3A_1114], %swap3A_1117 {strides = array<i32>} : memref<24xi32, #tpu.memory_space<vmem>>, vector<16xi32>,
      "tpu.region"() ({
        %run_scoped3A = tpu.sem_alloc : memref<!tpu.dma_semaphore, #tpu.memory_space<semaphore_mem>>
        tpu.enqueue_dma source(%arg13 : memref<24xi32, #tpu.memory_space<vmem>>) target(%arg3 : memref<24xi32, #tpu.memory_space<hbm>>) target_semaphore(%run_scoped3A : memref<!tpu.dma_semaphore, #tpu.memory_space<semaphore_mem>>)
        tpu.wait_dma2 semaphore(%run_scoped3A : memref<!tpu.dma_semaphore, #tpu.memory_space<semaphore_mem>>) src(%arg13 : memref<24xi32, #tpu.memory_space<vmem>>) dst(%arg3 : memref<24xi32, #tpu.memory_space<hbm>>)
        tpu.yield
      }) : () -> ()
    } else {
    }
    return
  }
}

</mosaic_0001>

<sc_bundles>
// kernel: kernel.3.cloned.1.call-start
scs
__scs_entry_jumppad:
0x0: {  	(pc) =	sbr.rel $0x88, $3  }
0x1: {  	(tag) =	ssettag $0x0;
	lr =	simm.s32 $0x1  }
0x2: {  	[smem:$0x3F9E] =	sst lr;
	_ =	strace $0xD0000000  }
0x3: {  	_ = 	snop  }
0x4: {  	_ = 	snop  }
0x5: {  	_ = 	snop  }
0x6: {  	_ = 	snop  }
0x7: {  	_ = 	snop  }
__scs_overlays_trampoline_lowered:
0x8: {  	[smem:$0x3FAD] =	sst s0  }
0x9: {  	[smem:$0x3FAE] =	sst s1  }
0xa: {  	[smem:$0x3FAF] =	sst s2  }
0xb: {  	[smem:$0x3FB0] =	sst s3  }
0xc: {  	[smem:$0x3FB1] =	sst s4  }
0xd: {  	[smem:$0x3FB2] =	sst s5  }
0xe: {  	[smem:$0x3FB3] =	sst s6  }
0xf: {  	[smem:$0x3FB4] =	sst s7  }
0x10: {  	[smem:$0x3FB5] =	sst s8  }
0x11: {  	[smem:$0x3FB6] =	sst s9;
	s0 =	simm.s32 @!p0 $0x0  }
0x12: {  	s1 =	sld [smem:$0x3F9C];
	s0 =	simm.s32 @p0 $0x1  }
0x13: {  	[smem:$0x3FB7] =	sst s0;
	s0 =	simm.s32 @!p1 $0x0  }
0x14: {  	s2 =	sld [smem:$0x3F9B];
	s0 =	simm.s32 @p1 $0x1  }
0x15: {  	[smem:$0x3FB8] =	sst s0;
	s0 =	simm.s32 @!p2 $0x0  }
0x16: {  	s3 =	sld [smem:$0x3FDB];
	s0 =	simm.s32 @p2 $0x1  }
0x17: {  	s4 =	simm.s32 $0x1BF5;
	[smem:$0x3FBA] =	sst s0  }
0x18: {  	s0 =	sld [smem:$0x3F9D];
	_ =	swait.ge [sflag:s4], $0x0  }
0x19: {  	s7 =	sld [smem:$0x3F9E]  }
0x1a: {  	s8 =	sadd.s32 $0xFFFFE003, lr  }
0x1b: {  	s9 =	sadd.s32 $0xFFFFFEF7, lr;
	s5 =	simm.s32 $0xFFFFFFFF;
	p2 =	slt.u32 s8, $0xFFFFF086  }
0x1c: {  	p1 =	slt.u32 s9, $0xF7A;
	s5 =	simm.s32 @!p2 $0x0  }
0x1d: {  	s5 =	simm.s32 @p1 $0x1;
	p0 =	seq.s32 s7, s2  }
0x1e: {  	s7 =	smul.u32 @!p0 $0xF7A, s2;
	p2 =	seq.s32 @!p0 s5, $0x0  }
0x1f: {  	s9 =	smul.u32 $0xF7A, s1;
	s8 =	simm.s32 @!p0 $0x1BF5;
	p2 =	por !p2, p0  }
0x20: {  	[sflag:s8] =	ssyncset.s32 @!p0 $0xFFFFF086;
	s6 =	sadd.s32 @!p0 s3, s7;
	s7 =	simm.s32 @!p0 $0x108  }
0x21: {  	s3 =	sadd.s32 s3, s9;
	s6 =	sadd.s32 @!p0 $0x88, s6;
	s7 =	simm.s32 @p2 $0x1082  }
0x22: {  	[simem:s7], [sflag:s8] =	dma.local @!p0 [hbm:s6], $0xF7A  }
0x23: {  	s9 =	sor.u32 $0xD0000000, s2;
	s6 =	simm.s32 $0x108;
	_ =	swait.ge @!p0 [sflag:s8], $0x0  }
0x24: {  	s3 =	sadd.s32 $0x88, s3;
	s6 =	simm.s32 @!p1 $0x1082;
	[sflag:s4] =	ssyncset.s32 $0xFFFFF086  }
0x25: {  	[simem:s6], [sflag:s4] =	dma.local [hbm:s3], $0xF7A  }
0x26: {  	[smem:$0x3F9E] =	sst s1;
	(tag) =	ssettag s2;
	_ =	strace s9  }
0x27: {  	s1 =	sld [smem:$0x3FAE]  }
0x28: {  	s2 =	sld [smem:$0x3FAF]  }
0x29: {  	s4 =	sld [smem:$0x3FB1]  }
0x2a: {  	p0 =	seq.s32 s5, $0x0;
	s5 =	sld [smem:$0x3FB2]  }
0x2b: {  	s6 =	sld [smem:$0x3FB3]  }
0x2c: {  	s7 =	sld [smem:$0x3FB4]  }
0x2d: {  	s3 =	simm.s32 $0x108;
	s8 =	sld [smem:$0x3FB5]  }
0x2e: {  	s3 =	simm.s32 @!p0 $0x1082;
	s9 =	sld [smem:$0x3FB6]  }
0x2f: {  	lr =	sadd.s32 s0, s3;
	s0 =	sld [smem:$0x3FAD]  }
0x30: {  	s3 =	sld [smem:$0x3FB0]  }
0x31: {  	[smem:$0x3FB9] =	sst s10  }
0x32: {  	s10 =	sld [smem:$0x3FB7];
	_ =	sdelay $0x3  }
0x33: {  	p0 =	seq.s32 s10, $0x1;
	s10 =	sld [smem:$0x3FB9];
	_ =	sdelay $0x3  }
0x34: {  	[smem:$0x3FB9] =	sst s10  }
0x35: {  	s10 =	sld [smem:$0x3FB8];
	_ =	sdelay $0x3  }
0x36: {  	p1 =	seq.s32 s10, $0x1;
	s10 =	sld [smem:$0x3FB9];
	_ =	sdelay $0x3  }
0x37: {  	[smem:$0x3FB9] =	sst s10  }
0x38: {  	s10 =	sld [smem:$0x3FBA]  }
0x39: {  	_ = 	snop;
	(pc) =	sbr.ind lr, $3  }
0x3a: {  	_ = 	snop  }
0x3b: {  	_ = 	snop  }
0x3c: {  	p2 =	seq.s32 s10, $0x1;
	s10 =	sld [smem:$0x3FB9]  }
0x3d: {  	_ =	shalt  }
0x3e: {  	_ =	shalt  }
0x3f: {  	_ =	shalt  }
0x40: {  	_ =	shalt  }
0x41: {  	_ =	shalt  }
0x42: {  	_ =	shalt  }
0x43: {  	_ =	shalt  }
0x44: {  	_ =	shalt  }
0x45: {  	_ =	shalt  }
0x46: {  	_ =	shalt  }
0x47: {  	_ =	shalt  }
0x48: {  	_ =	shalt  }
0x49: {  	_ =	shalt  }
0x4a: {  	_ =	shalt  }
0x4b: {  	_ =	shalt  }
0x4c: {  	_ =	shalt  }
0x4d: {  	_ =	shalt  }
0x4e: {  	_ =	shalt  }
0x4f: {  	_ =	shalt  }
0x50: {  	_ =	shalt  }
0x51: {  	_ =	shalt  }
0x52: {  	_ =	shalt  }
0x53: {  	_ =	shalt  }
0x54: {  	_ =	shalt  }
0x55: {  	_ =	shalt  }
0x56: {  	_ =	shalt  }
0x57: {  	_ =	shalt  }
0x58: {  	_ =	shalt  }
0x59: {  	_ =	shalt  }
0x5a: {  	_ =	shalt  }
0x5b: {  	_ =	shalt  }
0x5c: {  	_ =	shalt  }
0x5d: {  	_ =	shalt  }
0x5e: {  	_ =	shalt  }
0x5f: {  	_ =	shalt  }
0x60: {  	_ =	shalt  }
0x61: {  	_ =	shalt  }
0x62: {  	_ =	shalt  }
0x63: {  	_ =	shalt  }
0x64: {  	_ =	shalt  }
0x65: {  	_ =	shalt  }
0x66: {  	_ =	shalt  }
0x67: {  	_ =	shalt  }
0x68: {  	_ =	shalt  }
0x69: {  	_ =	shalt  }
0x6a: {  	_ =	shalt  }
0x6b: {  	_ =	shalt  }
0x6c: {  	_ =	shalt  }
0x6d: {  	_ =	shalt  }
0x6e: {  	_ =	shalt  }
0x6f: {  	_ =	shalt  }
0x70: {  	_ =	shalt  }
0x71: {  	_ =	shalt  }
0x72: {  	_ =	shalt  }
0x73: {  	_ =	shalt  }
0x74: {  	_ =	shalt  }
0x75: {  	_ =	shalt  }
0x76: {  	_ =	shalt  }
0x77: {  	_ =	shalt  }
0x78: {  	_ =	shalt  }
0x79: {  	_ =	shalt  }
0x7a: {  	_ =	shalt  }
0x7b: {  	_ =	shalt  }
0x7c: {  	_ =	shalt  }
0x7d: {  	_ =	shalt  }
0x7e: {  	_ =	shalt  }
0x7f: {  	_ =	shalt  }
0x80: {  	_ =	shalt  }
0x81: {  	_ =	shalt  }
0x82: {  	_ =	shalt  }
0x83: {  	_ =	shalt  }
0x84: {  	_ =	shalt  }
0x85: {  	_ =	shalt  }
0x86: {  	_ =	shalt  }
0x87: {  	_ =	shalt  }
.Lfunc_end0:
.L_simem_size_0:
called_computation_lowered:
.L_overlay_start_0:
0x88: {  	s0 =	sld [smem:$0x3FD9]  }
0x89: {  	s1 =	sld [smem:$0x3FFE];
	_ =	sdelay $0x3  }
0x8a: {  	s0 =	sadd.s32 s1, s0  }
0x8b: {  	[smem:$0x3FC5] =	sst s0  }
0x8c: {  	_ = 	snop  }
0x8d: {  	s0 =	sld [smem:$0x3FD0];
	(tm) =	ssettm $0x1  }
0x8e: {  	s16 =	sld [smem:$0x3FFB];
	_ =	sdelay $0x3  }
0x8f: {  	_ =	strace s16  }
0x90: {  	s1 =	sld [smem:$0x3FFC];
	_ =	sdelay $0x3  }
0x91: {  	_ =	strace s1  }
0x92: {  	s1 =	sld [smem:$0x3FFD];
	_ =	sdelay $0x3  }
0x93: {  	_ =	strace s1  }
0x94: {  	_ =	strace $0x8FFFFFFF  }
0x95: {  	s17 =	sld [smem:$0x3FDB];
	_ =	sdelay $0x1  }
0x96: {  	s2 =	simm.s32 $_scs_section_size  }
0x97: {  	s3 =	simm.s32 $_size__tile_overlayer_lowered;
	s4 =	simm.s32 $_tile_overlayer_lowered  }
0x98: {  	s20 =	simm.s32 $0x1BFF;
	s19 =	sshll.u32 s4, $0x1;
	s1 =	sadd.s32 s2, s17  }
0x99: {  	s5 =	simm.s32 $0x0;
	s18 =	sshll.u32 s3, $0x1;
	s3 =	sadd.s32 s19, s1  }
0x9a: {  	[timem:s5], [sflag:s20] =	dma.local [hbm:s3], s18  }
0x9b: {  	_ =	swait.ge [sflag:s20], s18  }
0x9c: {  	s2 =	ssub.s32 $0x0, s18;
	[sflag:s20] =	ssyncset.done $0x0  }
0x9d: {  	[sflag:s20] =	ssyncadd.s32 s2;
	_ =	sdelay $0x1  }
0x9e: {  	s21 =	simm.s32 $0x1B8B  }
0x9f: {  	_ =	swait.ge [sflag:s21], $0x1  }
0xa0: {  	[sflag:s21] =	ssyncset.done $0x0  }
0xa1: {  	s23 =	simm.s32 $0x1B8E;
	s22 =	sld [smem:$0x3FFE];
	[sflag:s21] =	ssyncadd.s32 $0xFFFFFFFF  }
0xa2: {  	s24 =	simm.s32 $execute0_lowered;
	[smem:$0x3FD2] =	sst s23  }
0xa3: {  	s3 =	sshll.u32 s24, $0x1;
	_ =	strace $0x80000046;
	[dreg:$0x1] =	wrdreg $0xFFFFFFFF  }
0xa4: {  	s25 =	simm.s32 $_size_execute0_lowered;
	s1 =	sadd.s32 s1, s3;
	[dreg:$0x0] =	wrdreg $0x0  }
0xa5: {  	s3 =	sshll.u32 s25, $0x1;
	[dreg:$0x2] =	wrdreg s1  }
0xa6: {  	[dreg:$0x3] =	wrdreg s3  }
0xa7: {  	[dreg:$0x4] =	wrdreg $0xC0  }
0xa8: {  	_ =	task [dreg:s5], $0x5FFFF  }
0xa9: {  	[dreg:$0x1] =	wrdreg $0xFFFFFFFF  }
0xaa: {  	[dreg:$0x0] =	wrdreg $0x60  }
0xab: {  	[dreg:$0x2] =	wrdreg s22  }
0xac: {  	[dreg:$0x3] =	wrdreg s0  }
0xad: {  	[dreg:$0x4] =	wrdreg $0x42000  }
0xae: {  	[dreg:$0x5] =	wrdreg $0x9  }
0xaf: {  	_ =	task.clear_ibuf [dreg:s5], $0x6FFFF;
	_ =	strace $0x90000046  }
0xb0: {  	s26 =	simm.s32 $0x9;
	_ =	strace $0x80000048  }
0xb1: {  	_ =	swait.ge [sflag:s26], $0x1  }
0xb2: {  	[sflag:s26] =	ssyncadd.s32 $0xFFFFFFFF  }
0xb3: {  	_ =	strace $0x90000048  }
0xb4: {  	_ =	sfence  }
0xb5: {  	s28 =	sld [smem:$0x0];
	_ =	sdelay $0x1  }
0xb6: {  	s29 =	srdreg.scid  }
0xb7: {  	s30 =	sshll.u32 s29, $0xD;
	s31 =	sshrl.u32 s29, $0x2  }
0xb8: {  	s2 =	sand.u32 $0x4000, s30;
	s1 =	sand.u32 $0x1, s29;
	s0 =	sadd.s32 s31, s28  }
0xb9: {  	s1 =	sor.u32 s2, s1;
	s0 =	sshll.u32 s0, $0x11  }
0xba: {  	s0 =	sor.u32 s0, s1  }
0xbb: {  	s0 =	sadd.s32 $0x8F2B, s0  }
0xbc: {  	[sflag:s0] =	ssyncadd.remote.s32 $0x1  }
0xbd: {  	_ =	sfence.sel $0xFFFF  }
0xbe: {  	[dreg:$0x0] =	wrdreg $0xFFFFFFFF;
	(pc) =	sbr.abs _section_cstart, $3  }
0xbf: {  	[dreg:$0x1] =	wrdreg $0xFFFFFFFF  }
0xc0: {  	_ =	task.clear_ibuf [dreg:s5], $0x2FFFF;
	_ =	strace $0x9FFFFFFF  }
0xc1: {  	(tm) =	ssettm $0x7FFFFFFF  }
tec
execute0_lowered:
.L_overlay_start_1:
0x0: {  	(tag) =	ssettag $0x1  }
0x1: {  	s5 =	rddreg [dreg:$0x0]  }
0x2: {  	s1 =	rddreg [dreg:$0x1];
	s3 =	stileid.u32  }
0x3: {  	s2 =	rddreg [dreg:$0x2];
	s6 =	smul.u32 $0xA00, s3  }
0x4: {  	s0 =	rddreg [dreg:$0x3];
	s4 =	simm.s32 $0x0  }
0x5: {  	s7 =	simm.s32 $0x80;
	[smem:$0x7FF] =	sst s4;
	s5 =	sadd.s32 s6, s5  }
0x6: {  	s8 =	simm.s32 $0x400;
	_ =	strace $0x80000047;
	s6 =	sadd.s32 $0xA00, s5  }
0x7: {  	[tilespmem:s4], [sflag:$0x1] =	stream.strided.gather [hbm4b:s6+s7], $0xA00, s8, s7, $0x38;
	[tilespmem:$0x4240] =	vst v63  }
0x8: {  	s9 =	simm.s32 $0xA80;
	s20 =	sadd.s32 $0xA10, s5  }
0x9: {  	[tilespmem:s9], [sflag:$0x2] =	stream.strided.gather [hbm4b:s20+s7], $0xA00, s8, s7, $0x38;
	[tilespmem:$0x4240] =	vst v63  }
0xa: {  	s22 =	simm.s32 $0x1500;
	s21 =	sadd.s32 $0xA20, s5  }
0xb: {  	[tilespmem:s22], [sflag:$0x2] =	stream.strided.gather [hbm4b:s21+s7], $0xA00, s8, s7, $0x38;
	[tilespmem:$0x4240] =	vst v63  }
0xc: {  	s24 =	simm.s32 $0x1F80;
	s23 =	sadd.s32 $0xA30, s5  }
0xd: {  	[tilespmem:s24], [sflag:$0x2] =	stream.strided.gather [hbm4b:s23+s7], $0xA00, s8, s7, $0x38;
	[tilespmem:$0x4240] =	vst v63  }
0xe: {  	s26 =	simm.s32 $0x2A00;
	s25 =	sadd.s32 $0xA40, s5  }
0xf: {  	[tilespmem:s26], [sflag:$0x2] =	stream.strided.gather [hbm4b:s25+s7], $0xA00, s8, s7, $0x38;
	[tilespmem:$0x4240] =	vst v63  }
0x10: {  	s28 =	simm.s32 $0x3480;
	s29 =	simm.s32 $0x1;
	s5 =	sadd.s32 $0xA50, s5  }
0x11: {  	[tilespmem:s28], [sflag:$0x2] =	stream.strided.gather [hbm4b:s5+s7], $0xA00, s8, s7, $0x38;
	[tilespmem:$0x4240] =	vst v63  }
0x12: {  	_ =	swait.ge [sflag:s29], $0xA00  }
0x13: {  	[sflag:s29] =	ssyncset.done $0x0  }
0x14: {  	s30 =	simm.s32 $0x20;
	[sflag:s29] =	ssyncadd.s32 $0xFFFFF600  }
0x15: {  	v3 =	vld [tilespmem:s30+$0xFFFFFFE0];
	_ =	sdelay $0x1  }
0x16: {  	v1 =	vld [tilespmem:s30+$0xFFFFFFF0];
	_ =	sdelay $0x1  }
0x17: {  	v4 =	vimm.f32 $-Inf;
	v2 =	vld [tilespmem:s30+$0x0]  }
0x18: {  	v0 =	vlaneseq.u32;
	vm0 =	vgt.f32 v3, v4  }
0x19: {  	v6 =	vimm.s32 $0x0;
	s31 =	simm.s32 $0x10;
	v7 =	vor.u32 s4, v0;
	v5 =	vsel vm0, v3, v4;
	v3 =	vld [tilespmem:s30+$0x10]  }
0x1a: {  	s6 =	simm.s32 $0x60;
	s5 =	simm.s32 $0x0;
	v4 =	vsel vm0, v7, v6;
	v6 =	vor.u32 s31, v0;
	vm0 =	vgt.f32 v1, v5  }
.LBB2_1:
0x1b: {  	v7 =	vld [tilespmem:s6+$0xFFFFFFE0];
	s5 =	sadd.s32 $0x4, s5;
	v5 =	vsel vm0, v1, v5;
	v4 =	vsel vm0, v6, v4;
	s7 =	sadd.s32 $0x20, s4  }
0x1c: {  	p0 =	slt.u32 s5, $0x9C;
	v6 =	vor.u32 s7, v0;
	vm0 =	vgt.f32 v2, v5  }
0x1d: {  	s7 =	sadd.s32 $0x30, s4;
	v1 =	vld [tilespmem:s6+$0xFFFFFFF0];
	v5 =	vsel vm0, v2, v5;
	v4 =	vsel vm0, v6, v4  }
.Ltmp0:
0x1e: {  	v6 =	vor.u32 s7, v0;
	vm0 =	vgt.f32 v3, v5;
	(pc) =	sbr.rel @p0 .LBB2_1-.Ltmp0, $4  }
0x1f: {  	s4 =	sadd.s32 $0x40, s4;
	v2 =	vld [tilespmem:s6+$0x0];
	v3 =	vsel vm0, v3, v5;
	v4 =	vsel vm0, v6, v4  }
0x20: {  	v6 =	vor.u32 s4, v0;
	vm0 =	vgt.f32 v7, v3  }
0x21: {  	s7 =	sadd.s32 $0x10, s4;
	v5 =	vsel vm0, v7, v3;
	v4 =	vsel vm0, v6, v4;
	v3 =	vld [tilespmem:s6+$0x10]  }
0x22: {  	v6 =	vor.u32 s7, v0;
	s6 =	sadd.s32 $0x40, s6;
	vm0 =	vgt.f32 v1, v5  }
0x23: {  	v1 =	vsel vm0, v1, v5  }
0x24: {  	vm1 =	vgt.f32 v2, v1  }
0x25: {  	v1 =	vsel vm1, v2, v1  }
0x26: {  	s5 =	sadd.s32 $0x20, s4;
	vm2 =	vgt.f32 v3, v1  }
0x27: {  	s24 =	sadd.s32 $0x30, s4;
	v2 =	vsel vm0, v6, v4;
	v4 =	vor.u32 s5, v0;
	v1 =	vsel vm2, v3, v1  }
0x28: {  	v0 =	vor.u32 s24, v0;
	v2 =	vsel vm1, v4, v2;
	[tilespmem:$0x4100] =	vst v1  }
0x29: {  	v0 =	vsel vm2, v0, v2;
	[tilespmem:$0x4110] =	vst v1  }
0x2a: {  	[tilespmem:$0x4180] =	vst v0  }
0x2b: {  	[tilespmem:$0x4190] =	vst v0;
	v2 =	vld [tilespmem:$0x4108]  }
0x2c: {  	v3 =	vld [tilespmem:$0x4188];
	_ =	sdelay $0x4  }
0x2d: {  	vm0 =	veq.f32 v2, v1;
	vm1 =	vlt.s32 v3, v0  }
0x2e: {  	vm2 =	vgt.f32 v2, v1;
	vm0 =	vmand vm0, vm1  }
0x2f: {  	vm0 =	vmor vm2, vm0  }
0x30: {  	v1 =	vsel vm0, v2, v1  }
0x31: {  	[tilespmem:$0x4100] =	vst v1  }
0x32: {  	v0 =	vsel vm0, v3, v0;
	[tilespmem:$0x4110] =	vst v1  }
0x33: {  	[tilespmem:$0x4180] =	vst v0  }
0x34: {  	[tilespmem:$0x4190] =	vst v0;
	v2 =	vld [tilespmem:$0x4104]  }
0x35: {  	v3 =	vld [tilespmem:$0x4184];
	_ =	sdelay $0x4  }
0x36: {  	vm0 =	veq.f32 v2, v1;
	vm1 =	vlt.s32 v3, v0  }
0x37: {  	vm2 =	vgt.f32 v2, v1;
	vm0 =	vmand vm0, vm1  }
0x38: {  	vm0 =	vmor vm2, vm0  }
0x39: {  	v1 =	vsel vm0, v2, v1  }
0x3a: {  	[tilespmem:$0x4100] =	vst v1  }
0x3b: {  	v0 =	vsel vm0, v3, v0;
	[tilespmem:$0x4110] =	vst v1  }
0x3c: {  	[tilespmem:$0x4180] =	vst v0  }
0x3d: {  	[tilespmem:$0x4190] =	vst v0;
	v2 =	vld [tilespmem:$0x4102]  }
0x3e: {  	v3 =	vld [tilespmem:$0x4182];
	_ =	sdelay $0x4  }
0x3f: {  	vm0 =	veq.f32 v2, v1;
	vm1 =	vlt.s32 v3, v0  }
0x40: {  	vm2 =	vgt.f32 v2, v1;
	vm0 =	vmand vm0, vm1  }
0x41: {  	vm0 =	vmor vm2, vm0  }
0x42: {  	v1 =	vsel vm0, v2, v1  }
0x43: {  	[tilespmem:$0x4100] =	vst v1  }
0x44: {  	v0 =	vsel vm0, v3, v0;
	[tilespmem:$0x4110] =	vst v1  }
0x45: {  	[tilespmem:$0x4180] =	vst v0  }
0x46: {  	[tilespmem:$0x4190] =	vst v0;
	v2 =	vld [tilespmem:$0x4101]  }
0x47: {  	v3 =	vld [tilespmem:$0x4181];
	_ =	sdelay $0x4  }
0x48: {  	vm0 =	veq.f32 v2, v1;
	vm1 =	vlt.s32 v3, v0  }
0x49: {  	vm2 =	vgt.f32 v2, v1;
	vm0 =	vmand vm0, vm1  }
0x4a: {  	vm0 =	vmor vm2, vm0  }
0x4b: {  	v0 =	vsel vm0, v3, v0  }
0x4c: {  	(v2sf) =	vpush v0, $0x0;
	_ =	sdelay $0xe  }
0x4d: {  	s25 =	spop (v2sf)  }
0x4e: {  	v3 =	vld.msk [tilespmem:s25+$0xA80 ss:$0x0], $0xffff  }
0x4f: {  	p0 =	sgt.u32 s3, $0x7;
	s7 =	simm.s32 $0x988;
	v4 =	vld.msk [tilespmem:s25+$0x1500 ss:$0x0], $0xffff  }
0x50: {  	s7 =	simm.s32 @!p0 $0x0;
	v5 =	vld.msk [tilespmem:s25+$0x1F80 ss:$0x0], $0xffff  }
0x51: {  	v0 =	vadd.s32 s7, v0;
	v6 =	vld.msk [tilespmem:s25+$0x2A00 ss:$0x0], $0xffff  }
0x52: {  	v0 =	vcvt.s32.f32 v0  }
0x53: {  	v1 =	vsel vm0, v2, v1;
	vm0 =	vcmask $0x320  }
0x54: {  	vm1 =	vcmask $0x720;
	v7 =	vsel vm0, v1, v0;
	v2 =	vld.msk [tilespmem:s25+$0x3480 ss:$0x0], $0xffff  }
0x55: {  	vm2 =	vcmask $0xB20;
	v8 =	vsub.f32 v5, v3;
	v3 =	vsel vm1, v7, v3  }
0x56: {  	vm3 =	vcmask $0xF20;
	v7 =	vsub.f32 v6, v4;
	v3 =	vsel vm2, v3, v4  }
0x57: {  	vm4 =	vcmask $0x1320;
	v3 =	vsel vm3, v3, v5  }
0x58: {  	vm5 =	vcmask $0x1720;
	v4 =	vmul.f32 v7, v8;
	v3 =	vsel vm4, v3, v6  }
0x59: {  	vm6 =	vcmask $0x1B20;
	v2 =	vsel vm5, v3, v2  }
0x5a: {  	s26 =	sshll.u32 s3, $0x4;
	s6 =	simm.s32 $0x3F00;
	s5 =	simm.s32 $0xFFFFFFF8;
	v2 =	vsel vm6, v2, v4  }
0x5b: {  	s28 =	simm.s32 $0x3;
	s4 =	sadd.s32 s26, s2;
	s5 =	simm.s32 @!p0 $0x8;
	[tilespmem:$0x3F00] =	vst v2  }
0x5c: {  	[spmem:s4] =	stream.linear.scatter [tilespmem:s6], [sflag:$0x3], $0x10, $0x38;
	[tilespmem:$0x4240] =	vst v63  }
0x5d: {  	s5 =	sadd.s32 s3, s5;
	_ =	swait.ge [sflag:s28], $0x10  }
0x5e: {  	s5 =	sshll.u32 s5, $0x6;
	[sflag:s28] =	ssyncset.done $0x0  }
0x5f: {  	s5 =	sshra.s32 s5, $0x2;
	[sflag:s28] =	ssyncadd.s32 $0xFFFFFFF0  }
0x60: {  	s8 =	simm.s32 $0x3F80;
	s5 =	sadd.s32 s5, s2;
	[bflag:$0x0] =	sbarrier.arrive $0xFFFF  }
0x61: {  	[tilespmem:s8], [sflag:$0x3] =	stream.linear.gather [spmem:s5], $0x10, $0x38;
	[tilespmem:$0x4240] =	vst v63  }
0x62: {  	_ =	swait.ge [sflag:s28], $0x10  }
0x63: {  	[sflag:s28] =	ssyncset.done $0x0  }
0x64: {  	[sflag:s28] =	ssyncadd.s32 $0xFFFFFFF0  }
0x65: {  	v3 =	vld [tilespmem:$0x3F80];
	_ =	sdelay $0x4  }
0x66: {  	(v2sf) =	vpush v3, $0x0  }
0x67: {  	(v2sf) =	vpush v1, $0x0  }
0x68: {  	(v2sf) =	vpush v3, $0x1  }
0x69: {  	(v2sf) =	vpush v0, $0x0;
	_ =	sdelay $0xb  }
0x6a: {  	s29 =	spop (v2sf)  }
0x6b: {  	s9 =	spop (v2sf)  }
0x6c: {  	s10 =	spop (v2sf)  }
0x6d: {  	s30 =	simm.s32 $0x2;
	s11 =	spop (v2sf)  }
0x6e: {  	_ =	swait.ge [sflag:s30], $0xA00  }
0x6f: {  	[sflag:s30] =	ssyncset.done $0x0  }
0x70: {  	[sflag:s30] =	ssyncadd.s32 $0xFFFFF600  }
0x71: {  	_ =	swait.ge [sflag:s30], $0xA00  }
0x72: {  	[sflag:s30] =	ssyncset.done $0x0  }
0x73: {  	[sflag:s30] =	ssyncadd.s32 $0xFFFFF600  }
0x74: {  	_ =	swait.ge [sflag:s30], $0xA00  }
0x75: {  	[sflag:s30] =	ssyncset.done $0x0  }
0x76: {  	[sflag:s30] =	ssyncadd.s32 $0xFFFFF600  }
0x77: {  	_ =	swait.ge [sflag:s30], $0xA00  }
0x78: {  	[sflag:s30] =	ssyncset.done $0x0  }
0x79: {  	[sflag:s30] =	ssyncadd.s32 $0xFFFFF600  }
0x7a: {  	_ =	swait.ge [sflag:s30], $0xA00  }
0x7b: {  	[sflag:s30] =	ssyncset.done $0x0  }
0x7c: {  	s6 =	simm.s32 $0x0;
	[sflag:s30] =	ssyncadd.s32 $0xFFFFF600  }
0x7d: {  	v13 =	vld [tilespmem:s6+$0x34B0]  }
0x7e: {  	v14 =	vld [tilespmem:s6+$0xAB0]  }
0x7f: {  	v17 =	vld [tilespmem:s6+$0x1530]  }
0x80: {  	v18 =	vld [tilespmem:s6+$0x1FB0]  }
0x81: {  	v19 =	vld [tilespmem:s6+$0x2A30]  }
0x82: {  	v21 =	vld [tilespmem:s6+$0xAA0]  }
0x83: {  	p6 =	slt.f32 s10, s11;
	v22 =	vld [tilespmem:s6+$0x1520]  }
0x84: {  	p1 =	seq.f32 s29, s9;
	v24 =	vld [tilespmem:s6+$0x1FA0]  }
0x85: {  	p2 =	sgt.f32 s29, s9;
	v0 =	vpsel p6, v3, v2;
	v25 =	vld [tilespmem:s6+$0x2A20]  }
0x86: {  	v0 =	vpsel p1, v0, v2;
	v26 =	vld [tilespmem:s6+$0xA90]  }
0x87: {  	v8 =	vimm.f32 $-Inf;
	v7 =	vimm.s32 $0x0;
	v1 =	vpsel p2, v3, v0;
	v27 =	vld [tilespmem:s6+$0x1510]  }
0x88: {  	v2 =	vlaneseq.u32;
	v9 =	vbroadcast v1, $0x2;
	v10 =	vbroadcast v1, $0x3;
	v29 =	vld [tilespmem:s6+$0x1F90]  }
0x89: {  	s31 =	simm.s32 $0x10;
	v0 =	vmov s7;
	v12 =	vbroadcast v1, $0x4;
	v3 =	vbroadcast v1, $0x6;
	v32 =	vld [tilespmem:s6+$0x2A10]  }
0x8a: {  	s7 =	simm.s32 $0x0;
	v5 =	vor.u32 s31, v2;
	v11 =	vbroadcast v1, $0x5;
	v4 =	vbroadcast v1, $0x7;
	v33 =	vld [tilespmem:s6+$0xA80]  }
0x8b: {  	v6 =	vor.u32 s7, v2;
	v34 =	vld [tilespmem:s6+$0x1500];
	v35 =	vmax.f32 v9, v14;
	vm7 =	veq.f32 v13, v3  }
0x8c: {  	v15 =	vld [tilespmem:s6+$0x1F80];
	v36 =	vmax.f32 v10, v17;
	v37 =	vmin.f32 v12, v18;
	v38 =	vmin.f32 v11, v19  }
0x8d: {  	v16 =	vld [tilespmem:s6+$0x2A00];
	v39 =	vmax.f32 v9, v21;
	v13 =	vsub.f32 v18, v14;
	v14 =	vsub.f32 v19, v17  }
0x8e: {  	v20 =	vmax.f32 v10, v22;
	v40 =	vmin.f32 v12, v24;
	v23 =	vmin.f32 v11, v25  }
0x8f: {  	v28 =	vmax.f32 v9, v26;
	v18 =	vsub.f32 v24, v21;
	v19 =	vsub.f32 v25, v22  }
0x90: {  	v25 =	vmax.f32 v10, v27;
	v31 =	vmin.f32 v12, v29;
	v17 =	vsub.f32 v29, v26  }
0x91: {  	v26 =	vsub.f32 v15, v33;
	v30 =	vmin.f32 v11, v32;
	v24 =	vsub.f32 v32, v27  }
0x92: {  	v32 =	vmax.f32 v9, v33;
	v29 =	vsub.f32 v16, v34;
	v27 =	vsub.f32 v37, v35  }
0x93: {  	s8 =	simm.s32 $0x0;
	s9 =	simm.s32 $0x100;
	v33 =	vmax.f32 v10, v34;
	v22 =	vsub.f32 v40, v39;
	v21 =	vsub.f32 v38, v36  }
.LBB2_3:
0x94: {  	s10 =	sshra.s32 s9, $0x2;
	v15 =	vmin.f32 v12, v15;
	v28 =	vsub.f32 v31, v28;
	v20 =	vsub.f32 v23, v20  }
0x95: {  	v16 =	vmin.f32 v11, v16;
	v25 =	vsub.f32 v30, v25;
	v23 =	vld [tilespmem:s10+$0x34B0];
	v15 =	vsub.f32 v15, v32  }
0x96: {  	v18 =	vmul.f32 v19, v18;
	v13 =	vmul.f32 v14, v13;
	v16 =	vsub.f32 v16, v33;
	v30 =	vld [tilespmem:s6+$0x34A0]  }
0x97: {  	v14 =	vmul.f32 v29, v26;
	v17 =	vmul.f32 v24, v17;
	v24 =	vmax.f32 v27, $0.0e+00;
	v19 =	vld [tilespmem:s6+$0x3490]  }
0x98: {  	v21 =	vmax.f32 v21, $0.0e+00;
	v15 =	vmax.f32 v15, $0.0e+00;
	v16 =	vmax.f32 v16, $0.0e+00;
	v26 =	vld [tilespmem:s6+$0x3480]  }
0x99: {  	v14 =	vadd.f32 v14, v4;
	v15 =	vmul.f32 v16, v15;
	v16 =	vmax.f32 v22, $0.0e+00;
	v27 =	vld [tilespmem:s10+$0xAB0]  }
0x9a: {  	v28 =	vmax.f32 v28, $0.0e+00;
	v25 =	vmax.f32 v25, $0.0e+00;
	v20 =	vmax.f32 v20, $0.0e+00;
	v22 =	vld [tilespmem:s10+$0x1530]  }
0x9b: {  	v17 =	vadd.f32 v17, v4;
	v25 =	vmul.f32 v25, v28;
	v14 =	vsub.f32 v14, v15;
	v29 =	vld [tilespmem:s10+$0x1FB0]  }
0x9c: {  	v18 =	vadd.f32 v18, v4;
	v16 =	vmul.f32 v20, v16;
	v20 =	vmul.f32 v21, v24;
	v28 =	vld [tilespmem:s6+$0x0]  }
0x9d: {  	v13 =	vadd.f32 v13, v4;
	v17 =	vsub.f32 v17, v25;
	v14 =	vmul.f32 $5.000000000e-01, v14;
	v21 =	vld [tilespmem:s10+$0x2A30]  }
0x9e: {  	v18 =	vsub.f32 v18, v16;
	vm9 =	veq.f32 v30, v3;
	vm8 =	veq.f32 v26, v3;
	v24 =	vld [tilespmem:s6+$0x10]  }
0x9f: {  	v13 =	vsub.f32 v13, v20;
	vm10 =	vgt.f32 v15, v14;
	v14 =	vmul.f32 $5.000000000e-01, v17;
	v26 =	vld [tilespmem:s10+$0xAA0]  }
0xa0: {  	v17 =	vmul.f32 $5.000000000e-01, v18;
	vm8 =	vmand vm8, vm10;
	vm10 =	veq.f32 v19, v3;
	v15 =	vld [tilespmem:s6+$0x20]  }
0xa1: {  	v13 =	vmul.f32 $5.000000000e-01, v13;
	v19 =	vld [tilespmem:s10+$0x1520];
	v18 =	vsel vm8, $0xFF800000, v28;
	vm8 =	vgt.f32 v25, v14  }
0xa2: {  	[tilespmem:s6+$0x0] =	vst v18;
	vm11 =	vgt.f32 v18, v8;
	vm8 =	vmand vm10, vm8;
	vm10 =	vgt.f32 v16, v17;
	v14 =	vld [tilespmem:s6+$0x30]  }
0xa3: {  	v17 =	vld [tilespmem:s10+$0x1FA0];
	v8 =	vsel vm11, v18, v8;
	v6 =	vsel vm11, v6, v7;
	v7 =	vsel vm8, $0xFF800000, v24  }
0xa4: {  	vm9 =	vmand vm9, vm10;
	vm10 =	vgt.f32 v20, v13;
	v24 =	vld [tilespmem:s10+$0x2A20];
	[tilespmem:s6+$0x10] =	vst v7;
	vm8 =	vgt.f32 v7, v8  }
0xa5: {  	s11 =	sadd.s32 $0x20, s7;
	v30 =	vld [tilespmem:s10+$0xA90];
	v7 =	vsel vm8, v7, v8;
	v5 =	vsel vm8, v5, v6;
	v6 =	vsel vm9, $0xFF800000, v15  }
0xa6: {  	vm7 =	vmand vm7, vm10;
	v8 =	vor.u32 s11, v2;
	v32 =	vld [tilespmem:s10+$0x1510];
	[tilespmem:s6+$0x20] =	vst v6;
	vm8 =	vgt.f32 v6, v7  }
0xa7: {  	s11 =	sadd.s32 $0x30, s7;
	v33 =	vld [tilespmem:s10+$0x1F90];
	v7 =	vsel vm8, v6, v7;
	v5 =	vsel vm8, v8, v5;
	v8 =	vsel vm7, $0xFF800000, v14  }
0xa8: {  	s7 =	sadd.s32 $0x40, s7;
	v13 =	vor.u32 s11, v2;
	v34 =	vld [tilespmem:s10+$0x2A10];
	[tilespmem:s6+$0x30] =	vst v8;
	vm7 =	vgt.f32 v8, v7;
	s6 =	smov.u32 s10  }
0xa9: {  	v6 =	vor.u32 s7, v2;
	s10 =	sadd.s32 $0x10, s7;
	v35 =	vld [tilespmem:s6+$0xA80];
	v8 =	vsel vm7, v8, v7;
	v7 =	vsel vm7, v13, v5  }
0xaa: {  	v37 =	vmax.f32 v9, v27;
	v5 =	vor.u32 s10, v2;
	vm7 =	veq.f32 v23, v3;
	v36 =	vld [tilespmem:s6+$0x1500]  }
0xab: {  	v38 =	vmax.f32 v10, v22;
	v39 =	vmin.f32 v12, v29;
	v40 =	vmin.f32 v11, v21;
	v15 =	vld [tilespmem:s6+$0x1F80]  }
0xac: {  	s8 =	sadd.s32 $0x4, s8;
	v41 =	vmax.f32 v9, v26;
	v14 =	vsub.f32 v21, v22;
	v13 =	vsub.f32 v29, v27;
	v16 =	vld [tilespmem:s6+$0x2A00]  }
0xad: {  	p0 =	slt.u32 s8, $0x9C;
	v20 =	vmax.f32 v10, v19;
	v21 =	vmin.f32 v12, v17;
	v23 =	vmin.f32 v11, v24  }
.Ltmp1:
0xae: {  	v18 =	vsub.f32 v17, v26;
	v19 =	vsub.f32 v24, v19;
	v28 =	vmax.f32 v9, v30;
	(pc) =	sbr.rel @p0 .LBB2_3-.Ltmp1, $4  }
0xaf: {  	v25 =	vmax.f32 v10, v32;
	v31 =	vmin.f32 v12, v33;
	v17 =	vsub.f32 v33, v30  }
0xb0: {  	v30 =	vmin.f32 v11, v34;
	v24 =	vsub.f32 v34, v32;
	v26 =	vsub.f32 v15, v35  }
0xb1: {  	v27 =	vsub.f32 v39, v37;
	v32 =	vmax.f32 v9, v35;
	v29 =	vsub.f32 v16, v36  }
0xb2: {  	s9 =	sadd.s32 $0x100, s9;
	v22 =	vsub.f32 v21, v41;
	v21 =	vsub.f32 v40, v38;
	v33 =	vmax.f32 v10, v36  }
0xb3: {  	v9 =	vmin.f32 v12, v15;
	v10 =	vsub.f32 v31, v28;
	v11 =	vmin.f32 v11, v16  }
0xb4: {  	v9 =	vsub.f32 v9, v32;
	v11 =	vsub.f32 v11, v33  }
0xb5: {  	v12 =	vsub.f32 v23, v20;
	v15 =	vsub.f32 v30, v25;
	v16 =	vmul.f32 v29, v26  }
0xb6: {  	v18 =	vmul.f32 v19, v18;
	v9 =	vmax.f32 v9, $0.0e+00;
	v11 =	vmax.f32 v11, $0.0e+00  }
0xb7: {  	v13 =	vmul.f32 v14, v13;
	v9 =	vmul.f32 v11, v9;
	v11 =	vadd.f32 v16, v4  }
0xb8: {  	v14 =	vmul.f32 v24, v17;
	v17 =	vld [tilespmem:s6+$0x3480];
	v19 =	vmax.f32 v22, $0.0e+00;
	v21 =	vmax.f32 v21, $0.0e+00  }
0xb9: {  	v20 =	vld [tilespmem:s6+$0x34A0];
	v10 =	vmax.f32 v10, $0.0e+00;
	v15 =	vmax.f32 v15, $0.0e+00;
	v11 =	vsub.f32 v11, v9  }
0xba: {  	v12 =	vmax.f32 v12, $0.0e+00;
	v14 =	vadd.f32 v14, v4;
	v10 =	vmul.f32 v15, v10;
	v15 =	vld [tilespmem:s6+$0x0]  }
0xbb: {  	v22 =	vld [tilespmem:s6+$0x3490];
	v18 =	vadd.f32 v18, v4;
	v12 =	vmul.f32 v12, v19;
	v11 =	vmul.f32 $5.000000000e-01, v11  }
0xbc: {  	v16 =	vmax.f32 v27, $0.0e+00;
	v4 =	vadd.f32 v13, v4;
	v14 =	vsub.f32 v14, v10  }
0xbd: {  	v13 =	vld [tilespmem:s6+$0x10];
	v16 =	vmul.f32 v21, v16;
	vm8 =	veq.f32 v17, v3;
	vm9 =	vgt.f32 v9, v11  }
0xbe: {  	v9 =	vsub.f32 v18, v12;
	v11 =	vmul.f32 $5.000000000e-01, v14;
	vm8 =	vmand vm8, vm9  }
0xbf: {  	vm13 =	veq.f32 v20, v3;
	v4 =	vsub.f32 v4, v16;
	v14 =	vld [tilespmem:s6+$0x20];
	v15 =	vsel vm8, $0xFF800000, v15  }
0xc0: {  	vm8 =	veq.f32 v22, v3;
	v3 =	vmul.f32 $5.000000000e-01, v9;
	vm10 =	vgt.f32 v10, v11  }
0xc1: {  	v4 =	vmul.f32 $5.000000000e-01, v4;
	v9 =	vld [tilespmem:s6+$0x30];
	vm11 =	vgt.f32 v15, v8;
	vm8 =	vmand vm8, vm10  }
0xc2: {  	vm14 =	vgt.f32 v12, v3;
	v3 =	vsel vm11, v15, v8;
	v8 =	vsel vm8, $0xFF800000, v13  }
0xc3: {  	vm8 =	vgt.f32 v8, v3;
	vm9 =	vmand vm13, vm14  }
0xc4: {  	vm15 =	vgt.f32 v16, v4;
	v3 =	vsel vm8, v8, v3;
	v4 =	vsel vm9, $0xFF800000, v14  }
0xc5: {  	vm7 =	vmand vm7, vm15;
	[tilespmem:s6+$0x0] =	vst v15;
	vm9 =	vgt.f32 v4, v3  }
0xc6: {  	[tilespmem:s6+$0x10] =	vst v8;
	v8 =	vsel vm7, $0xFF800000, v9;
	v3 =	vsel vm9, v4, v3  }
0xc7: {  	s8 =	sadd.s32 $0x20, s7;
	v6 =	vsel vm11, v6, v7;
	[tilespmem:s6+$0x20] =	vst v4;
	vm7 =	vgt.f32 v8, v3  }
0xc8: {  	s21 =	sadd.s32 $0x30, s7;
	v4 =	vsel vm8, v5, v6;
	v5 =	vor.u32 s8, v2;
	[tilespmem:s6+$0x30] =	vst v8;
	v3 =	vsel vm7, v8, v3  }
0xc9: {  	v2 =	vor.u32 s21, v2;
	v4 =	vsel vm9, v5, v4;
	[tilespmem:$0x4100] =	vst v3  }
0xca: {  	v2 =	vsel vm7, v2, v4;
	[tilespmem:$0x4110] =	vst v3  }
0xcb: {  	[tilespmem:$0x4180] =	vst v2  }
0xcc: {  	[tilespmem:$0x4190] =	vst v2;
	v4 =	vld [tilespmem:$0x4108]  }
0xcd: {  	v5 =	vld [tilespmem:$0x4188];
	_ =	sdelay $0x4  }
0xce: {  	vm7 =	veq.f32 v4, v3;
	vm8 =	vlt.s32 v5, v2  }
0xcf: {  	vm12 =	vgt.f32 v4, v3;
	vm7 =	vmand vm7, vm8  }
0xd0: {  	vm7 =	vmor vm12, vm7  }
0xd1: {  	v3 =	vsel vm7, v4, v3  }
0xd2: {  	[tilespmem:$0x4100] =	vst v3  }
0xd3: {  	v2 =	vsel vm7, v5, v2;
	[tilespmem:$0x4110] =	vst v3  }
0xd4: {  	[tilespmem:$0x4180] =	vst v2  }
0xd5: {  	[tilespmem:$0x4190] =	vst v2;
	v4 =	vld [tilespmem:$0x4104]  }
0xd6: {  	v5 =	vld [tilespmem:$0x4184];
	_ =	sdelay $0x4  }
0xd7: {  	vm7 =	veq.f32 v4, v3;
	vm8 =	vlt.s32 v5, v2  }
0xd8: {  	vm13 =	vgt.f32 v4, v3;
	vm7 =	vmand vm7, vm8  }
0xd9: {  	vm7 =	vmor vm13, vm7  }
0xda: {  	v3 =	vsel vm7, v4, v3  }
0xdb: {  	[tilespmem:$0x4100] =	vst v3  }
0xdc: {  	v2 =	vsel vm7, v5, v2;
	[tilespmem:$0x4110] =	vst v3  }
0xdd: {  	[tilespmem:$0x4180] =	vst v2  }
0xde: {  	[tilespmem:$0x4190] =	vst v2;
	v4 =	vld [tilespmem:$0x4102]  }
0xdf: {  	v5 =	vld [tilespmem:$0x4182];
	_ =	sdelay $0x4  }
0xe0: {  	vm7 =	veq.f32 v4, v3;
	vm8 =	vlt.s32 v5, v2  }
0xe1: {  	vm14 =	vgt.f32 v4, v3;
	vm7 =	vmand vm7, vm8  }
0xe2: {  	vm7 =	vmor vm14, vm7  }
0xe3: {  	v3 =	vsel vm7, v4, v3  }
0xe4: {  	[tilespmem:$0x4100] =	vst v3  }
0xe5: {  	v2 =	vsel vm7, v5, v2;
	[tilespmem:$0x4110] =	vst v3  }
0xe6: {  	[tilespmem:$0x4180] =	vst v2  }
0xe7: {  	[tilespmem:$0x4190] =	vst v2;
	v4 =	vld [tilespmem:$0x4101]  }
0xe8: {  	v5 =	vld [tilespmem:$0x4181];
	_ =	sdelay $0x4  }
0xe9: {  	vm7 =	veq.f32 v4, v3;
	vm8 =	vlt.s32 v5, v2  }
0xea: {  	vm15 =	vgt.f32 v4, v3;
	vm7 =	vmand vm7, vm8  }
0xeb: {  	vm7 =	vmor vm15, vm7  }
0xec: {  	v2 =	vsel vm7, v5, v2  }
0xed: {  	(v2sf) =	vpush v2, $0x0;
	_ =	sdelay $0xe  }
0xee: {  	s22 =	spop (v2sf)  }
0xef: {  	v5 =	vld.msk [tilespmem:s22+$0xA80 ss:$0x0], $0xffff  }
0xf0: {  	v6 =	vld.msk [tilespmem:s22+$0x1500 ss:$0x0], $0xffff  }
0xf1: {  	v7 =	vld.msk [tilespmem:s22+$0x1F80 ss:$0x0], $0xffff  }
0xf2: {  	v2 =	vadd.s32 v0, v2;
	v8 =	vld.msk [tilespmem:s22+$0x2A00 ss:$0x0], $0xffff  }
0xf3: {  	v2 =	vcvt.s32.f32 v2  }
0xf4: {  	v3 =	vsel vm7, v4, v3  }
0xf5: {  	v9 =	vsel vm0, v3, v2;
	v4 =	vld.msk [tilespmem:s22+$0x3480 ss:$0x0], $0xffff  }
0xf6: {  	v9 =	vsel vm1, v9, v5  }
0xf7: {  	v5 =	vsub.f32 v7, v5;
	v10 =	vsub.f32 v8, v6;
	v6 =	vsel vm2, v9, v6  }
0xf8: {  	v6 =	vsel vm3, v6, v7  }
0xf9: {  	v5 =	vmul.f32 v10, v5;
	v6 =	vsel vm4, v6, v8  }
0xfa: {  	v4 =	vsel vm5, v6, v4  }
0xfb: {  	v4 =	vsel vm6, v4, v5  }
0xfc: {  	s23 =	sadd.s32 $0x100, s4;
	s24 =	simm.s32 $0x3F00;
	s25 =	simm.s32 $0x3;
	[tilespmem:$0x3F00] =	vst v4  }
0xfd: {  	[spmem:s23] =	stream.linear.scatter [tilespmem:s24], [sflag:$0x3], $0x10, $0x38;
	[tilespmem:$0x4240] =	vst v63  }
0xfe: {  	_ =	swait.ge [sflag:s25], $0x10  }
0xff: {  	[sflag:s25] =	ssyncset.done $0x0  }
0x100: {  	[sflag:s25] =	ssyncadd.s32 $0xFFFFFFF0  }
0x101: {  	s26 =	sadd.s32 $0x100, s5;
	s28 =	simm.s32 $0x3F80;
	[bflag:$0x0] =	sbarrier.arrive $0xFFFF  }
0x102: {  	[tilespmem:s28], [sflag:$0x3] =	stream.linear.gather [spmem:s26], $0x10, $0x38;
	[tilespmem:$0x4240] =	vst v63  }
0x103: {  	_ =	swait.ge [sflag:s25], $0x10  }
0x104: {  	[sflag:s25] =	ssyncset.done $0x0  }
0x105: {  	[sflag:s25] =	ssyncadd.s32 $0xFFFFFFF0  }
0x106: {  	v5 =	vld [tilespmem:$0x3F80];
	_ =	sdelay $0x4  }
0x107: {  	(v2sf) =	vpush v5, $0x0  }
0x108: {  	(v2sf) =	vpush v3, $0x0  }
0x109: {  	(v2sf) =	vpush v5, $0x1  }
0x10a: {  	(v2sf) =	vpush v2, $0x0;
	_ =	sdelay $0x8  }
0x10b: {  	s7 =	simm.s32 $0x0  }
0x10c: {  	v14 =	vld [tilespmem:s7+$0x34B0]  }
0x10d: {  	v15 =	vld [tilespmem:s7+$0xAB0]  }
0x10e: {  	v16 =	vld [tilespmem:s7+$0x1530];
	s29 =	spop (v2sf)  }
0x10f: {  	v17 =	vld [tilespmem:s7+$0x1FB0];
	s30 =	spop (v2sf)  }
0x110: {  	v29 =	vld [tilespmem:s7+$0x1500];
	s9 =	spop (v2sf)  }
0x111: {  	v34 =	vld [tilespmem:s7+$0x2A00];
	s10 =	spop (v2sf)  }
0x112: {  	v18 =	vld [tilespmem:s7+$0x2A30];
	p0 =	slt.f32 s9, s10  }
0x113: {  	v19 =	vld [tilespmem:s7+$0xAA0];
	p1 =	seq.f32 s29, s30  }
0x114: {  	v20 =	vld [tilespmem:s7+$0x1520];
	p2 =	sgt.f32 s29, s30;
	v2 =	vpsel p0, v5, v4  }
0x115: {  	v9 =	vimm.f32 $-Inf;
	v8 =	vimm.s32 $0x0;
	v21 =	vld [tilespmem:s7+$0x1FA0];
	v2 =	vpsel p1, v2, v4  }
0x116: {  	s6 =	simm.s32 $0x0;
	v22 =	vld [tilespmem:s7+$0x2A20];
	v28 =	vsub.f32 v34, v29;
	v3 =	vlaneseq.u32;
	v2 =	vpsel p2, v5, v2  }
0x117: {  	s31 =	simm.s32 $0x10;
	v23 =	vld [tilespmem:s7+$0xA90];
	v7 =	vor.u32 s6, v3;
	v10 =	vbroadcast v2, $0x2;
	v11 =	vbroadcast v2, $0x3  }
0x118: {  	v25 =	vld [tilespmem:s7+$0x1510];
	v6 =	vor.u32 s31, v3;
	v12 =	vbroadcast v2, $0x4;
	v4 =	vbroadcast v2, $0x6  }
0x119: {  	v24 =	vld [tilespmem:s7+$0x1F90];
	v13 =	vbroadcast v2, $0x5;
	v5 =	vbroadcast v2, $0x7;
	v30 =	vmax.f32 v10, v15  }
0x11a: {  	v26 =	vld [tilespmem:s7+$0x2A10];
	vm7 =	veq.f32 v14, v4;
	v31 =	vmax.f32 v11, v16;
	v62 =	vmin.f32 v12, v17  }
0x11b: {  	v27 =	vld [tilespmem:s7+$0xA80];
	v63 =	vmin.f32 v13, v18;
	v35 =	vmax.f32 v10, v19;
	v15 =	vsub.f32 v17, v15  }
0x11c: {  	v16 =	vsub.f32 v18, v16;
	v36 =	vmax.f32 v11, v20;
	v37 =	vmin.f32 v12, v21  }
0x11d: {  	v14 =	vld [tilespmem:s7+$0x1F80];
	v38 =	vmin.f32 v13, v22;
	v39 =	vmax.f32 v10, v23;
	v17 =	vsub.f32 v21, v19  }
0x11e: {  	v18 =	vsub.f32 v22, v20;
	v40 =	vmax.f32 v11, v25;
	v22 =	vmin.f32 v12, v24  }
0x11f: {  	v19 =	vsub.f32 v24, v23;
	v41 =	vmin.f32 v13, v26;
	v25 =	vsub.f32 v26, v25  }
0x120: {  	v26 =	vmax.f32 v10, v27;
	v21 =	vsub.f32 v37, v35;
	v20 =	vsub.f32 v63, v31  }
0x121: {  	v29 =	vmax.f32 v11, v29;
	v23 =	vsub.f32 v22, v39;
	v22 =	vsub.f32 v38, v36  }
0x122: {  	v24 =	vsub.f32 v14, v27;
	v27 =	vsub.f32 v62, v30;
	v14 =	vmin.f32 v12, v14  }
0x123: {  	s8 =	simm.s32 $0x0;
	s9 =	simm.s32 $0x100;
	v31 =	vmin.f32 v13, v34;
	v30 =	vsub.f32 v14, v26;
	v26 =	vsub.f32 v41, v40;
	v14 =	vld [tilespmem:s7+$0x30]  }
.LBB2_5:
0x124: {  	s10 =	sshra.s32 s9, $0x2;
	v29 =	vsub.f32 v31, v29;
	v31 =	vld [tilespmem:s7+$0x20];
	v17 =	vmul.f32 v18, v17;
	v15 =	vmul.f32 v16, v15  }
0x125: {  	v18 =	vmul.f32 v28, v24;
	v19 =	vmul.f32 v25, v19;
	v24 =	vmax.f32 v27, $0.0e+00;
	v16 =	vld [tilespmem:s10+$0x34B0]  }
0x126: {  	v20 =	vmax.f32 v20, $0.0e+00;
	v25 =	vmax.f32 v30, $0.0e+00;
	v27 =	vmax.f32 v29, $0.0e+00;
	v28 =	vld [tilespmem:s7+$0x34A0]  }
0x127: {  	v21 =	vmax.f32 v21, $0.0e+00;
	v18 =	vadd.f32 v18, v5;
	v29 =	vld [tilespmem:s7+$0x3480];
	v25 =	vmul.f32 v27, v25  }
0x128: {  	v23 =	vmax.f32 v23, $0.0e+00;
	v22 =	vmax.f32 v22, $0.0e+00;
	v26 =	vmax.f32 v26, $0.0e+00;
	v27 =	vld [tilespmem:s7+$0x10]  }
0x129: {  	v23 =	vmul.f32 v26, v23;
	v19 =	vadd.f32 v19, v5;
	v18 =	vsub.f32 v18, v25;
	v30 =	vld [tilespmem:s7+$0x3490]  }
0x12a: {  	v21 =	vmul.f32 v22, v21;
	v20 =	vmul.f32 v20, v24;
	v17 =	vadd.f32 v17, v5;
	v26 =	vld [tilespmem:s7+$0x0];
	s7 =	smov.u32 s10  }
0x12b: {  	v15 =	vadd.f32 v15, v5;
	v19 =	vsub.f32 v19, v23;
	v22 =	vld [tilespmem:s7+$0xAB0];
	v18 =	vmul.f32 $5.000000000e-01, v18  }
0x12c: {  	v17 =	vsub.f32 v17, v21;
	vm9 =	veq.f32 v28, v4;
	v24 =	vld [tilespmem:s7+$0x1530];
	vm8 =	veq.f32 v29, v4  }
0x12d: {  	v15 =	vsub.f32 v15, v20;
	v28 =	vld [tilespmem:s7+$0x1FB0];
	vm10 =	vgt.f32 v25, v18;
	v18 =	vmul.f32 $5.000000000e-01, v19  }
0x12e: {  	v17 =	vmul.f32 $5.000000000e-01, v17;
	v19 =	vld [tilespmem:s7+$0x2A30];
	vm8 =	vmand vm8, vm10;
	vm10 =	veq.f32 v30, v4  }
0x12f: {  	v15 =	vmul.f32 $5.000000000e-01, v15;
	v25 =	vld [tilespmem:s7+$0xAA0];
	v26 =	vsel vm8, $0xFF800000, v26;
	vm8 =	vgt.f32 v23, v18  }
0x130: {  	v18 =	vld [tilespmem:s7+$0x1520];
	vm11 =	vgt.f32 v26, v9;
	vm8 =	vmand vm10, vm8;
	vm10 =	vgt.f32 v21, v17  }
0x131: {  	v17 =	vld [tilespmem:s7+$0x1FA0];
	v9 =	vsel vm11, v26, v9;
	v7 =	vsel vm11, v7, v8;
	v8 =	vsel vm8, $0xFF800000, v27  }
0x132: {  	vm9 =	vmand vm9, vm10;
	vm10 =	vgt.f32 v20, v15;
	v21 =	vld [tilespmem:s7+$0x2A20];
	vm8 =	vgt.f32 v8, v9  }
0x133: {  	s10 =	sadd.s32 $0x20, s6;
	v20 =	vld [tilespmem:s7+$0xA90];
	v8 =	vsel vm8, v8, v9;
	v6 =	vsel vm8, v6, v7;
	v7 =	vsel vm9, $0xFF800000, v31  }
0x134: {  	vm7 =	vmand vm7, vm10;
	v9 =	vor.u32 s10, v3;
	v23 =	vld [tilespmem:s7+$0x1510];
	vm8 =	vgt.f32 v7, v8  }
0x135: {  	s10 =	sadd.s32 $0x30, s6;
	v26 =	vld [tilespmem:s7+$0x1F90];
	v8 =	vsel vm8, v7, v8;
	v6 =	vsel vm8, v9, v6;
	v9 =	vsel vm7, $0xFF800000, v14  }
0x136: {  	s6 =	sadd.s32 $0x40, s6;
	v15 =	vor.u32 s10, v3;
	v14 =	vld [tilespmem:s7+$0x2A10];
	vm7 =	vgt.f32 v9, v8  }
0x137: {  	s10 =	sadd.s32 $0x10, s6;
	v7 =	vor.u32 s6, v3;
	v27 =	vld [tilespmem:s7+$0xA80];
	v9 =	vsel vm7, v9, v8;
	v8 =	vsel vm7, v15, v6  }
0x138: {  	v30 =	vmax.f32 v10, v22;
	v6 =	vor.u32 s10, v3;
	vm7 =	veq.f32 v16, v4;
	v29 =	vld [tilespmem:s7+$0x1500]  }
0x139: {  	v32 =	vmax.f32 v11, v24;
	v33 =	vmin.f32 v12, v28;
	v34 =	vmin.f32 v13, v19;
	v31 =	vld [tilespmem:s7+$0x1F80]  }
0x13a: {  	v36 =	vmax.f32 v10, v25;
	v15 =	vsub.f32 v28, v22;
	v16 =	vsub.f32 v19, v24;
	v35 =	vld [tilespmem:s7+$0x2A00]  }
0x13b: {  	v37 =	vmin.f32 v12, v17;
	v22 =	vmax.f32 v11, v18;
	v38 =	vmin.f32 v13, v21  }
0x13c: {  	s8 =	sadd.s32 $0x4, s8;
	v17 =	vsub.f32 v17, v25;
	v18 =	vsub.f32 v21, v18;
	v39 =	vmax.f32 v10, v20  }
0x13d: {  	p0 =	slt.u32 s8, $0x9C;
	v40 =	vmax.f32 v11, v23;
	v41 =	vmin.f32 v12, v26;
	v19 =	vsub.f32 v26, v20  }
.Ltmp2:
0x13e: {  	v26 =	vmin.f32 v13, v14;
	v25 =	vsub.f32 v14, v23;
	v24 =	vsub.f32 v31, v27;
	(pc) =	sbr.rel @p0 .LBB2_5-.Ltmp2, $4  }
0x13f: {  	v14 =	vmax.f32 v10, v27;
	v27 =	vsub.f32 v33, v30;
	v28 =	vsub.f32 v35, v29  }
0x140: {  	v21 =	vsub.f32 v37, v36;
	v20 =	vsub.f32 v34, v32;
	v29 =	vmax.f32 v11, v29  }
0x141: {  	v22 =	vsub.f32 v38, v22;
	v23 =	vsub.f32 v41, v39;
	v30 =	vmin.f32 v12, v31  }
0x142: {  	s9 =	sadd.s32 $0x100, s9;
	v26 =	vsub.f32 v26, v40;
	v31 =	vmin.f32 v13, v35;
	v30 =	vsub.f32 v30, v14;
	v14 =	vld [tilespmem:s7+$0x30]  }
0x143: {  	v11 =	vmul.f32 v18, v17  }
0x144: {  	v10 =	vsub.f32 v31, v29;
	v12 =	vmul.f32 v16, v15;
	v13 =	vmul.f32 v28, v24  }
0x145: {  	v58 =	vmul.f32 v25, v19;
	v59 =	vmax.f32 v27, $0.0e+00;
	v62 =	vmax.f32 v21, $0.0e+00  }
0x146: {  	v28 =	vmax.f32 v23, $0.0e+00;
	v60 =	vmax.f32 v30, $0.0e+00;
	v10 =	vmax.f32 v10, $0.0e+00  }
0x147: {  	v61 =	vld [tilespmem:s7+$0x3480];
	v22 =	vmax.f32 v22, $0.0e+00;
	v13 =	vadd.f32 v13, v5;
	v10 =	vmul.f32 v10, v60  }
0x148: {  	v63 =	vld [tilespmem:s7+$0x34A0];
	v20 =	vmax.f32 v20, $0.0e+00;
	v29 =	vmax.f32 v26, $0.0e+00;
	v17 =	vmul.f32 v22, v62  }
0x149: {  	v30 =	vld [tilespmem:s7+$0x3490];
	v21 =	vmul.f32 v29, v28;
	v15 =	vadd.f32 v58, v5;
	v13 =	vsub.f32 v13, v10  }
0x14a: {  	v31 =	vld [tilespmem:s7+$0x0];
	v16 =	vmul.f32 v20, v59;
	v11 =	vadd.f32 v11, v5;
	v33 =	vadd.f32 v12, v5  }
0x14b: {  	v15 =	vsub.f32 v15, v21;
	v13 =	vmul.f32 $5.000000000e-01, v13  }
0x14c: {  	v32 =	vld [tilespmem:s7+$0x10];
	v11 =	vsub.f32 v11, v17;
	v5 =	vsub.f32 v33, v16  }
0x14d: {  	vm8 =	veq.f32 v61, v4;
	v34 =	vmul.f32 $5.000000000e-01, v15;
	vm10 =	vgt.f32 v10, v13  }
0x14e: {  	v35 =	vld [tilespmem:s7+$0x20];
	vm9 =	veq.f32 v63, v4;
	vm13 =	veq.f32 v30, v4;
	vm8 =	vmand vm8, vm10  }
0x14f: {  	v36 =	vmul.f32 $5.000000000e-01, v11;
	vm14 =	vgt.f32 v21, v34;
	v37 =	vsel vm8, $0xFF800000, v31  }
0x150: {  	v5 =	vmul.f32 $5.000000000e-01, v5;
	vm8 =	vmand vm13, vm14;
	vm11 =	vgt.f32 v37, v9  }
0x151: {  	vm15 =	vgt.f32 v17, v36;
	v39 =	vsel vm8, $0xFF800000, v32;
	v38 =	vsel vm11, v37, v9  }
0x152: {  	vm9 =	vmand vm9, vm15;
	vm8 =	vgt.f32 v39, v38  }
0x153: {  	vm12 =	vgt.f32 v16, v5;
	v40 =	vsel vm9, $0xFF800000, v35;
	v4 =	vsel vm8, v39, v38  }
0x154: {  	vm7 =	vmand vm7, vm12;
	vm9 =	vgt.f32 v40, v4  }
0x155: {  	v41 =	vsel vm7, $0xFF800000, v14;
	v4 =	vsel vm9, v40, v4  }
0x156: {  	s19 =	sadd.s32 $0x20, s6;
	v7 =	vsel vm11, v7, v8;
	vm7 =	vgt.f32 v41, v4  }
0x157: {  	s20 =	sadd.s32 $0x30, s6;
	v42 =	vor.u32 s19, v3;
	v6 =	vsel vm8, v6, v7;
	v4 =	vsel vm7, v41, v4  }
0x158: {  	v44 =	vor.u32 s20, v3;
	v43 =	vsel vm9, v42, v6;
	[tilespmem:$0x4100] =	vst v4  }
0x159: {  	v3 =	vsel vm7, v44, v43;
	[tilespmem:$0x4110] =	vst v4  }
0x15a: {  	[tilespmem:$0x4180] =	vst v3  }
0x15b: {  	[tilespmem:$0x4190] =	vst v3;
	v45 =	vld [tilespmem:$0x4108]  }
0x15c: {  	v46 =	vld [tilespmem:$0x4188];
	_ =	sdelay $0x4  }
0x15d: {  	vm13 =	veq.f32 v45, v4;
	vm14 =	vlt.s32 v46, v3  }
0x15e: {  	vm15 =	vgt.f32 v45, v4;
	vm7 =	vmand vm13, vm14  }
0x15f: {  	vm7 =	vmor vm15, vm7  }
0x160: {  	v4 =	vsel vm7, v45, v4  }
0x161: {  	[tilespmem:$0x4100] =	vst v4  }
0x162: {  	v3 =	vsel vm7, v46, v3;
	[tilespmem:$0x4110] =	vst v4  }
0x163: {  	[tilespmem:$0x4180] =	vst v3  }
0x164: {  	[tilespmem:$0x4190] =	vst v3;
	v47 =	vld [tilespmem:$0x4104]  }
0x165: {  	v48 =	vld [tilespmem:$0x4184];
	_ =	sdelay $0x4  }
0x166: {  	vm12 =	veq.f32 v47, v4;
	vm13 =	vlt.s32 v48, v3  }
0x167: {  	vm14 =	vgt.f32 v47, v4;
	vm7 =	vmand vm12, vm13  }
0x168: {  	vm7 =	vmor vm14, vm7  }
0x169: {  	v4 =	vsel vm7, v47, v4  }
0x16a: {  	[tilespmem:$0x4100] =	vst v4  }
0x16b: {  	v3 =	vsel vm7, v48, v3;
	[tilespmem:$0x4110] =	vst v4  }
0x16c: {  	[tilespmem:$0x4180] =	vst v3  }
0x16d: {  	[tilespmem:$0x4190] =	vst v3;
	v49 =	vld [tilespmem:$0x4102]  }
0x16e: {  	v50 =	vld [tilespmem:$0x4182];
	_ =	sdelay $0x4  }
0x16f: {  	vm15 =	veq.f32 v49, v4;
	vm12 =	vlt.s32 v50, v3  }
0x170: {  	vm13 =	vgt.f32 v49, v4;
	vm7 =	vmand vm15, vm12  }
0x171: {  	vm7 =	vmor vm13, vm7  }
0x172: {  	v4 =	vsel vm7, v49, v4  }
0x173: {  	[tilespmem:$0x4100] =	vst v4  }
0x174: {  	v3 =	vsel vm7, v50, v3;
	[tilespmem:$0x4110] =	vst v4  }
0x175: {  	[tilespmem:$0x4180] =	vst v3  }
0x176: {  	[tilespmem:$0x4190] =	vst v3;
	v51 =	vld [tilespmem:$0x4101]  }
0x177: {  	v52 =	vld [tilespmem:$0x4181];
	_ =	sdelay $0x4  }
0x178: {  	vm14 =	veq.f32 v51, v4;
	vm15 =	vlt.s32 v52, v3  }
0x179: {  	vm12 =	vgt.f32 v51, v4;
	vm7 =	vmand vm14, vm15  }
0x17a: {  	(v2sf) =	vpush v1, $0x1;
	vm7 =	vmor vm12, vm7  }
0x17b: {  	(v2sf) =	vpush v2, $0x1;
	v53 =	vsel vm7, v52, v3  }
0x17c: {  	(v2sf) =	vpush v53, $0x0;
	_ =	sdelay $0xc  }
0x17d: {  	s21 =	spop (v2sf)  }
0x17e: {  	s8 =	spop (v2sf)  }
0x17f: {  	s22 =	spop (v2sf)  }
0x180: {  	v54 =	vld.msk [tilespmem:s22+$0xA80 ss:$0x0], $0xffff  }
0x181: {  	v55 =	vld.msk [tilespmem:s22+$0x1500 ss:$0x0], $0xffff  }
0x182: {  	v56 =	vld.msk [tilespmem:s22+$0x1F80 ss:$0x0], $0xffff  }
0x183: {  	v0 =	vadd.s32 v0, v53;
	v57 =	vld.msk [tilespmem:s22+$0x2A00 ss:$0x0], $0xffff  }
0x184: {  	v0 =	vcvt.s32.f32 v0  }
0x185: {  	v4 =	vsel vm7, v51, v4  }
0x186: {  	v59 =	vsel vm0, v4, v0;
	v58 =	vld.msk [tilespmem:s22+$0x3480 ss:$0x0], $0xffff  }
0x187: {  	v7 =	vsel vm1, v59, v54  }
0x188: {  	v2 =	vsub.f32 v56, v54;
	v60 =	vsub.f32 v57, v55;
	v3 =	vsel vm2, v7, v55  }
0x189: {  	v3 =	vsel vm3, v3, v56  }
0x18a: {  	v2 =	vmul.f32 v60, v2;
	v1 =	vsel vm4, v3, v57  }
0x18b: {  	v1 =	vsel vm5, v1, v58  }
0x18c: {  	v1 =	vsel vm6, v1, v2  }
0x18d: {  	s23 =	sadd.s32 $0x200, s4;
	s9 =	simm.s32 $0x3F00;
	s6 =	simm.s32 $0x3;
	[tilespmem:$0x3F00] =	vst v1  }
0x18e: {  	[spmem:s23] =	stream.linear.scatter [tilespmem:s9], [sflag:$0x3], $0x10, $0x38;
	[tilespmem:$0x4240] =	vst v63  }
0x18f: {  	_ =	swait.ge [sflag:s6], $0x10  }
0x190: {  	[sflag:s6] =	ssyncset.done $0x0  }
0x191: {  	[sflag:s6] =	ssyncadd.s32 $0xFFFFFFF0  }
0x192: {  	s5 =	sadd.s32 $0x200, s5;
	s10 =	simm.s32 $0x3F80;
	[bflag:$0x0] =	sbarrier.arrive $0xFFFF  }
0x193: {  	[tilespmem:s10], [sflag:$0x3] =	stream.linear.gather [spmem:s5], $0x10, $0x38;
	[tilespmem:$0x4240] =	vst v63  }
0x194: {  	_ =	swait.ge [sflag:s6], $0x10  }
0x195: {  	[sflag:s6] =	ssyncset.done $0x0  }
0x196: {  	[sflag:s6] =	ssyncadd.s32 $0xFFFFFFF0  }
0x197: {  	v61 =	vld [tilespmem:$0x3F80];
	_ =	sdelay $0x4  }
0x198: {  	(v2sf) =	vpush v61, $0x0  }
0x199: {  	(v2sf) =	vpush v4, $0x0  }
0x19a: {  	(v2sf) =	vpush v61, $0x1  }
0x19b: {  	(v2sf) =	vpush v0, $0x0;
	_ =	sdelay $0xb  }
0x19c: {  	s24 =	spop (v2sf)  }
0x19d: {  	s25 =	spop (v2sf)  }
0x19e: {  	s11 =	spop (v2sf)  }
0x19f: {  	s12 =	spop (v2sf)  }
0x1a0: {  	p0 =	slt.f32 s11, s12  }
0x1a1: {  	p1 =	seq.f32 s24, s25  }
0x1a2: {  	p2 =	sgt.f32 s24, s25;
	v62 =	vpsel p0, v61, v1  }
0x1a3: {  	v0 =	vpsel p1, v62, v1  }
0x1a4: {  	v0 =	vpsel p2, v61, v0  }
0x1a5: {  	(v2sf) =	vpush v0, $0x1;
	_ =	sdelay $0xc  }
0x1a6: {  	s26 =	scvt.f32.s32 s21;
	_ =	sdelay $0x1  }
0x1a7: {  	s28 =	scvt.f32.s32 s8;
	v63 =	vmov s26;
	vm13 =	vcmask $0x300;
	s29 =	spop (v2sf)  }
0x1a8: {  	vm14 =	vcmask $0x704;
	v0 =	vnsel vm13, $0x0, v63;
	s30 =	scvt.f32.s32 s29  }
0x1a9: {  	vm15 =	vcmask $0xB08;
	v0 =	vsel vm14, s28, v0  }
0x1aa: {  	v0 =	vsel vm15, s30, v0  }
0x1ab: {  	v0 =	vcvt.s32.f32 v0;
	_ =	sdelay $0x1  }
0x1ac: {  	s31 =	sadd.s32 $0x300, s4;
	[tilespmem:$0x3F00] =	vst v0  }
0x1ad: {  	[spmem:s31] =	stream.linear.scatter [tilespmem:s9], [sflag:$0x3], $0x10, $0x38;
	[tilespmem:$0x4240] =	vst v63  }
0x1ae: {  	_ =	swait.ge [sflag:s6], $0x10  }
0x1af: {  	[sflag:s6] =	ssyncset.done $0x0  }
0x1b0: {  	[sflag:s6] =	ssyncadd.s32 $0xFFFFFFF0  }
0x1b1: {  	p0 =	sne.s32 s3, $0x0;
	[bflag:$0x0] =	sbarrier.arrive $0xFFFF  }
0x1b2: {  	_ =	sfence.sel @p0 $0x180000  }
0x1b3: {  	[bflag:$0x0] =	sbarrier.arrive @p0 $0xFFFF  }
0x1b4: {  	_ =	strace @p0 $0x90000047  }
0x1b5: {  	[bflag:$0x2] =	sbarrier.arrive @p0 $0xFFFF  }
0x1b6: {  	_ =	shalt @p0  }
.LBB2_7:
0x1b7: {  	s2 =	sadd.s32 $0x300, s2;
	s3 =	simm.s32 $0x4000  }
0x1b8: {  	[tilespmem:s3], [sflag:$0x3] =	stream.linear.gather [spmem:s2], $0x80, $0x38;
	[tilespmem:$0x4240] =	vst v63  }
0x1b9: {  	_ =	swait.ge [sflag:s6], $0x80  }
0x1ba: {  	[sflag:s6] =	ssyncset.done $0x0  }
0x1bb: {  	[sflag:s6] =	ssyncadd.s32 $0xFFFFFF80  }
0x1bc: {  	v0 =	vld [tilespmem:$0x4010]  }
0x1bd: {  	v1 =	vld [tilespmem:$0x4000]  }
0x1be: {  	vm0 =	vcmask $0xF0C;
	vm15 =	vmmov $0xf;
	v2 =	vld [tilespmem:$0x4020]  }
0x1bf: {  	vm1 =	vmmov $0x1f;
	vm2 =	vmmov $0x3f;
	vm3 =	vmmov $0x7f;
	v4 =	vld [tilespmem:$0x4030]  }
0x1c0: {  	vm4 =	vmmov $0xff;
	vm5 =	vmmov $0x1ff;
	vm6 =	vmmov $0x1  }
0x1c1: {  	vm9 =	vmmov $0x3;
	vm10 =	vmmov $0x7;
	v3 =	vbroadcast v0, $0x0  }
0x1c2: {  	vm7 =	vmmov $0x3ff;
	v52 =	vld [tilespmem:$0x4040];
	v5 =	vbroadcast v0, $0x1;
	v0 =	vbroadcast v0, $0x2  }
0x1c3: {  	vm11 =	vmmov $0x7ff;
	v50 =	vbroadcast v2, $0x0;
	v51 =	vbroadcast v2, $0x1  }
0x1c4: {  	v54 =	vld [tilespmem:$0x4050];
	v2 =	vbroadcast v2, $0x2;
	v53 =	vbroadcast v4, $0x0;
	v1 =	vsel vm0, v3, v1  }
0x1c5: {  	vm12 =	vmmov $0xfff;
	v6 =	vbroadcast v4, $0x1;
	v1 =	vsel vm15, v1, v5  }
0x1c6: {  	v7 =	vld [tilespmem:$0x4060];
	v4 =	vbroadcast v4, $0x2;
	v0 =	vsel vm1, v1, v0;
	v1 =	vsel vm6, v2, v53  }
0x1c7: {  	vm13 =	vmmov $0x1fff;
	v55 =	vbroadcast v52, $0x0;
	v1 =	vsel vm9, v1, v6  }
0x1c8: {  	vm14 =	vmmov $0x3fff;
	v8 =	vbroadcast v52, $0x1;
	v1 =	vsel vm10, v1, v4  }
0x1c9: {  	v56 =	vbroadcast v54, $0x0;
	v5 =	vbroadcast v52, $0x2;
	v1 =	vsel vm15, v1, v55  }
0x1ca: {  	v9 =	vld [tilespmem:$0x4070];
	v57 =	vbroadcast v54, $0x1;
	v0 =	vsel vm2, v0, v50;
	v1 =	vsel vm1, v1, v8  }
0x1cb: {  	v58 =	vbroadcast v7, $0x0;
	v0 =	vsel vm3, v0, v51;
	v1 =	vsel vm2, v1, v5  }
0x1cc: {  	v3 =	vbroadcast v54, $0x2;
	v0 =	vsel vm4, v0, v2;
	v1 =	vsel vm3, v1, v56  }
0x1cd: {  	v59 =	vbroadcast v7, $0x1;
	v0 =	vsel vm5, v0, v53;
	v1 =	vsel vm4, v1, v57  }
0x1ce: {  	v60 =	vbroadcast v7, $0x2;
	v0 =	vsel vm7, v0, v6;
	v1 =	vsel vm5, v1, v3  }
0x1cf: {  	v61 =	vbroadcast v9, $0x0;
	v0 =	vsel vm11, v0, v4;
	v1 =	vsel vm7, v1, v58  }
0x1d0: {  	v62 =	vbroadcast v9, $0x1;
	v0 =	vsel vm12, v0, v55;
	v1 =	vsel vm11, v1, v59  }
0x1d1: {  	v63 =	vbroadcast v9, $0x2;
	v0 =	vsel vm13, v0, v8;
	v1 =	vsel vm12, v1, v60  }
0x1d2: {  	vm15 =	vmmov $0x7fff;
	v0 =	vsel vm14, v0, v5;
	v1 =	vsel vm13, v1, v61  }
0x1d3: {  	v0 =	vsel vm15, v0, v56;
	v1 =	vsel vm14, v1, v62  }
0x1d4: {  	v0 =	vtrunc.f32 v0;
	v1 =	vsel vm15, v1, v63  }
0x1d5: {  	v0 =	vcvt.f32.s32 v0;
	v1 =	vtrunc.f32 v1  }
0x1d6: {  	v1 =	vcvt.f32.s32 v1  }
0x1d7: {  	[tilespmem:$0x4080] =	vst v0  }
0x1d8: {  	s30 =	simm.s32 $0x0;
	s31 =	simm.s32 $0x4080;
	[tilespmem:$0x4088] =	vst v1  }
0x1d9: {  	[hbm4b:s1+s30] =	stream.linear.scatter [tilespmem:s31], [sflag:$0x3], $0x80, $0x38;
	[tilespmem:$0x4240] =	vst v63  }
0x1da: {  	_ =	swait.ge [sflag:s6], $0x80  }
0x1db: {  	[sflag:s6] =	ssyncset.done $0x0  }
0x1dc: {  	[sflag:s6] =	ssyncadd.s32 $0xFFFFFF80  }
0x1dd: {  	_ =	sfence.sel $0x180000  }
0x1de: {  	[bflag:$0x0] =	sbarrier.arrive $0xFFFF  }
0x1df: {  	_ =	strace $0x90000047  }
0x1e0: {  	s0 =	sadd.s32 $0x100000, s0;
	[bflag:$0x2] =	sbarrier.arrive $0xFFFF  }
0x1e1: {  	[sflag:s0] =	ssyncadd.tile.s32 $0x1;
	_ =	shalt  }
.Lfunc_end2:
_tile_overlayer_lowered:
.L_overlay_start_2:
0x1e2: {  	(tag) =	ssettag $0x2  }
0x1e3: {  	s0 =	rddreg [dreg:$0x0];
	s2 =	stileid.u32  }
0x1e4: {  	s1 =	rddreg [dreg:$0x1];
	p0 =	sne.s32 s2, $0x0  }
0x1e5: {  	s3 =	rddreg [dreg:$0x2];
	[bflag:$0x3] =	sbarrier.arrive $0xFFFF;
	s2 =	simm.s32 @!p0 $0x1C03  }
0x1e6: {  	[timem:s3], [sflag:s2] =	dma.local @!p0 [hbm:s0], s1  }
0x1e7: {  	s0 =	simm.s32 @!p0 $0x3  }
0x1e8: {  	_ =	swait.ge @!p0 [sflag:s0], s1  }
0x1e9: {  	s1 =	ssub.s32 @!p0 $0x0, s1;
	[sflag:s0] =	ssyncset.done @!p0 $0x0  }
0x1ea: {  	[sflag:s0] =	ssyncadd.s32 @!p0 s1  }
0x1eb: {  	[bflag:$0x3] =	sbarrier.arrive $0xFFFF  }
0x1ec: {  	_ =	shalt  }

</sc_bundles>
